<compile_context>
chip_gen: v7x
topology: tpu7x:2x2x1
jax: 0.10.2.dev20260603
libtpu: 0.0.44.dev20260713+nightly
codegen_flags: <defaults>
</compile_context>

<pallas_src>
import functools

import jax
import jax.numpy as jnp
from jax import lax
from jax.experimental import pallas as pl
from jax.experimental.pallas import tpu as pltpu
from jax.experimental.pallas import tpu_sc as plsc

NUM_EMB = 1_000_000
DIM = 16
BATCH = 16384
HIST = 50
N = BATCH * HIST

NC = 2
NS = 16
NW = NC * NS
N_PER_W = N // NW

SUB = 128
CHUNK = 1280
NSUB = CHUNK // SUB
NGROUP = CHUNK // 16
N_CHUNKS = N_PER_W // CHUNK


def _sc_body(x_hbm, y_hbm, w_hbm, out_hbm,
             xi0, xi1, yi0, yi1, xr0, xr1, yr0, yr1, o_v, sem, semi):
    wid = lax.axis_index("s") * NC + lax.axis_index("c")
    row0_w = wid * (N_PER_W // SUB)
    xi = (xi0, xi1)
    yi = (yi0, yi1)
    xr = (xr0, xr1)
    yr = (yr0, yr1)

    def stage_idx(c, par):
        row0 = row0_w + c * NSUB
        pltpu.async_copy(x_hbm.at[pl.ds(row0, NSUB)], xi[par], semi)
        pltpu.async_copy(y_hbm.at[pl.ds(row0, NSUB)], yi[par], semi)

    def drain_idx(par):
        pltpu.make_async_copy(x_hbm.at[pl.ds(0, NSUB)], xi[par], semi).wait()
        pltpu.make_async_copy(y_hbm.at[pl.ds(0, NSUB)], yi[par], semi).wait()

    def fire(par):
        for j in range(NSUB):
            pltpu.async_copy(
                w_hbm.at[xi[par].at[j]], xr[par].at[pl.ds(j * SUB, SUB)], sem)
            pltpu.async_copy(
                w_hbm.at[yi[par].at[j]], yr[par].at[pl.ds(j * SUB, SUB)], sem)

    def drain(par):
        pltpu.make_async_copy(w_hbm.at[pl.ds(0, CHUNK)], xr[par], sem).wait()
        pltpu.make_async_copy(w_hbm.at[pl.ds(0, CHUNK)], yr[par], sem).wait()

    def compute(c, par):
        base = (row0_w + c * NSUB) * SUB

        @plsc.parallel_loop(0, NGROUP, 1, unroll=2)
        def group_body(g):
            rows = g * 16 + lax.iota(jnp.int32, 16)
            acc = None
            for i in range(1, DIM):
                col = jnp.full((16,), i, jnp.int32)
                di = jnp.abs(plsc.load_gather(xr[par], [rows, col])
                             - plsc.load_gather(yr[par], [rows, col]))
                acc = di if acc is None else acc + di
            plsc.store_scatter(o_v, [rows], acc)
        pltpu.sync_copy(o_v, out_hbm.at[pl.ds(base, CHUNK)])

    stage_idx(0, 0)
    drain_idx(0)
    fire(0)
    stage_idx(1, 1)

    def pair_body(p, carry):
        for par in (0, 1):
            c = 2 * p + par
            drain(par)

            @pl.when(c + 1 < N_CHUNKS)
            def _():
                drain_idx(1 - par)
                fire(1 - par)

                @pl.when(c + 2 < N_CHUNKS)
                def _():
                    stage_idx(c + 2, par)

            compute(c, par)
        return carry

    lax.fori_loop(0, N_CHUNKS // 2, pair_body, 0, unroll=False)



GCOL = 4
GIDS = GCOL * 128
GNG = GIDS // 16
COLS_MAIN = 7808
COLS_PER_W = COLS_MAIN // NW
GNCH = COLS_PER_W // GCOL
TAIL0 = COLS_MAIN * 128
LAST_COL_IDS = NUM_EMB - 7812 * 128


def _g16(v):
    m = v[0]
    for u in v[1:]:
        m = jnp.maximum(m, u)
    e = [jnp.exp(u - m) for u in v]
    s = e[0]
    for u in e[1:]:
        s = s + u
    t4 = e[4] + e[13] + e[14] + e[15]
    t3 = e[3] + e[10] + e[11] + e[12]
    t2 = e[2] + e[7] + e[8] + e[9]
    t1 = e[1] + e[5] + e[6] + t4
    inv = 1.0 / s
    return [t * inv for t in
            [t1, t2, t3, t4] + e[5:]]


def _ga_body(wt_hbm, wtail_hbm, g_hbm, in0, in1, o0, o1, tail_v, tcol_v,
             semi, semo):
    wid = lax.axis_index("s") * NC + lax.axis_index("c")
    col_w = wid * COLS_PER_W
    inb = (in0, in1)
    ob = (o0, o1)
    lane16 = lax.iota(jnp.int32, 16) * 16

    def fire_in(ch, par):
        pltpu.async_copy(
            wt_hbm.at[pl.ds(0, DIM), pl.ds((col_w + ch * GCOL) * 128, GIDS)],
            inb[par], semi)

    def drain_in(par):
        pltpu.make_async_copy(
            wt_hbm.at[pl.ds(0, DIM), pl.ds(0, GIDS)], inb[par], semi).wait()

    def drain_out(par):
        pltpu.make_async_copy(
            g_hbm.at[pl.ds(0, GIDS * DIM)], ob[par], semo).wait()

    def compute_groups(src, dst, n_groups):
        @plsc.parallel_loop(0, n_groups, 1, unroll=2)
        def group_body(g):
            l0 = g * 16
            v = [src[d, pl.ds(l0, 16)] for d in range(DIM)]
            gv = _g16(v)
            addr0 = l0 * 16 + lane16
            for j in range(1, DIM):
                plsc.store_scatter(dst, [addr0 + j], gv[j - 1])

    fire_in(0, 0)

    def pair_body(p, carry):
        for par in (0, 1):
            ch = 2 * p + par

            @pl.when(ch < GNCH)
            def _():
                drain_in(par)

                @pl.when(ch + 1 < GNCH)
                def _():
                    fire_in(ch + 1, 1 - par)

                @pl.when(ch >= 2)
                def _():
                    drain_out(par)

                compute_groups(inb[par], ob[par], GNG)
                pltpu.async_copy(
                    ob[par],
                    g_hbm.at[pl.ds((col_w + ch * GCOL) * 2048, GIDS * DIM)],
                    semo)
        return carry

    lax.fori_loop(0, (GNCH + 1) // 2, pair_body, 0, unroll=False)
    drain_out(0)
    drain_out(1)

    @pl.when(wid < 4)
    def _():
        col = COLS_MAIN + wid
        pltpu.sync_copy(
            wt_hbm.at[pl.ds(0, DIM), pl.ds(col * 128, 128)], tcol_v)
        compute_groups(tcol_v, o0, 8)
        pltpu.sync_copy(o0.at[pl.ds(0, 2048)],
                        g_hbm.at[pl.ds(col * 2048, 2048)])

    @pl.when(wid == 4)
    def _():
        pltpu.sync_copy(wtail_hbm, tail_v)
        compute_groups(tail_v, o0, LAST_COL_IDS // 16)
        pltpu.sync_copy(o0.at[pl.ds(0, LAST_COL_IDS * DIM)],
                        g_hbm.at[pl.ds(7812 * 2048, LAST_COL_IDS * DIM)])


@jax.jit
def _build_gtable(wt, wtail):
    mesh = plsc.VectorSubcoreMesh(core_axis_name="c", subcore_axis_name="s")
    f = pl.kernel(
        _ga_body,
        mesh=mesh,
        out_type=jax.ShapeDtypeStruct((NUM_EMB * DIM,), jnp.float32),
        scratch_types=[
            pltpu.VMEM((DIM, GIDS), jnp.float32),
            pltpu.VMEM((DIM, GIDS), jnp.float32),
            pltpu.VMEM((GIDS * DIM,), jnp.float32),
            pltpu.VMEM((GIDS * DIM,), jnp.float32),
            pltpu.VMEM((DIM, LAST_COL_IDS), jnp.float32),
            pltpu.VMEM((DIM, 128), jnp.float32),
            pltpu.SemaphoreType.DMA,
            pltpu.SemaphoreType.DMA,
        ],
        compiler_params=pltpu.CompilerParams(
            needs_layout_passes=False, use_tc_tiling_on_sc=True),
    )
    return f(wt, wtail)


@jax.jit
def _poincare_sc(x2d, y2d, weight):
    mesh = plsc.VectorSubcoreMesh(core_axis_name="c", subcore_axis_name="s")
    f = pl.kernel(
        _sc_body,
        mesh=mesh,
        out_type=jax.ShapeDtypeStruct((N,), jnp.float32),
        scratch_types=[
            pltpu.VMEM((NSUB, SUB), jnp.int32),
            pltpu.VMEM((NSUB, SUB), jnp.int32),
            pltpu.VMEM((NSUB, SUB), jnp.int32),
            pltpu.VMEM((NSUB, SUB), jnp.int32),
            pltpu.VMEM((CHUNK, DIM), jnp.float32),
            pltpu.VMEM((CHUNK, DIM), jnp.float32),
            pltpu.VMEM((CHUNK, DIM), jnp.float32),
            pltpu.VMEM((CHUNK, DIM), jnp.float32),
            pltpu.VMEM((CHUNK,), jnp.float32),
            pltpu.SemaphoreType.DMA,
            pltpu.SemaphoreType.DMA,
        ],
        compiler_params=pltpu.CompilerParams(
            needs_layout_passes=False, use_tc_tiling_on_sc=False),
    )
    return f(x2d, y2d, weight)


def kernel(x, y, weight):
    x2d = x.T.reshape(N // SUB, SUB)
    y2d = y.T.reshape(N // SUB, SUB)
    wt = weight.T
    w_lin = _build_gtable(wt, wt[:, 7812 * 128:]).reshape(NUM_EMB, DIM)
    out = _poincare_sc(x2d, y2d, w_lin)
    return out.reshape(HIST, BATCH).T

# --- scband reference (transcript-rebuilt; emitter-appended) ---
"""Pipeline reference for scband-poincare-embedding-72138270704140 (READ-ONLY COPY).

The authoritative reference and input builder live on the scoring server;
editing this copy changes nothing except your own understanding.
"""

import jax, jax.numpy as jnp
import numpy as np

NUM_EMBEDDINGS = 1000000
EMBEDDING_DIM = 16
DEGREE = 3
BATCH = 16384
HIST = 50


def _my_ops_fwd(m, embeddim, d):
    # Sequential hierarchical accumulation: child column i adds into parent (i-1)//d.
    for i in range(embeddim - 1, 0, -1):
        m = m.at[..., (i - 1) // d].add(m[..., i])
    return m


def setup_inputs(seed: int = 0) -> dict:
    key = jax.random.key(seed)
    k1, k2, k3 = jax.random.split(key, 3)
    x = jax.random.randint(k1, (BATCH, HIST), 0, NUM_EMBEDDINGS, dtype=jnp.int64) if jax.config.jax_enable_x64 else jax.random.randint(k1, (BATCH, HIST), 0, NUM_EMBEDDINGS, dtype=jnp.int32)
    y = jax.random.randint(k2, (BATCH, HIST), 0, NUM_EMBEDDINGS, dtype=x.dtype)
    weight = jax.random.normal(k3, (NUM_EMBEDDINGS, EMBEDDING_DIM), dtype=jnp.float32)
    return {"x": x, "y": y, "weight": weight}


def reference(x, y, weight):
    # embedding lookup (gather) + softmax over embedding dim (axis=2)
    x_embprob = jax.nn.softmax(jnp.take(weight, x, axis=0), axis=2)
    x_sub = _my_ops_fwd(x_embprob, EMBEDDING_DIM, DEGREE)
    y_embprob = jax.nn.softmax(jnp.take(weight, y, axis=0), axis=2)
    y_sub = _my_ops_fwd(y_embprob, EMBEDDING_DIM, DEGREE)
    tree_dis = jnp.sum(jnp.abs(x_sub - y_sub), axis=2)  # L1 norm along dim 2
    return tree_dis

if __name__ == "__main__":
    import jax
    _d = setup_inputs()
    print(jax.jit(kernel)(*tuple(_d.values())))

</pallas_src>

<mosaic_0001>
#map = affine_map<(d0, d1) -> (0, 0)>
#map1 = affine_map<(d0, d1) -> (0)>
module attributes {stable_mosaic.version = 14 : i64} {
  func.func @_ga_body(%arg0: i32, %arg1: i32, %arg2: memref<16x1000000xf32, #tpu.memory_space<hbm>>, %arg3: memref<16x64xf32, #tpu.memory_space<hbm>>, %arg4: memref<16000000xf32, #tpu.memory_space<hbm>>, %arg5: memref<16x512xf32, #tpu.memory_space<vmem>>, %arg6: memref<16x512xf32, #tpu.memory_space<vmem>>, %arg7: memref<8192xf32, #tpu.memory_space<vmem>>, %arg8: memref<8192xf32, #tpu.memory_space<vmem>>, %arg9: memref<16x64xf32, #tpu.memory_space<vmem>>, %arg10: memref<16x128xf32, #tpu.memory_space<vmem>>, %arg11: memref<!tpu.dma_semaphore, #tpu.memory_space<semaphore_mem>>, %arg12: memref<!tpu.dma_semaphore, #tpu.memory_space<semaphore_mem>>) attributes {dimension_semantics = [#tpu.dimension_semantics<core_parallel>, #tpu.dimension_semantics<subcore_parallel>], iteration_bounds = array<i64: 2, 16>, scalar_prefetch = 0 : i64, scratch_operands = 8 : i64, tpu.core_type = #tpu.core_type<sc_vector_subcore>, window_params = [{transform_indices = #map}, {transform_indices = #map}, {transform_indices = #map1}]} {
    %mul3A = arith.constant 2 : i32
    %mul3A_0 = arith.muli %arg1, %mul3A : i32
    %add3A = arith.addi %mul3A_0, %arg0 : i32
    %mul3A_1 = arith.constant 244 : i32
    %mul3A_2 = arith.muli %add3A, %mul3A_1 : i32
    %iota3A = tpu.iota {dimensions = array<i32: 0>} : vector<16xi32>
    %mul3A_3 = arith.constant 16 : i32
    %mul3A_4 = vector.broadcast %mul3A_3 : i32 to vector<16xi32>
    %mul3A_5 = arith.muli %iota3A, %mul3A_4 : vector<16xi32>
    %add3A_6 = arith.constant 0 : i32
    %add3A_7 = arith.addi %mul3A_2, %add3A_6 : i32
    %mul3A_8 = arith.constant 128 : i32
    %mul3A_9 = arith.muli %add3A_7, %mul3A_8 : i32
    %dma_start3A = arith.constant 0 : i32
    %dma_start3A_10 = tpu.memref_slice %arg2[%dma_start3A, %mul3A_9] : memref<16x1000000xf32, #tpu.memory_space<hbm>> -> memref<16x512xf32, #tpu.memory_space<hbm>>
    %dma_start3A_11 = arith.constant 0 : i32
    %dma_start3A_12 = tpu.memref_slice %arg2[%dma_start3A_11, %mul3A_9] : memref<16x1000000xf32, #tpu.memory_space<hbm>> -> memref<16x512xf32, #tpu.memory_space<hbm>>
    tpu.enqueue_dma source(%dma_start3A_12 : memref<16x512xf32, #tpu.memory_space<hbm>>) target(%arg5 : memref<16x512xf32, #tpu.memory_space<vmem>>) target_semaphore(%arg11 : memref<!tpu.dma_semaphore, #tpu.memory_space<semaphore_mem>>)
    %scan3A = arith.constant 0 : i32
    %scan3A_13 = arith.constant 0 : i32
    %scan3A_14 = arith.constant 31 : i32
    %scan3A_15 = arith.addi %scan3A_13, %scan3A_14 : i32
    %scan3A_16 = arith.constant 1 : i32
    scf.for %scan3A_31 = %scan3A_13 to %scan3A_15 step %scan3A_16  : i32 {
      %mul3A_32 = arith.constant 2 : i32
      %mul3A_33 = arith.muli %mul3A_32, %scan3A_31 : i32
      %add3A_34 = arith.constant 0 : i32
      %add3A_35 = arith.addi %mul3A_33, %add3A_34 : i32
      %lt3A_36 = arith.constant 61 : i32
      %lt3A_37 = arith.cmpi slt, %add3A_35, %lt3A_36 : i32
      %convert_element_type3A_38 = arith.extui %lt3A_37 : i1 to i32
      %cond3A_39 = arith.constant 0 : i32
      %cond3A_40 = arith.cmpi ne, %convert_element_type3A_38, %cond3A_39 : i32
      scf.if %cond3A_40 {
        %dma_wait3A_50 = arith.constant 0 : i32
        %dma_wait3A_51 = arith.constant 0 : i32
        %dma_wait3A_52 = tpu.memref_slice %arg2[%dma_wait3A_50, %dma_wait3A_51] : memref<16x1000000xf32, #tpu.memory_space<hbm>> -> memref<16x512xf32, #tpu.memory_space<hbm>>
        %dma_wait3A_53 = arith.constant 0 : i32
        %dma_wait3A_54 = arith.constant 0 : i32
        %dma_wait3A_55 = tpu.memref_slice %arg2[%dma_wait3A_53, %dma_wait3A_54] : memref<16x1000000xf32, #tpu.memory_space<hbm>> -> memref<16x512xf32, #tpu.memory_space<hbm>>
        tpu.wait_dma2 semaphore(%arg11 : memref<!tpu.dma_semaphore, #tpu.memory_space<semaphore_mem>>) src(%dma_wait3A_55 : memref<16x512xf32, #tpu.memory_space<hbm>>) dst(%arg5 : memref<16x512xf32, #tpu.memory_space<vmem>>)
        %add3A_56 = arith.constant 1 : i32
        %add3A_57 = arith.addi %add3A_35, %add3A_56 : i32
        %lt3A_58 = arith.constant 61 : i32
        %lt3A_59 = arith.cmpi slt, %add3A_57, %lt3A_58 : i32
        %convert_element_type3A_60 = arith.extui %lt3A_59 : i1 to i32
        %cond3A_61 = arith.constant 0 : i32
        %cond3A_62 = arith.cmpi ne, %convert_element_type3A_60, %cond3A_61 : i32
        scf.if %cond3A_62 {
          %add3A_76 = arith.constant 1 : i32
          %add3A_77 = arith.addi %add3A_35, %add3A_76 : i32
          %mul3A_78 = arith.constant 4 : i32
          %mul3A_79 = arith.muli %add3A_77, %mul3A_78 : i32
          %add3A_80 = arith.addi %mul3A_2, %mul3A_79 : i32
          %mul3A_81 = arith.constant 128 : i32
          %mul3A_82 = arith.muli %add3A_80, %mul3A_81 : i32
          %dma_start3A_83 = arith.constant 0 : i32
          %dma_start3A_84 = tpu.memref_slice %arg2[%dma_start3A_83, %mul3A_82] : memref<16x1000000xf32, #tpu.memory_space<hbm>> -> memref<16x512xf32, #tpu.memory_space<hbm>>
          %dma_start3A_85 = arith.constant 0 : i32
          %dma_start3A_86 = tpu.memref_slice %arg2[%dma_start3A_85, %mul3A_82] : memref<16x1000000xf32, #tpu.memory_space<hbm>> -> memref<16x512xf32, #tpu.memory_space<hbm>>
          tpu.enqueue_dma source(%dma_start3A_86 : memref<16x512xf32, #tpu.memory_space<hbm>>) target(%arg6 : memref<16x512xf32, #tpu.memory_space<vmem>>) target_semaphore(%arg11 : memref<!tpu.dma_semaphore, #tpu.memory_space<semaphore_mem>>)
        } else {
        }
        %ge3A = arith.constant 2 : i32
        %ge3A_63 = arith.cmpi sge, %add3A_35, %ge3A : i32
        %convert_element_type3A_64 = arith.extui %ge3A_63 : i1 to i32
        %cond3A_65 = arith.constant 0 : i32
        %cond3A_66 = arith.cmpi ne, %convert_element_type3A_64, %cond3A_65 : i32
        scf.if %cond3A_66 {
          %dma_wait3A_76 = arith.constant 0 : i32
          %dma_wait3A_77 = tpu.memref_slice %arg4[%dma_wait3A_76] : memref<16000000xf32, #tpu.memory_space<hbm>> -> memref<8192xf32, #tpu.memory_space<hbm>>
          %dma_wait3A_78 = arith.constant 0 : i32
          %dma_wait3A_79 = tpu.memref_slice %arg4[%dma_wait3A_78] : memref<16000000xf32, #tpu.memory_space<hbm>> -> memref<8192xf32, #tpu.memory_space<hbm>>
          tpu.wait_dma2 semaphore(%arg12 : memref<!tpu.dma_semaphore, #tpu.memory_space<semaphore_mem>>) src(%dma_wait3A_79 : memref<8192xf32, #tpu.memory_space<hbm>>) dst(%arg7 : memref<8192xf32, #tpu.memory_space<vmem>>)
        } else {
        }
        %parallel_loop3A = arith.constant 0 : i32
        %parallel_loop3A_67 = arith.constant 32 : i32
        %parallel_loop3A_68 = arith.constant 1 : i32
        scf.for %parallel_loop3A_76 = %parallel_loop3A to %parallel_loop3A_67 step %parallel_loop3A_68  : i32 {
          %parallel_loop3A_77 = arith.constant 16 : i32
          %parallel_loop3A_78 = arith.muli %parallel_loop3A_76, %parallel_loop3A_77 : i32
          %parallel_loop3A_79 = arith.constant 0 : i32
          %parallel_loop3A_80 = arith.index_cast %parallel_loop3A_79 : i32 to index
          %parallel_loop3A_81 = arith.index_cast %parallel_loop3A_78 : i32 to index
          %parallel_loop3A_82 = tpu.vector_load %arg5[%parallel_loop3A_80, %parallel_loop3A_81] {strides = array<i32>} : memref<16x512xf32, #tpu.memory_space<vmem>>, vector<16xf32>,
          %parallel_loop3A_83 = arith.constant 1 : i32
          %parallel_loop3A_84 = arith.index_cast %parallel_loop3A_83 : i32 to index
          %parallel_loop3A_85 = arith.index_cast %parallel_loop3A_78 : i32 to index
          %parallel_loop3A_86 = tpu.vector_load %arg5[%parallel_loop3A_84, %parallel_loop3A_85] {strides = array<i32>} : memref<16x512xf32, #tpu.memory_space<vmem>>, vector<16xf32>,
          %parallel_loop3A_87 = arith.constant 2 : i32
          %parallel_loop3A_88 = arith.index_cast %parallel_loop3A_87 : i32 to index
          %parallel_loop3A_89 = arith.index_cast %parallel_loop3A_78 : i32 to index
          %parallel_loop3A_90 = tpu.vector_load %arg5[%parallel_loop3A_88, %parallel_loop3A_89] {strides = array<i32>} : memref<16x512xf32, #tpu.memory_space<vmem>>, vector<16xf32>,
          %parallel_loop3A_91 = arith.constant 3 : i32
          %parallel_loop3A_92 = arith.index_cast %parallel_loop3A_91 : i32 to index
          %parallel_loop3A_93 = arith.index_cast %parallel_loop3A_78 : i32 to index
          %parallel_loop3A_94 = tpu.vector_load %arg5[%parallel_loop3A_92, %parallel_loop3A_93] {strides = array<i32>} : memref<16x512xf32, #tpu.memory_space<vmem>>, vector<16xf32>,
          %parallel_loop3A_95 = arith.constant 4 : i32
          %parallel_loop3A_96 = arith.index_cast %parallel_loop3A_95 : i32 to index
          %parallel_loop3A_97 = arith.index_cast %parallel_loop3A_78 : i32 to index
          %parallel_loop3A_98 = tpu.vector_load %arg5[%parallel_loop3A_96, %parallel_loop3A_97] {strides = array<i32>} : memref<16x512xf32, #tpu.memory_space<vmem>>, vector<16xf32>,
          %parallel_loop3A_99 = arith.constant 5 : i32
          %parallel_loop3A_100 = arith.index_cast %parallel_loop3A_99 : i32 to index
          %parallel_loop3A_101 = arith.index_cast %parallel_loop3A_78 : i32 to index
          %parallel_loop3A_102 = tpu.vector_load %arg5[%parallel_loop3A_100, %parallel_loop3A_101] {strides = array<i32>} : memref<16x512xf32, #tpu.memory_space<vmem>>, vector<16xf32>,
          %parallel_loop3A_103 = arith.constant 6 : i32
          %parallel_loop3A_104 = arith.index_cast %parallel_loop3A_103 : i32 to index
          %parallel_loop3A_105 = arith.index_cast %parallel_loop3A_78 : i32 to index
          %parallel_loop3A_106 = tpu.vector_load %arg5[%parallel_loop3A_104, %parallel_loop3A_105] {strides = array<i32>} : memref<16x512xf32, #tpu.memory_space<vmem>>, vector<16xf32>,
          %parallel_loop3A_107 = arith.constant 7 : i32
          %parallel_loop3A_108 = arith.index_cast %parallel_loop3A_107 : i32 to index
          %parallel_loop3A_109 = arith.index_cast %parallel_loop3A_78 : i32 to index
          %parallel_loop3A_110 = tpu.vector_load %arg5[%parallel_loop3A_108, %parallel_loop3A_109] {strides = array<i32>} : memref<16x512xf32, #tpu.memory_space<vmem>>, vector<16xf32>,
          %parallel_loop3A_111 = arith.constant 8 : i32
          %parallel_loop3A_112 = arith.index_cast %parallel_loop3A_111 : i32 to index
          %parallel_loop3A_113 = arith.index_cast %parallel_loop3A_78 : i32 to index
          %parallel_loop3A_114 = tpu.vector_load %arg5[%parallel_loop3A_112, %parallel_loop3A_113] {strides = array<i32>} : memref<16x512xf32, #tpu.memory_space<vmem>>, vector<16xf32>,
          %parallel_loop3A_115 = arith.constant 9 : i32
          %parallel_loop3A_116 = arith.index_cast %parallel_loop3A_115 : i32 to index
          %parallel_loop3A_117 = arith.index_cast %parallel_loop3A_78 : i32 to index
          %parallel_loop3A_118 = tpu.vector_load %arg5[%parallel_loop3A_116, %parallel_loop3A_117] {strides = array<i32>} : memref<16x512xf32, #tpu.memory_space<vmem>>, vector<16xf32>,
          %parallel_loop3A_119 = arith.constant 10 : i32
          %parallel_loop3A_120 = arith.index_cast %parallel_loop3A_119 : i32 to index
          %parallel_loop3A_121 = arith.index_cast %parallel_loop3A_78 : i32 to index
          %parallel_loop3A_122 = tpu.vector_load %arg5[%parallel_loop3A_120, %parallel_loop3A_121] {strides = array<i32>} : memref<16x512xf32, #tpu.memory_space<vmem>>, vector<16xf32>,
          %parallel_loop3A_123 = arith.constant 11 : i32
          %parallel_loop3A_124 = arith.index_cast %parallel_loop3A_123 : i32 to index
          %parallel_loop3A_125 = arith.index_cast %parallel_loop3A_78 : i32 to index
          %parallel_loop3A_126 = tpu.vector_load %arg5[%parallel_loop3A_124, %parallel_loop3A_125] {strides = array<i32>} : memref<16x512xf32, #tpu.memory_space<vmem>>, vector<16xf32>,
          %parallel_loop3A_127 = arith.constant 12 : i32
          %parallel_loop3A_128 = arith.index_cast %parallel_loop3A_127 : i32 to index
          %parallel_loop3A_129 = arith.index_cast %parallel_loop3A_78 : i32 to index
          %parallel_loop3A_130 = tpu.vector_load %arg5[%parallel_loop3A_128, %parallel_loop3A_129] {strides = array<i32>} : memref<16x512xf32, #tpu.memory_space<vmem>>, vector<16xf32>,
          %parallel_loop3A_131 = arith.constant 13 : i32
          %parallel_loop3A_132 = arith.index_cast %parallel_loop3A_131 : i32 to index
          %parallel_loop3A_133 = arith.index_cast %parallel_loop3A_78 : i32 to index
          %parallel_loop3A_134 = tpu.vector_load %arg5[%parallel_loop3A_132, %parallel_loop3A_133] {strides = array<i32>} : memref<16x512xf32, #tpu.memory_space<vmem>>, vector<16xf32>,
          %parallel_loop3A_135 = arith.constant 14 : i32
          %parallel_loop3A_136 = arith.index_cast %parallel_loop3A_135 : i32 to index
          %parallel_loop3A_137 = arith.index_cast %parallel_loop3A_78 : i32 to index
          %parallel_loop3A_138 = tpu.vector_load %arg5[%parallel_loop3A_136, %parallel_loop3A_137] {strides = array<i32>} : memref<16x512xf32, #tpu.memory_space<vmem>>, vector<16xf32>,
          %parallel_loop3A_139 = arith.constant 15 : i32
          %parallel_loop3A_140 = arith.index_cast %parallel_loop3A_139 : i32 to index
          %parallel_loop3A_141 = arith.index_cast %parallel_loop3A_78 : i32 to index
          %parallel_loop3A_142 = tpu.vector_load %arg5[%parallel_loop3A_140, %parallel_loop3A_141] {strides = array<i32>} : memref<16x512xf32, #tpu.memory_space<vmem>>, vector<16xf32>,
          %parallel_loop3A_143 = arith.maximumf %parallel_loop3A_82, %parallel_loop3A_86 : vector<16xf32>
          %parallel_loop3A_144 = arith.maximumf %parallel_loop3A_143, %parallel_loop3A_90 : vector<16xf32>
          %parallel_loop3A_145 = arith.maximumf %parallel_loop3A_144, %parallel_loop3A_94 : vector<16xf32>
          %parallel_loop3A_146 = arith.maximumf %parallel_loop3A_145, %parallel_loop3A_98 : vector<16xf32>
          %parallel_loop3A_147 = arith.maximumf %parallel_loop3A_146, %parallel_loop3A_102 : vector<16xf32>
          %parallel_loop3A_148 = arith.maximumf %parallel_loop3A_147, %parallel_loop3A_106 : vector<16xf32>
          %parallel_loop3A_149 = arith.maximumf %parallel_loop3A_148, %parallel_loop3A_110 : vector<16xf32>
          %parallel_loop3A_150 = arith.maximumf %parallel_loop3A_149, %parallel_loop3A_114 : vector<16xf32>
          %parallel_loop3A_151 = arith.maximumf %parallel_loop3A_150, %parallel_loop3A_118 : vector<16xf32>
          %parallel_loop3A_152 = arith.maximumf %parallel_loop3A_151, %parallel_loop3A_122 : vector<16xf32>
          %parallel_loop3A_153 = arith.maximumf %parallel_loop3A_152, %parallel_loop3A_126 : vector<16xf32>
          %parallel_loop3A_154 = arith.maximumf %parallel_loop3A_153, %parallel_loop3A_130 : vector<16xf32>
          %parallel_loop3A_155 = arith.maximumf %parallel_loop3A_154, %parallel_loop3A_134 : vector<16xf32>
          %parallel_loop3A_156 = arith.maximumf %parallel_loop3A_155, %parallel_loop3A_138 : vector<16xf32>
          %parallel_loop3A_157 = arith.maximumf %parallel_loop3A_156, %parallel_loop3A_142 : vector<16xf32>
          %parallel_loop3A_158 = arith.subf %parallel_loop3A_82, %parallel_loop3A_157 : vector<16xf32>
          %parallel_loop3A_159 = math.exp %parallel_loop3A_158 : vector<16xf32>
          %parallel_loop3A_160 = arith.subf %parallel_loop3A_86, %parallel_loop3A_157 : vector<16xf32>
          %parallel_loop3A_161 = math.exp %parallel_loop3A_160 : vector<16xf32>
          %parallel_loop3A_162 = arith.subf %parallel_loop3A_90, %parallel_loop3A_157 : vector<16xf32>
          %parallel_loop3A_163 = math.exp %parallel_loop3A_162 : vector<16xf32>
          %parallel_loop3A_164 = arith.subf %parallel_loop3A_94, %parallel_loop3A_157 : vector<16xf32>
          %parallel_loop3A_165 = math.exp %parallel_loop3A_164 : vector<16xf32>
          %parallel_loop3A_166 = arith.subf %parallel_loop3A_98, %parallel_loop3A_157 : vector<16xf32>
          %parallel_loop3A_167 = math.exp %parallel_loop3A_166 : vector<16xf32>
          %parallel_loop3A_168 = arith.subf %parallel_loop3A_102, %parallel_loop3A_157 : vector<16xf32>
          %parallel_loop3A_169 = math.exp %parallel_loop3A_168 : vector<16xf32>
          %parallel_loop3A_170 = arith.subf %parallel_loop3A_106, %parallel_loop3A_157 : vector<16xf32>
          %parallel_loop3A_171 = math.exp %parallel_loop3A_170 : vector<16xf32>
          %parallel_loop3A_172 = arith.subf %parallel_loop3A_110, %parallel_loop3A_157 : vector<16xf32>
          %parallel_loop3A_173 = math.exp %parallel_loop3A_172 : vector<16xf32>
          %parallel_loop3A_174 = arith.subf %parallel_loop3A_114, %parallel_loop3A_157 : vector<16xf32>
          %parallel_loop3A_175 = math.exp %parallel_loop3A_174 : vector<16xf32>
          %parallel_loop3A_176 = arith.subf %parallel_loop3A_118, %parallel_loop3A_157 : vector<16xf32>
          %parallel_loop3A_177 = math.exp %parallel_loop3A_176 : vector<16xf32>
          %parallel_loop3A_178 = arith.subf %parallel_loop3A_122, %parallel_loop3A_157 : vector<16xf32>
          %parallel_loop3A_179 = math.exp %parallel_loop3A_178 : vector<16xf32>
          %parallel_loop3A_180 = arith.subf %parallel_loop3A_126, %parallel_loop3A_157 : vector<16xf32>
          %parallel_loop3A_181 = math.exp %parallel_loop3A_180 : vector<16xf32>
          %parallel_loop3A_182 = arith.subf %parallel_loop3A_130, %parallel_loop3A_157 : vector<16xf32>
          %parallel_loop3A_183 = math.exp %parallel_loop3A_182 : vector<16xf32>
          %parallel_loop3A_184 = arith.subf %parallel_loop3A_134, %parallel_loop3A_157 : vector<16xf32>
          %parallel_loop3A_185 = math.exp %parallel_loop3A_184 : vector<16xf32>
          %parallel_loop3A_186 = arith.subf %parallel_loop3A_138, %parallel_loop3A_157 : vector<16xf32>
          %parallel_loop3A_187 = math.exp %parallel_loop3A_186 : vector<16xf32>
          %parallel_loop3A_188 = arith.subf %parallel_loop3A_142, %parallel_loop3A_157 : vector<16xf32>
          %parallel_loop3A_189 = math.exp %parallel_loop3A_188 : vector<16xf32>
          %parallel_loop3A_190 = arith.addf %parallel_loop3A_159, %parallel_loop3A_161 : vector<16xf32>
          %parallel_loop3A_191 = arith.addf %parallel_loop3A_190, %parallel_loop3A_163 : vector<16xf32>
          %parallel_loop3A_192 = arith.addf %parallel_loop3A_191, %parallel_loop3A_165 : vector<16xf32>
          %parallel_loop3A_193 = arith.addf %parallel_loop3A_192, %parallel_loop3A_167 : vector<16xf32>
          %parallel_loop3A_194 = arith.addf %parallel_loop3A_193, %parallel_loop3A_169 : vector<16xf32>
          %parallel_loop3A_195 = arith.addf %parallel_loop3A_194, %parallel_loop3A_171 : vector<16xf32>
          %parallel_loop3A_196 = arith.addf %parallel_loop3A_195, %parallel_loop3A_173 : vector<16xf32>
          %parallel_loop3A_197 = arith.addf %parallel_loop3A_196, %parallel_loop3A_175 : vector<16xf32>
          %parallel_loop3A_198 = arith.addf %parallel_loop3A_197, %parallel_loop3A_177 : vector<16xf32>
          %parallel_loop3A_199 = arith.addf %parallel_loop3A_198, %parallel_loop3A_179 : vector<16xf32>
          %parallel_loop3A_200 = arith.addf %parallel_loop3A_199, %parallel_loop3A_181 : vector<16xf32>
          %parallel_loop3A_201 = arith.addf %parallel_loop3A_200, %parallel_loop3A_183 : vector<16xf32>
          %parallel_loop3A_202 = arith.addf %parallel_loop3A_201, %parallel_loop3A_185 : vector<16xf32>
          %parallel_loop3A_203 = arith.addf %parallel_loop3A_202, %parallel_loop3A_187 : vector<16xf32>
          %parallel_loop3A_204 = arith.addf %parallel_loop3A_203, %parallel_loop3A_189 : vector<16xf32>
          %parallel_loop3A_205 = arith.addf %parallel_loop3A_167, %parallel_loop3A_185 : vector<16xf32>
          %parallel_loop3A_206 = arith.addf %parallel_loop3A_205, %parallel_loop3A_187 : vector<16xf32>
          %parallel_loop3A_207 = arith.addf %parallel_loop3A_206, %parallel_loop3A_189 : vector<16xf32>
          %parallel_loop3A_208 = arith.addf %parallel_loop3A_165, %parallel_loop3A_179 : vector<16xf32>
          %parallel_loop3A_209 = arith.addf %parallel_loop3A_208, %parallel_loop3A_181 : vector<16xf32>
          %parallel_loop3A_210 = arith.addf %parallel_loop3A_209, %parallel_loop3A_183 : vector<16xf32>
          %parallel_loop3A_211 = arith.addf %parallel_loop3A_163, %parallel_loop3A_173 : vector<16xf32>
          %parallel_loop3A_212 = arith.addf %parallel_loop3A_211, %parallel_loop3A_175 : vector<16xf32>
          %parallel_loop3A_213 = arith.addf %parallel_loop3A_212, %parallel_loop3A_177 : vector<16xf32>
          %parallel_loop3A_214 = arith.addf %parallel_loop3A_161, %parallel_loop3A_169 : vector<16xf32>
          %parallel_loop3A_215 = arith.addf %parallel_loop3A_214, %parallel_loop3A_171 : vector<16xf32>
          %parallel_loop3A_216 = arith.addf %parallel_loop3A_215, %parallel_loop3A_207 : vector<16xf32>
          %parallel_loop3A_217 = arith.constant 1.000000e+00 : f32
          %parallel_loop3A_218 = vector.broadcast %parallel_loop3A_217 : f32 to vector<16xf32>
          %parallel_loop3A_219 = arith.divf %parallel_loop3A_218, %parallel_loop3A_204 : vector<16xf32>
          %parallel_loop3A_220 = arith.mulf %parallel_loop3A_216, %parallel_loop3A_219 : vector<16xf32>
          %parallel_loop3A_221 = arith.mulf %parallel_loop3A_213, %parallel_loop3A_219 : vector<16xf32>
          %parallel_loop3A_222 = arith.mulf %parallel_loop3A_210, %parallel_loop3A_219 : vector<16xf32>
          %parallel_loop3A_223 = arith.mulf %parallel_loop3A_207, %parallel_loop3A_219 : vector<16xf32>
          %parallel_loop3A_224 = arith.mulf %parallel_loop3A_169, %parallel_loop3A_219 : vector<16xf32>
          %parallel_loop3A_225 = arith.mulf %parallel_loop3A_171, %parallel_loop3A_219 : vector<16xf32>
          %parallel_loop3A_226 = arith.mulf %parallel_loop3A_173, %parallel_loop3A_219 : vector<16xf32>
          %parallel_loop3A_227 = arith.mulf %parallel_loop3A_175, %parallel_loop3A_219 : vector<16xf32>
          %parallel_loop3A_228 = arith.mulf %parallel_loop3A_177, %parallel_loop3A_219 : vector<16xf32>
          %parallel_loop3A_229 = arith.mulf %parallel_loop3A_179, %parallel_loop3A_219 : vector<16xf32>
          %parallel_loop3A_230 = arith.mulf %parallel_loop3A_181, %parallel_loop3A_219 : vector<16xf32>
          %parallel_loop3A_231 = arith.mulf %parallel_loop3A_183, %parallel_loop3A_219 : vector<16xf32>
          %parallel_loop3A_232 = arith.mulf %parallel_loop3A_185, %parallel_loop3A_219 : vector<16xf32>
          %parallel_loop3A_233 = arith.mulf %parallel_loop3A_187, %parallel_loop3A_219 : vector<16xf32>
          %parallel_loop3A_234 = arith.mulf %parallel_loop3A_189, %parallel_loop3A_219 : vector<16xf32>
          %parallel_loop3A_235 = arith.constant 16 : i32
          %parallel_loop3A_236 = arith.muli %parallel_loop3A_78, %parallel_loop3A_235 : i32
          %parallel_loop3A_237 = vector.broadcast %parallel_loop3A_236 : i32 to vector<16xi32>
          %parallel_loop3A_238 = arith.addi %parallel_loop3A_237, %mul3A_5 : vector<16xi32>
          %parallel_loop3A_239 = arith.constant 1 : i32
          %parallel_loop3A_240 = vector.broadcast %parallel_loop3A_239 : i32 to vector<16xi32>
          %parallel_loop3A_241 = arith.addi %parallel_loop3A_238, %parallel_loop3A_240 : vector<16xi32>
          tpu.vector_store_idx %arg7[%parallel_loop3A_241], %parallel_loop3A_220 : memref<8192xf32, #tpu.memory_space<vmem>>[vector<16xi32>], vector<16xf32>,
          %parallel_loop3A_242 = arith.constant 2 : i32
          %parallel_loop3A_243 = vector.broadcast %parallel_loop3A_242 : i32 to vector<16xi32>
          %parallel_loop3A_244 = arith.addi %parallel_loop3A_238, %parallel_loop3A_243 : vector<16xi32>
          tpu.vector_store_idx %arg7[%parallel_loop3A_244], %parallel_loop3A_221 : memref<8192xf32, #tpu.memory_space<vmem>>[vector<16xi32>], vector<16xf32>,
          %parallel_loop3A_245 = arith.constant 3 : i32
          %parallel_loop3A_246 = vector.broadcast %parallel_loop3A_245 : i32 to vector<16xi32>
          %parallel_loop3A_247 = arith.addi %parallel_loop3A_238, %parallel_loop3A_246 : vector<16xi32>
          tpu.vector_store_idx %arg7[%parallel_loop3A_247], %parallel_loop3A_222 : memref<8192xf32, #tpu.memory_space<vmem>>[vector<16xi32>], vector<16xf32>,
          %parallel_loop3A_248 = arith.constant 4 : i32
          %parallel_loop3A_249 = vector.broadcast %parallel_loop3A_248 : i32 to vector<16xi32>
          %parallel_loop3A_250 = arith.addi %parallel_loop3A_238, %parallel_loop3A_249 : vector<16xi32>
          tpu.vector_store_idx %arg7[%parallel_loop3A_250], %parallel_loop3A_223 : memref<8192xf32, #tpu.memory_space<vmem>>[vector<16xi32>], vector<16xf32>,
          %parallel_loop3A_251 = arith.constant 5 : i32
          %parallel_loop3A_252 = vector.broadcast %parallel_loop3A_251 : i32 to vector<16xi32>
          %parallel_loop3A_253 = arith.addi %parallel_loop3A_238, %parallel_loop3A_252 : vector<16xi32>
          tpu.vector_store_idx %arg7[%parallel_loop3A_253], %parallel_loop3A_224 : memref<8192xf32, #tpu.memory_space<vmem>>[vector<16xi32>], vector<16xf32>,
          %parallel_loop3A_254 = arith.constant 6 : i32
          %parallel_loop3A_255 = vector.broadcast %parallel_loop3A_254 : i32 to vector<16xi32>
          %parallel_loop3A_256 = arith.addi %parallel_loop3A_238, %parallel_loop3A_255 : vector<16xi32>
          tpu.vector_store_idx %arg7[%parallel_loop3A_256], %parallel_loop3A_225 : memref<8192xf32, #tpu.memory_space<vmem>>[vector<16xi32>], vector<16xf32>,
          %parallel_loop3A_257 = arith.constant 7 : i32
          %parallel_loop3A_258 = vector.broadcast %parallel_loop3A_257 : i32 to vector<16xi32>
          %parallel_loop3A_259 = arith.addi %parallel_loop3A_238, %parallel_loop3A_258 : vector<16xi32>
          tpu.vector_store_idx %arg7[%parallel_loop3A_259], %parallel_loop3A_226 : memref<8192xf32, #tpu.memory_space<vmem>>[vector<16xi32>], vector<16xf32>,
          %parallel_loop3A_260 = arith.constant 8 : i32
          %parallel_loop3A_261 = vector.broadcast %parallel_loop3A_260 : i32 to vector<16xi32>
          %parallel_loop3A_262 = arith.addi %parallel_loop3A_238, %parallel_loop3A_261 : vector<16xi32>
          tpu.vector_store_idx %arg7[%parallel_loop3A_262], %parallel_loop3A_227 : memref<8192xf32, #tpu.memory_space<vmem>>[vector<16xi32>], vector<16xf32>,
          %parallel_loop3A_263 = arith.constant 9 : i32
          %parallel_loop3A_264 = vector.broadcast %parallel_loop3A_263 : i32 to vector<16xi32>
          %parallel_loop3A_265 = arith.addi %parallel_loop3A_238, %parallel_loop3A_264 : vector<16xi32>
          tpu.vector_store_idx %arg7[%parallel_loop3A_265], %parallel_loop3A_228 : memref<8192xf32, #tpu.memory_space<vmem>>[vector<16xi32>], vector<16xf32>,
          %parallel_loop3A_266 = arith.constant 10 : i32
          %parallel_loop3A_267 = vector.broadcast %parallel_loop3A_266 : i32 to vector<16xi32>
          %parallel_loop3A_268 = arith.addi %parallel_loop3A_238, %parallel_loop3A_267 : vector<16xi32>
          tpu.vector_store_idx %arg7[%parallel_loop3A_268], %parallel_loop3A_229 : memref<8192xf32, #tpu.memory_space<vmem>>[vector<16xi32>], vector<16xf32>,
          %parallel_loop3A_269 = arith.constant 11 : i32
          %parallel_loop3A_270 = vector.broadcast %parallel_loop3A_269 : i32 to vector<16xi32>
          %parallel_loop3A_271 = arith.addi %parallel_loop3A_238, %parallel_loop3A_270 : vector<16xi32>
          tpu.vector_store_idx %arg7[%parallel_loop3A_271], %parallel_loop3A_230 : memref<8192xf32, #tpu.memory_space<vmem>>[vector<16xi32>], vector<16xf32>,
          %parallel_loop3A_272 = arith.constant 12 : i32
          %parallel_loop3A_273 = vector.broadcast %parallel_loop3A_272 : i32 to vector<16xi32>
          %parallel_loop3A_274 = arith.addi %parallel_loop3A_238, %parallel_loop3A_273 : vector<16xi32>
          tpu.vector_store_idx %arg7[%parallel_loop3A_274], %parallel_loop3A_231 : memref<8192xf32, #tpu.memory_space<vmem>>[vector<16xi32>], vector<16xf32>,
          %parallel_loop3A_275 = arith.constant 13 : i32
          %parallel_loop3A_276 = vector.broadcast %parallel_loop3A_275 : i32 to vector<16xi32>
          %parallel_loop3A_277 = arith.addi %parallel_loop3A_238, %parallel_loop3A_276 : vector<16xi32>
          tpu.vector_store_idx %arg7[%parallel_loop3A_277], %parallel_loop3A_232 : memref<8192xf32, #tpu.memory_space<vmem>>[vector<16xi32>], vector<16xf32>,
          %parallel_loop3A_278 = arith.constant 14 : i32
          %parallel_loop3A_279 = vector.broadcast %parallel_loop3A_278 : i32 to vector<16xi32>
          %parallel_loop3A_280 = arith.addi %parallel_loop3A_238, %parallel_loop3A_279 : vector<16xi32>
          tpu.vector_store_idx %arg7[%parallel_loop3A_280], %parallel_loop3A_233 : memref<8192xf32, #tpu.memory_space<vmem>>[vector<16xi32>], vector<16xf32>,
          %parallel_loop3A_281 = arith.constant 15 : i32
          %parallel_loop3A_282 = vector.broadcast %parallel_loop3A_281 : i32 to vector<16xi32>
          %parallel_loop3A_283 = arith.addi %parallel_loop3A_238, %parallel_loop3A_282 : vector<16xi32>
          tpu.vector_store_idx %arg7[%parallel_loop3A_283], %parallel_loop3A_234 : memref<8192xf32, #tpu.memory_space<vmem>>[vector<16xi32>], vector<16xf32>,
        } {sc.loop_unroll_factor = 2 : i64, sc.parallel_access}
        %mul3A_69 = arith.constant 4 : i32
        %mul3A_70 = arith.muli %add3A_35, %mul3A_69 : i32
        %add3A_71 = arith.addi %mul3A_2, %mul3A_70 : i32
        %mul3A_72 = arith.constant 2048 : i32
        %mul3A_73 = arith.muli %add3A_71, %mul3A_72 : i32
        %dma_start3A_74 = tpu.memref_slice %arg4[%mul3A_73] : memref<16000000xf32, #tpu.memory_space<hbm>> -> memref<8192xf32, #tpu.memory_space<hbm>>
        %dma_start3A_75 = tpu.memref_slice %arg4[%mul3A_73] : memref<16000000xf32, #tpu.memory_space<hbm>> -> memref<8192xf32, #tpu.memory_space<hbm>>
        tpu.enqueue_dma source(%arg7 : memref<8192xf32, #tpu.memory_space<vmem>>) target(%dma_start3A_75 : memref<8192xf32, #tpu.memory_space<hbm>>) target_semaphore(%arg12 : memref<!tpu.dma_semaphore, #tpu.memory_space<semaphore_mem>>)
      } else {
      }
      %mul3A_41 = arith.constant 2 : i32
      %mul3A_42 = arith.muli %mul3A_41, %scan3A_31 : i32
      %add3A_43 = arith.constant 1 : i32
      %add3A_44 = arith.addi %mul3A_42, %add3A_43 : i32
      %lt3A_45 = arith.constant 61 : i32
      %lt3A_46 = arith.cmpi slt, %add3A_44, %lt3A_45 : i32
      %convert_element_type3A_47 = arith.extui %lt3A_46 : i1 to i32
      %cond3A_48 = arith.constant 0 : i32
      %cond3A_49 = arith.cmpi ne, %convert_element_type3A_47, %cond3A_48 : i32
      scf.if %cond3A_49 {
        %dma_wait3A_50 = arith.constant 0 : i32
        %dma_wait3A_51 = arith.constant 0 : i32
        %dma_wait3A_52 = tpu.memref_slice %arg2[%dma_wait3A_50, %dma_wait3A_51] : memref<16x1000000xf32, #tpu.memory_space<hbm>> -> memref<16x512xf32, #tpu.memory_space<hbm>>
        %dma_wait3A_53 = arith.constant 0 : i32
        %dma_wait3A_54 = arith.constant 0 : i32
        %dma_wait3A_55 = tpu.memref_slice %arg2[%dma_wait3A_53, %dma_wait3A_54] : memref<16x1000000xf32, #tpu.memory_space<hbm>> -> memref<16x512xf32, #tpu.memory_space<hbm>>
        tpu.wait_dma2 semaphore(%arg11 : memref<!tpu.dma_semaphore, #tpu.memory_space<semaphore_mem>>) src(%dma_wait3A_55 : memref<16x512xf32, #tpu.memory_space<hbm>>) dst(%arg6 : memref<16x512xf32, #tpu.memory_space<vmem>>)
        %add3A_56 = arith.constant 1 : i32
        %add3A_57 = arith.addi %add3A_44, %add3A_56 : i32
        %lt3A_58 = arith.constant 61 : i32
        %lt3A_59 = arith.cmpi slt, %add3A_57, %lt3A_58 : i32
        %convert_element_type3A_60 = arith.extui %lt3A_59 : i1 to i32
        %cond3A_61 = arith.constant 0 : i32
        %cond3A_62 = arith.cmpi ne, %convert_element_type3A_60, %cond3A_61 : i32
        scf.if %cond3A_62 {
          %add3A_76 = arith.constant 1 : i32
          %add3A_77 = arith.addi %add3A_44, %add3A_76 : i32
          %mul3A_78 = arith.constant 4 : i32
          %mul3A_79 = arith.muli %add3A_77, %mul3A_78 : i32
          %add3A_80 = arith.addi %mul3A_2, %mul3A_79 : i32
          %mul3A_81 = arith.constant 128 : i32
          %mul3A_82 = arith.muli %add3A_80, %mul3A_81 : i32
          %dma_start3A_83 = arith.constant 0 : i32
          %dma_start3A_84 = tpu.memref_slice %arg2[%dma_start3A_83, %mul3A_82] : memref<16x1000000xf32, #tpu.memory_space<hbm>> -> memref<16x512xf32, #tpu.memory_space<hbm>>
          %dma_start3A_85 = arith.constant 0 : i32
          %dma_start3A_86 = tpu.memref_slice %arg2[%dma_start3A_85, %mul3A_82] : memref<16x1000000xf32, #tpu.memory_space<hbm>> -> memref<16x512xf32, #tpu.memory_space<hbm>>
          tpu.enqueue_dma source(%dma_start3A_86 : memref<16x512xf32, #tpu.memory_space<hbm>>) target(%arg5 : memref<16x512xf32, #tpu.memory_space<vmem>>) target_semaphore(%arg11 : memref<!tpu.dma_semaphore, #tpu.memory_space<semaphore_mem>>)
        } else {
        }
        %ge3A = arith.constant 2 : i32
        %ge3A_63 = arith.cmpi sge, %add3A_44, %ge3A : i32
        %convert_element_type3A_64 = arith.extui %ge3A_63 : i1 to i32
        %cond3A_65 = arith.constant 0 : i32
        %cond3A_66 = arith.cmpi ne, %convert_element_type3A_64, %cond3A_65 : i32
        scf.if %cond3A_66 {
          %dma_wait3A_76 = arith.constant 0 : i32
          %dma_wait3A_77 = tpu.memref_slice %arg4[%dma_wait3A_76] : memref<16000000xf32, #tpu.memory_space<hbm>> -> memref<8192xf32, #tpu.memory_space<hbm>>
          %dma_wait3A_78 = arith.constant 0 : i32
          %dma_wait3A_79 = tpu.memref_slice %arg4[%dma_wait3A_78] : memref<16000000xf32, #tpu.memory_space<hbm>> -> memref<8192xf32, #tpu.memory_space<hbm>>
          tpu.wait_dma2 semaphore(%arg12 : memref<!tpu.dma_semaphore, #tpu.memory_space<semaphore_mem>>) src(%dma_wait3A_79 : memref<8192xf32, #tpu.memory_space<hbm>>) dst(%arg8 : memref<8192xf32, #tpu.memory_space<vmem>>)
        } else {
        }
        %parallel_loop3A = arith.constant 0 : i32
        %parallel_loop3A_67 = arith.constant 32 : i32
        %parallel_loop3A_68 = arith.constant 1 : i32
        scf.for %parallel_loop3A_76 = %parallel_loop3A to %parallel_loop3A_67 step %parallel_loop3A_68  : i32 {
          %parallel_loop3A_77 = arith.constant 16 : i32
          %parallel_loop3A_78 = arith.muli %parallel_loop3A_76, %parallel_loop3A_77 : i32
          %parallel_loop3A_79 = arith.constant 0 : i32
          %parallel_loop3A_80 = arith.index_cast %parallel_loop3A_79 : i32 to index
          %parallel_loop3A_81 = arith.index_cast %parallel_loop3A_78 : i32 to index
          %parallel_loop3A_82 = tpu.vector_load %arg6[%parallel_loop3A_80, %parallel_loop3A_81] {strides = array<i32>} : memref<16x512xf32, #tpu.memory_space<vmem>>, vector<16xf32>,
          %parallel_loop3A_83 = arith.constant 1 : i32
          %parallel_loop3A_84 = arith.index_cast %parallel_loop3A_83 : i32 to index
          %parallel_loop3A_85 = arith.index_cast %parallel_loop3A_78 : i32 to index
          %parallel_loop3A_86 = tpu.vector_load %arg6[%parallel_loop3A_84, %parallel_loop3A_85] {strides = array<i32>} : memref<16x512xf32, #tpu.memory_space<vmem>>, vector<16xf32>,
          %parallel_loop3A_87 = arith.constant 2 : i32
          %parallel_loop3A_88 = arith.index_cast %parallel_loop3A_87 : i32 to index
          %parallel_loop3A_89 = arith.index_cast %parallel_loop3A_78 : i32 to index
          %parallel_loop3A_90 = tpu.vector_load %arg6[%parallel_loop3A_88, %parallel_loop3A_89] {strides = array<i32>} : memref<16x512xf32, #tpu.memory_space<vmem>>, vector<16xf32>,
          %parallel_loop3A_91 = arith.constant 3 : i32
          %parallel_loop3A_92 = arith.index_cast %parallel_loop3A_91 : i32 to index
          %parallel_loop3A_93 = arith.index_cast %parallel_loop3A_78 : i32 to index
          %parallel_loop3A_94 = tpu.vector_load %arg6[%parallel_loop3A_92, %parallel_loop3A_93] {strides = array<i32>} : memref<16x512xf32, #tpu.memory_space<vmem>>, vector<16xf32>,
          %parallel_loop3A_95 = arith.constant 4 : i32
          %parallel_loop3A_96 = arith.index_cast %parallel_loop3A_95 : i32 to index
          %parallel_loop3A_97 = arith.index_cast %parallel_loop3A_78 : i32 to index
          %parallel_loop3A_98 = tpu.vector_load %arg6[%parallel_loop3A_96, %parallel_loop3A_97] {strides = array<i32>} : memref<16x512xf32, #tpu.memory_space<vmem>>, vector<16xf32>,
          %parallel_loop3A_99 = arith.constant 5 : i32
          %parallel_loop3A_100 = arith.index_cast %parallel_loop3A_99 : i32 to index
          %parallel_loop3A_101 = arith.index_cast %parallel_loop3A_78 : i32 to index
          %parallel_loop3A_102 = tpu.vector_load %arg6[%parallel_loop3A_100, %parallel_loop3A_101] {strides = array<i32>} : memref<16x512xf32, #tpu.memory_space<vmem>>, vector<16xf32>,
          %parallel_loop3A_103 = arith.constant 6 : i32
          %parallel_loop3A_104 = arith.index_cast %parallel_loop3A_103 : i32 to index
          %parallel_loop3A_105 = arith.index_cast %parallel_loop3A_78 : i32 to index
          %parallel_loop3A_106 = tpu.vector_load %arg6[%parallel_loop3A_104, %parallel_loop3A_105] {strides = array<i32>} : memref<16x512xf32, #tpu.memory_space<vmem>>, vector<16xf32>,
          %parallel_loop3A_107 = arith.constant 7 : i32
          %parallel_loop3A_108 = arith.index_cast %parallel_loop3A_107 : i32 to index
          %parallel_loop3A_109 = arith.index_cast %parallel_loop3A_78 : i32 to index
          %parallel_loop3A_110 = tpu.vector_load %arg6[%parallel_loop3A_108, %parallel_loop3A_109] {strides = array<i32>} : memref<16x512xf32, #tpu.memory_space<vmem>>, vector<16xf32>,
          %parallel_loop3A_111 = arith.constant 8 : i32
          %parallel_loop3A_112 = arith.index_cast %parallel_loop3A_111 : i32 to index
          %parallel_loop3A_113 = arith.index_cast %parallel_loop3A_78 : i32 to index
          %parallel_loop3A_114 = tpu.vector_load %arg6[%parallel_loop3A_112, %parallel_loop3A_113] {strides = array<i32>} : memref<16x512xf32, #tpu.memory_space<vmem>>, vector<16xf32>,
          %parallel_loop3A_115 = arith.constant 9 : i32
          %parallel_loop3A_116 = arith.index_cast %parallel_loop3A_115 : i32 to index
          %parallel_loop3A_117 = arith.index_cast %parallel_loop3A_78 : i32 to index
          %parallel_loop3A_118 = tpu.vector_load %arg6[%parallel_loop3A_116, %parallel_loop3A_117] {strides = array<i32>} : memref<16x512xf32, #tpu.memory_space<vmem>>, vector<16xf32>,
          %parallel_loop3A_119 = arith.constant 10 : i32
          %parallel_loop3A_120 = arith.index_cast %parallel_loop3A_119 : i32 to index
          %parallel_loop3A_121 = arith.index_cast %parallel_loop3A_78 : i32 to index
          %parallel_loop3A_122 = tpu.vector_load %arg6[%parallel_loop3A_120, %parallel_loop3A_121] {strides = array<i32>} : memref<16x512xf32, #tpu.memory_space<vmem>>, vector<16xf32>,
          %parallel_loop3A_123 = arith.constant 11 : i32
          %parallel_loop3A_124 = arith.index_cast %parallel_loop3A_123 : i32 to index
          %parallel_loop3A_125 = arith.index_cast %parallel_loop3A_78 : i32 to index
          %parallel_loop3A_126 = tpu.vector_load %arg6[%parallel_loop3A_124, %parallel_loop3A_125] {strides = array<i32>} : memref<16x512xf32, #tpu.memory_space<vmem>>, vector<16xf32>,
          %parallel_loop3A_127 = arith.constant 12 : i32
          %parallel_loop3A_128 = arith.index_cast %parallel_loop3A_127 : i32 to index
          %parallel_loop3A_129 = arith.index_cast %parallel_loop3A_78 : i32 to index
          %parallel_loop3A_130 = tpu.vector_load %arg6[%parallel_loop3A_128, %parallel_loop3A_129] {strides = array<i32>} : memref<16x512xf32, #tpu.memory_space<vmem>>, vector<16xf32>,
          %parallel_loop3A_131 = arith.constant 13 : i32
          %parallel_loop3A_132 = arith.index_cast %parallel_loop3A_131 : i32 to index
          %parallel_loop3A_133 = arith.index_cast %parallel_loop3A_78 : i32 to index
          %parallel_loop3A_134 = tpu.vector_load %arg6[%parallel_loop3A_132, %parallel_loop3A_133] {strides = array<i32>} : memref<16x512xf32, #tpu.memory_space<vmem>>, vector<16xf32>,
          %parallel_loop3A_135 = arith.constant 14 : i32
          %parallel_loop3A_136 = arith.index_cast %parallel_loop3A_135 : i32 to index
          %parallel_loop3A_137 = arith.index_cast %parallel_loop3A_78 : i32 to index
          %parallel_loop3A_138 = tpu.vector_load %arg6[%parallel_loop3A_136, %parallel_loop3A_137] {strides = array<i32>} : memref<16x512xf32, #tpu.memory_space<vmem>>, vector<16xf32>,
          %parallel_loop3A_139 = arith.constant 15 : i32
          %parallel_loop3A_140 = arith.index_cast %parallel_loop3A_139 : i32 to index
          %parallel_loop3A_141 = arith.index_cast %parallel_loop3A_78 : i32 to index
          %parallel_loop3A_142 = tpu.vector_load %arg6[%parallel_loop3A_140, %parallel_loop3A_141] {strides = array<i32>} : memref<16x512xf32, #tpu.memory_space<vmem>>, vector<16xf32>,
          %parallel_loop3A_143 = arith.maximumf %parallel_loop3A_82, %parallel_loop3A_86 : vector<16xf32>
          %parallel_loop3A_144 = arith.maximumf %parallel_loop3A_143, %parallel_loop3A_90 : vector<16xf32>
          %parallel_loop3A_145 = arith.maximumf %parallel_loop3A_144, %parallel_loop3A_94 : vector<16xf32>
          %parallel_loop3A_146 = arith.maximumf %parallel_loop3A_145, %parallel_loop3A_98 : vector<16xf32>
          %parallel_loop3A_147 = arith.maximumf %parallel_loop3A_146, %parallel_loop3A_102 : vector<16xf32>
          %parallel_loop3A_148 = arith.maximumf %parallel_loop3A_147, %parallel_loop3A_106 : vector<16xf32>
          %parallel_loop3A_149 = arith.maximumf %parallel_loop3A_148, %parallel_loop3A_110 : vector<16xf32>
          %parallel_loop3A_150 = arith.maximumf %parallel_loop3A_149, %parallel_loop3A_114 : vector<16xf32>
          %parallel_loop3A_151 = arith.maximumf %parallel_loop3A_150, %parallel_loop3A_118 : vector<16xf32>
          %parallel_loop3A_152 = arith.maximumf %parallel_loop3A_151, %parallel_loop3A_122 : vector<16xf32>
          %parallel_loop3A_153 = arith.maximumf %parallel_loop3A_152, %parallel_loop3A_126 : vector<16xf32>
          %parallel_loop3A_154 = arith.maximumf %parallel_loop3A_153, %parallel_loop3A_130 : vector<16xf32>
          %parallel_loop3A_155 = arith.maximumf %parallel_loop3A_154, %parallel_loop3A_134 : vector<16xf32>
          %parallel_loop3A_156 = arith.maximumf %parallel_loop3A_155, %parallel_loop3A_138 : vector<16xf32>
          %parallel_loop3A_157 = arith.maximumf %parallel_loop3A_156, %parallel_loop3A_142 : vector<16xf32>
          %parallel_loop3A_158 = arith.subf %parallel_loop3A_82, %parallel_loop3A_157 : vector<16xf32>
          %parallel_loop3A_159 = math.exp %parallel_loop3A_158 : vector<16xf32>
          %parallel_loop3A_160 = arith.subf %parallel_loop3A_86, %parallel_loop3A_157 : vector<16xf32>
          %parallel_loop3A_161 = math.exp %parallel_loop3A_160 : vector<16xf32>
          %parallel_loop3A_162 = arith.subf %parallel_loop3A_90, %parallel_loop3A_157 : vector<16xf32>
          %parallel_loop3A_163 = math.exp %parallel_loop3A_162 : vector<16xf32>
          %parallel_loop3A_164 = arith.subf %parallel_loop3A_94, %parallel_loop3A_157 : vector<16xf32>
          %parallel_loop3A_165 = math.exp %parallel_loop3A_164 : vector<16xf32>
          %parallel_loop3A_166 = arith.subf %parallel_loop3A_98, %parallel_loop3A_157 : vector<16xf32>
          %parallel_loop3A_167 = math.exp %parallel_loop3A_166 : vector<16xf32>
          %parallel_loop3A_168 = arith.subf %parallel_loop3A_102, %parallel_loop3A_157 : vector<16xf32>
          %parallel_loop3A_169 = math.exp %parallel_loop3A_168 : vector<16xf32>
          %parallel_loop3A_170 = arith.subf %parallel_loop3A_106, %parallel_loop3A_157 : vector<16xf32>
          %parallel_loop3A_171 = math.exp %parallel_loop3A_170 : vector<16xf32>
          %parallel_loop3A_172 = arith.subf %parallel_loop3A_110, %parallel_loop3A_157 : vector<16xf32>
          %parallel_loop3A_173 = math.exp %parallel_loop3A_172 : vector<16xf32>
          %parallel_loop3A_174 = arith.subf %parallel_loop3A_114, %parallel_loop3A_157 : vector<16xf32>
          %parallel_loop3A_175 = math.exp %parallel_loop3A_174 : vector<16xf32>
          %parallel_loop3A_176 = arith.subf %parallel_loop3A_118, %parallel_loop3A_157 : vector<16xf32>
          %parallel_loop3A_177 = math.exp %parallel_loop3A_176 : vector<16xf32>
          %parallel_loop3A_178 = arith.subf %parallel_loop3A_122, %parallel_loop3A_157 : vector<16xf32>
          %parallel_loop3A_179 = math.exp %parallel_loop3A_178 : vector<16xf32>
          %parallel_loop3A_180 = arith.subf %parallel_loop3A_126, %parallel_loop3A_157 : vector<16xf32>
          %parallel_loop3A_181 = math.exp %parallel_loop3A_180 : vector<16xf32>
          %parallel_loop3A_182 = arith.subf %parallel_loop3A_130, %parallel_loop3A_157 : vector<16xf32>
          %parallel_loop3A_183 = math.exp %parallel_loop3A_182 : vector<16xf32>
          %parallel_loop3A_184 = arith.subf %parallel_loop3A_134, %parallel_loop3A_157 : vector<16xf32>
          %parallel_loop3A_185 = math.exp %parallel_loop3A_184 : vector<16xf32>
          %parallel_loop3A_186 = arith.subf %parallel_loop3A_138, %parallel_loop3A_157 : vector<16xf32>
          %parallel_loop3A_187 = math.exp %parallel_loop3A_186 : vector<16xf32>
          %parallel_loop3A_188 = arith.subf %parallel_loop3A_142, %parallel_loop3A_157 : vector<16xf32>
          %parallel_loop3A_189 = math.exp %parallel_loop3A_188 : vector<16xf32>
          %parallel_loop3A_190 = arith.addf %parallel_loop3A_159, %parallel_loop3A_161 : vector<16xf32>
          %parallel_loop3A_191 = arith.addf %parallel_loop3A_190, %parallel_loop3A_163 : vector<16xf32>
          %parallel_loop3A_192 = arith.addf %parallel_loop3A_191, %parallel_loop3A_165 : vector<16xf32>
          %parallel_loop3A_193 = arith.addf %parallel_loop3A_192, %parallel_loop3A_167 : vector<16xf32>
          %parallel_loop3A_194 = arith.addf %parallel_loop3A_193, %parallel_loop3A_169 : vector<16xf32>
          %parallel_loop3A_195 = arith.addf %parallel_loop3A_194, %parallel_loop3A_171 : vector<16xf32>
          %parallel_loop3A_196 = arith.addf %parallel_loop3A_195, %parallel_loop3A_173 : vector<16xf32>
          %parallel_loop3A_197 = arith.addf %parallel_loop3A_196, %parallel_loop3A_175 : vector<16xf32>
          %parallel_loop3A_198 = arith.addf %parallel_loop3A_197, %parallel_loop3A_177 : vector<16xf32>
          %parallel_loop3A_199 = arith.addf %parallel_loop3A_198, %parallel_loop3A_179 : vector<16xf32>
          %parallel_loop3A_200 = arith.addf %parallel_loop3A_199, %parallel_loop3A_181 : vector<16xf32>
          %parallel_loop3A_201 = arith.addf %parallel_loop3A_200, %parallel_loop3A_183 : vector<16xf32>
          %parallel_loop3A_202 = arith.addf %parallel_loop3A_201, %parallel_loop3A_185 : vector<16xf32>
          %parallel_loop3A_203 = arith.addf %parallel_loop3A_202, %parallel_loop3A_187 : vector<16xf32>
          %parallel_loop3A_204 = arith.addf %parallel_loop3A_203, %parallel_loop3A_189 : vector<16xf32>
          %parallel_loop3A_205 = arith.addf %parallel_loop3A_167, %parallel_loop3A_185 : vector<16xf32>
          %parallel_loop3A_206 = arith.addf %parallel_loop3A_205, %parallel_loop3A_187 : vector<16xf32>
          %parallel_loop3A_207 = arith.addf %parallel_loop3A_206, %parallel_loop3A_189 : vector<16xf32>
          %parallel_loop3A_208 = arith.addf %parallel_loop3A_165, %parallel_loop3A_179 : vector<16xf32>
          %parallel_loop3A_209 = arith.addf %parallel_loop3A_208, %parallel_loop3A_181 : vector<16xf32>
          %parallel_loop3A_210 = arith.addf %parallel_loop3A_209, %parallel_loop3A_183 : vector<16xf32>
          %parallel_loop3A_211 = arith.addf %parallel_loop3A_163, %parallel_loop3A_173 : vector<16xf32>
          %parallel_loop3A_212 = arith.addf %parallel_loop3A_211, %parallel_loop3A_175 : vector<16xf32>
          %parallel_loop3A_213 = arith.addf %parallel_loop3A_212, %parallel_loop3A_177 : vector<16xf32>
          %parallel_loop3A_214 = arith.addf %parallel_loop3A_161, %parallel_loop3A_169 : vector<16xf32>
          %parallel_loop3A_215 = arith.addf %parallel_loop3A_214, %parallel_loop3A_171 : vector<16xf32>
          %parallel_loop3A_216 = arith.addf %parallel_loop3A_215, %parallel_loop3A_207 : vector<16xf32>
          %parallel_loop3A_217 = arith.constant 1.000000e+00 : f32
          %parallel_loop3A_218 = vector.broadcast %parallel_loop3A_217 : f32 to vector<16xf32>
          %parallel_loop3A_219 = arith.divf %parallel_loop3A_218, %parallel_loop3A_204 : vector<16xf32>
          %parallel_loop3A_220 = arith.mulf %parallel_loop3A_216, %parallel_loop3A_219 : vector<16xf32>
          %parallel_loop3A_221 = arith.mulf %parallel_loop3A_213, %parallel_loop3A_219 : vector<16xf32>
          %parallel_loop3A_222 = arith.mulf %parallel_loop3A_210, %parallel_loop3A_219 : vector<16xf32>
          %parallel_loop3A_223 = arith.mulf %parallel_loop3A_207, %parallel_loop3A_219 : vector<16xf32>
          %parallel_loop3A_224 = arith.mulf %parallel_loop3A_169, %parallel_loop3A_219 : vector<16xf32>
          %parallel_loop3A_225 = arith.mulf %parallel_loop3A_171, %parallel_loop3A_219 : vector<16xf32>
          %parallel_loop3A_226 = arith.mulf %parallel_loop3A_173, %parallel_loop3A_219 : vector<16xf32>
          %parallel_loop3A_227 = arith.mulf %parallel_loop3A_175, %parallel_loop3A_219 : vector<16xf32>
          %parallel_loop3A_228 = arith.mulf %parallel_loop3A_177, %parallel_loop3A_219 : vector<16xf32>
          %parallel_loop3A_229 = arith.mulf %parallel_loop3A_179, %parallel_loop3A_219 : vector<16xf32>
          %parallel_loop3A_230 = arith.mulf %parallel_loop3A_181, %parallel_loop3A_219 : vector<16xf32>
          %parallel_loop3A_231 = arith.mulf %parallel_loop3A_183, %parallel_loop3A_219 : vector<16xf32>
          %parallel_loop3A_232 = arith.mulf %parallel_loop3A_185, %parallel_loop3A_219 : vector<16xf32>
          %parallel_loop3A_233 = arith.mulf %parallel_loop3A_187, %parallel_loop3A_219 : vector<16xf32>
          %parallel_loop3A_234 = arith.mulf %parallel_loop3A_189, %parallel_loop3A_219 : vector<16xf32>
          %parallel_loop3A_235 = arith.constant 16 : i32
          %parallel_loop3A_236 = arith.muli %parallel_loop3A_78, %parallel_loop3A_235 : i32
          %parallel_loop3A_237 = vector.broadcast %parallel_loop3A_236 : i32 to vector<16xi32>
          %parallel_loop3A_238 = arith.addi %parallel_loop3A_237, %mul3A_5 : vector<16xi32>
          %parallel_loop3A_239 = arith.constant 1 : i32
          %parallel_loop3A_240 = vector.broadcast %parallel_loop3A_239 : i32 to vector<16xi32>
          %parallel_loop3A_241 = arith.addi %parallel_loop3A_238, %parallel_loop3A_240 : vector<16xi32>
          tpu.vector_store_idx %arg8[%parallel_loop3A_241], %parallel_loop3A_220 : memref<8192xf32, #tpu.memory_space<vmem>>[vector<16xi32>], vector<16xf32>,
          %parallel_loop3A_242 = arith.constant 2 : i32
          %parallel_loop3A_243 = vector.broadcast %parallel_loop3A_242 : i32 to vector<16xi32>
          %parallel_loop3A_244 = arith.addi %parallel_loop3A_238, %parallel_loop3A_243 : vector<16xi32>
          tpu.vector_store_idx %arg8[%parallel_loop3A_244], %parallel_loop3A_221 : memref<8192xf32, #tpu.memory_space<vmem>>[vector<16xi32>], vector<16xf32>,
          %parallel_loop3A_245 = arith.constant 3 : i32
          %parallel_loop3A_246 = vector.broadcast %parallel_loop3A_245 : i32 to vector<16xi32>
          %parallel_loop3A_247 = arith.addi %parallel_loop3A_238, %parallel_loop3A_246 : vector<16xi32>
          tpu.vector_store_idx %arg8[%parallel_loop3A_247], %parallel_loop3A_222 : memref<8192xf32, #tpu.memory_space<vmem>>[vector<16xi32>], vector<16xf32>,
          %parallel_loop3A_248 = arith.constant 4 : i32
          %parallel_loop3A_249 = vector.broadcast %parallel_loop3A_248 : i32 to vector<16xi32>
          %parallel_loop3A_250 = arith.addi %parallel_loop3A_238, %parallel_loop3A_249 : vector<16xi32>
          tpu.vector_store_idx %arg8[%parallel_loop3A_250], %parallel_loop3A_223 : memref<8192xf32, #tpu.memory_space<vmem>>[vector<16xi32>], vector<16xf32>,
          %parallel_loop3A_251 = arith.constant 5 : i32
          %parallel_loop3A_252 = vector.broadcast %parallel_loop3A_251 : i32 to vector<16xi32>
          %parallel_loop3A_253 = arith.addi %parallel_loop3A_238, %parallel_loop3A_252 : vector<16xi32>
          tpu.vector_store_idx %arg8[%parallel_loop3A_253], %parallel_loop3A_224 : memref<8192xf32, #tpu.memory_space<vmem>>[vector<16xi32>], vector<16xf32>,
          %parallel_loop3A_254 = arith.constant 6 : i32
          %parallel_loop3A_255 = vector.broadcast %parallel_loop3A_254 : i32 to vector<16xi32>
          %parallel_loop3A_256 = arith.addi %parallel_loop3A_238, %parallel_loop3A_255 : vector<16xi32>
          tpu.vector_store_idx %arg8[%parallel_loop3A_256], %parallel_loop3A_225 : memref<8192xf32, #tpu.memory_space<vmem>>[vector<16xi32>], vector<16xf32>,
          %parallel_loop3A_257 = arith.constant 7 : i32
          %parallel_loop3A_258 = vector.broadcast %parallel_loop3A_257 : i32 to vector<16xi32>
          %parallel_loop3A_259 = arith.addi %parallel_loop3A_238, %parallel_loop3A_258 : vector<16xi32>
          tpu.vector_store_idx %arg8[%parallel_loop3A_259], %parallel_loop3A_226 : memref<8192xf32, #tpu.memory_space<vmem>>[vector<16xi32>], vector<16xf32>,
          %parallel_loop3A_260 = arith.constant 8 : i32
          %parallel_loop3A_261 = vector.broadcast %parallel_loop3A_260 : i32 to vector<16xi32>
          %parallel_loop3A_262 = arith.addi %parallel_loop3A_238, %parallel_loop3A_261 : vector<16xi32>
          tpu.vector_store_idx %arg8[%parallel_loop3A_262], %parallel_loop3A_227 : memref<8192xf32, #tpu.memory_space<vmem>>[vector<16xi32>], vector<16xf32>,
          %parallel_loop3A_263 = arith.constant 9 : i32
          %parallel_loop3A_264 = vector.broadcast %parallel_loop3A_263 : i32 to vector<16xi32>
          %parallel_loop3A_265 = arith.addi %parallel_loop3A_238, %parallel_loop3A_264 : vector<16xi32>
          tpu.vector_store_idx %arg8[%parallel_loop3A_265], %parallel_loop3A_228 : memref<8192xf32, #tpu.memory_space<vmem>>[vector<16xi32>], vector<16xf32>,
          %parallel_loop3A_266 = arith.constant 10 : i32
          %parallel_loop3A_267 = vector.broadcast %parallel_loop3A_266 : i32 to vector<16xi32>
          %parallel_loop3A_268 = arith.addi %parallel_loop3A_238, %parallel_loop3A_267 : vector<16xi32>
          tpu.vector_store_idx %arg8[%parallel_loop3A_268], %parallel_loop3A_229 : memref<8192xf32, #tpu.memory_space<vmem>>[vector<16xi32>], vector<16xf32>,
          %parallel_loop3A_269 = arith.constant 11 : i32
          %parallel_loop3A_270 = vector.broadcast %parallel_loop3A_269 : i32 to vector<16xi32>
          %parallel_loop3A_271 = arith.addi %parallel_loop3A_238, %parallel_loop3A_270 : vector<16xi32>
          tpu.vector_store_idx %arg8[%parallel_loop3A_271], %parallel_loop3A_230 : memref<8192xf32, #tpu.memory_space<vmem>>[vector<16xi32>], vector<16xf32>,
          %parallel_loop3A_272 = arith.constant 12 : i32
          %parallel_loop3A_273 = vector.broadcast %parallel_loop3A_272 : i32 to vector<16xi32>
          %parallel_loop3A_274 = arith.addi %parallel_loop3A_238, %parallel_loop3A_273 : vector<16xi32>
          tpu.vector_store_idx %arg8[%parallel_loop3A_274], %parallel_loop3A_231 : memref<8192xf32, #tpu.memory_space<vmem>>[vector<16xi32>], vector<16xf32>,
          %parallel_loop3A_275 = arith.constant 13 : i32
          %parallel_loop3A_276 = vector.broadcast %parallel_loop3A_275 : i32 to vector<16xi32>
          %parallel_loop3A_277 = arith.addi %parallel_loop3A_238, %parallel_loop3A_276 : vector<16xi32>
          tpu.vector_store_idx %arg8[%parallel_loop3A_277], %parallel_loop3A_232 : memref<8192xf32, #tpu.memory_space<vmem>>[vector<16xi32>], vector<16xf32>,
          %parallel_loop3A_278 = arith.constant 14 : i32
          %parallel_loop3A_279 = vector.broadcast %parallel_loop3A_278 : i32 to vector<16xi32>
          %parallel_loop3A_280 = arith.addi %parallel_loop3A_238, %parallel_loop3A_279 : vector<16xi32>
          tpu.vector_store_idx %arg8[%parallel_loop3A_280], %parallel_loop3A_233 : memref<8192xf32, #tpu.memory_space<vmem>>[vector<16xi32>], vector<16xf32>,
          %parallel_loop3A_281 = arith.constant 15 : i32
          %parallel_loop3A_282 = vector.broadcast %parallel_loop3A_281 : i32 to vector<16xi32>
          %parallel_loop3A_283 = arith.addi %parallel_loop3A_238, %parallel_loop3A_282 : vector<16xi32>
          tpu.vector_store_idx %arg8[%parallel_loop3A_283], %parallel_loop3A_234 : memref<8192xf32, #tpu.memory_space<vmem>>[vector<16xi32>], vector<16xf32>,
        } {sc.loop_unroll_factor = 2 : i64, sc.parallel_access}
        %mul3A_69 = arith.constant 4 : i32
        %mul3A_70 = arith.muli %add3A_44, %mul3A_69 : i32
        %add3A_71 = arith.addi %mul3A_2, %mul3A_70 : i32
        %mul3A_72 = arith.constant 2048 : i32
        %mul3A_73 = arith.muli %add3A_71, %mul3A_72 : i32
        %dma_start3A_74 = tpu.memref_slice %arg4[%mul3A_73] : memref<16000000xf32, #tpu.memory_space<hbm>> -> memref<8192xf32, #tpu.memory_space<hbm>>
        %dma_start3A_75 = tpu.memref_slice %arg4[%mul3A_73] : memref<16000000xf32, #tpu.memory_space<hbm>> -> memref<8192xf32, #tpu.memory_space<hbm>>
        tpu.enqueue_dma source(%arg8 : memref<8192xf32, #tpu.memory_space<vmem>>) target(%dma_start3A_75 : memref<8192xf32, #tpu.memory_space<hbm>>) target_semaphore(%arg12 : memref<!tpu.dma_semaphore, #tpu.memory_space<semaphore_mem>>)
      } else {
      }
    }
    %scan3A_17 = arith.constant 31 : i32
    %dma_wait3A = arith.constant 0 : i32
    %dma_wait3A_18 = tpu.memref_slice %arg4[%dma_wait3A] : memref<16000000xf32, #tpu.memory_space<hbm>> -> memref<8192xf32, #tpu.memory_space<hbm>>
    %dma_wait3A_19 = arith.constant 0 : i32
    %dma_wait3A_20 = tpu.memref_slice %arg4[%dma_wait3A_19] : memref<16000000xf32, #tpu.memory_space<hbm>> -> memref<8192xf32, #tpu.memory_space<hbm>>
    tpu.wait_dma2 semaphore(%arg12 : memref<!tpu.dma_semaphore, #tpu.memory_space<semaphore_mem>>) src(%dma_wait3A_20 : memref<8192xf32, #tpu.memory_space<hbm>>) dst(%arg7 : memref<8192xf32, #tpu.memory_space<vmem>>)
    %dma_wait3A_21 = arith.constant 0 : i32
    %dma_wait3A_22 = tpu.memref_slice %arg4[%dma_wait3A_21] : memref<16000000xf32, #tpu.memory_space<hbm>> -> memref<8192xf32, #tpu.memory_space<hbm>>
    %dma_wait3A_23 = arith.constant 0 : i32
    %dma_wait3A_24 = tpu.memref_slice %arg4[%dma_wait3A_23] : memref<16000000xf32, #tpu.memory_space<hbm>> -> memref<8192xf32, #tpu.memory_space<hbm>>
    tpu.wait_dma2 semaphore(%arg12 : memref<!tpu.dma_semaphore, #tpu.memory_space<semaphore_mem>>) src(%dma_wait3A_24 : memref<8192xf32, #tpu.memory_space<hbm>>) dst(%arg8 : memref<8192xf32, #tpu.memory_space<vmem>>)
    %lt3A = arith.constant 4 : i32
    %lt3A_25 = arith.cmpi slt, %add3A, %lt3A : i32
    %convert_element_type3A = arith.extui %lt3A_25 : i1 to i32
    %cond3A = arith.constant 0 : i32
    %cond3A_26 = arith.cmpi ne, %convert_element_type3A, %cond3A : i32
    scf.if %cond3A_26 {
      %add3A_31 = arith.constant 7808 : i32
      %add3A_32 = arith.addi %add3A_31, %add3A : i32
      %mul3A_33 = arith.constant 128 : i32
      %mul3A_34 = arith.muli %add3A_32, %mul3A_33 : i32
      "tpu.region"() ({
        %run_scoped3A = tpu.sem_alloc : memref<!tpu.dma_semaphore, #tpu.memory_space<semaphore_mem>>
        %dma_start3A_39 = arith.constant 0 : i32
        %dma_start3A_40 = tpu.memref_slice %arg2[%dma_start3A_39, %mul3A_34] : memref<16x1000000xf32, #tpu.memory_space<hbm>> -> memref<16x128xf32, #tpu.memory_space<hbm>>
        %dma_start3A_41 = arith.constant 0 : i32
        %dma_start3A_42 = tpu.memref_slice %arg2[%dma_start3A_41, %mul3A_34] : memref<16x1000000xf32, #tpu.memory_space<hbm>> -> memref<16x128xf32, #tpu.memory_space<hbm>>
        tpu.enqueue_dma source(%dma_start3A_42 : memref<16x128xf32, #tpu.memory_space<hbm>>) target(%arg10 : memref<16x128xf32, #tpu.memory_space<vmem>>) target_semaphore(%run_scoped3A : memref<!tpu.dma_semaphore, #tpu.memory_space<semaphore_mem>>)
        %dma_wait3A_43 = arith.constant 0 : i32
        %dma_wait3A_44 = tpu.memref_slice %arg2[%dma_wait3A_43, %mul3A_34] : memref<16x1000000xf32, #tpu.memory_space<hbm>> -> memref<16x128xf32, #tpu.memory_space<hbm>>
        %dma_wait3A_45 = arith.constant 0 : i32
        %dma_wait3A_46 = tpu.memref_slice %arg2[%dma_wait3A_45, %mul3A_34] : memref<16x1000000xf32, #tpu.memory_space<hbm>> -> memref<16x128xf32, #tpu.memory_space<hbm>>
        tpu.wait_dma2 semaphore(%run_scoped3A : memref<!tpu.dma_semaphore, #tpu.memory_space<semaphore_mem>>) src(%dma_wait3A_46 : memref<16x128xf32, #tpu.memory_space<hbm>>) dst(%arg10 : memref<16x128xf32, #tpu.memory_space<vmem>>)
        tpu.yield
      }) : () -> ()
      %parallel_loop3A = arith.constant 0 : i32
      %parallel_loop3A_35 = arith.constant 8 : i32
      %parallel_loop3A_36 = arith.constant 1 : i32
      scf.for %parallel_loop3A_39 = %parallel_loop3A to %parallel_loop3A_35 step %parallel_loop3A_36  : i32 {
        %parallel_loop3A_40 = arith.constant 16 : i32
        %parallel_loop3A_41 = arith.muli %parallel_loop3A_39, %parallel_loop3A_40 : i32
        %parallel_loop3A_42 = arith.constant 0 : i32
        %parallel_loop3A_43 = arith.index_cast %parallel_loop3A_42 : i32 to index
        %parallel_loop3A_44 = arith.index_cast %parallel_loop3A_41 : i32 to index
        %parallel_loop3A_45 = tpu.vector_load %arg10[%parallel_loop3A_43, %parallel_loop3A_44] {strides = array<i32>} : memref<16x128xf32, #tpu.memory_space<vmem>>, vector<16xf32>,
        %parallel_loop3A_46 = arith.constant 1 : i32
        %parallel_loop3A_47 = arith.index_cast %parallel_loop3A_46 : i32 to index
        %parallel_loop3A_48 = arith.index_cast %parallel_loop3A_41 : i32 to index
        %parallel_loop3A_49 = tpu.vector_load %arg10[%parallel_loop3A_47, %parallel_loop3A_48] {strides = array<i32>} : memref<16x128xf32, #tpu.memory_space<vmem>>, vector<16xf32>,
        %parallel_loop3A_50 = arith.constant 2 : i32
        %parallel_loop3A_51 = arith.index_cast %parallel_loop3A_50 : i32 to index
        %parallel_loop3A_52 = arith.index_cast %parallel_loop3A_41 : i32 to index
        %parallel_loop3A_53 = tpu.vector_load %arg10[%parallel_loop3A_51, %parallel_loop3A_52] {strides = array<i32>} : memref<16x128xf32, #tpu.memory_space<vmem>>, vector<16xf32>,
        %parallel_loop3A_54 = arith.constant 3 : i32
        %parallel_loop3A_55 = arith.index_cast %parallel_loop3A_54 : i32 to index
        %parallel_loop3A_56 = arith.index_cast %parallel_loop3A_41 : i32 to index
        %parallel_loop3A_57 = tpu.vector_load %arg10[%parallel_loop3A_55, %parallel_loop3A_56] {strides = array<i32>} : memref<16x128xf32, #tpu.memory_space<vmem>>, vector<16xf32>,
        %parallel_loop3A_58 = arith.constant 4 : i32
        %parallel_loop3A_59 = arith.index_cast %parallel_loop3A_58 : i32 to index
        %parallel_loop3A_60 = arith.index_cast %parallel_loop3A_41 : i32 to index
        %parallel_loop3A_61 = tpu.vector_load %arg10[%parallel_loop3A_59, %parallel_loop3A_60] {strides = array<i32>} : memref<16x128xf32, #tpu.memory_space<vmem>>, vector<16xf32>,
        %parallel_loop3A_62 = arith.constant 5 : i32
        %parallel_loop3A_63 = arith.index_cast %parallel_loop3A_62 : i32 to index
        %parallel_loop3A_64 = arith.index_cast %parallel_loop3A_41 : i32 to index
        %parallel_loop3A_65 = tpu.vector_load %arg10[%parallel_loop3A_63, %parallel_loop3A_64] {strides = array<i32>} : memref<16x128xf32, #tpu.memory_space<vmem>>, vector<16xf32>,
        %parallel_loop3A_66 = arith.constant 6 : i32
        %parallel_loop3A_67 = arith.index_cast %parallel_loop3A_66 : i32 to index
        %parallel_loop3A_68 = arith.index_cast %parallel_loop3A_41 : i32 to index
        %parallel_loop3A_69 = tpu.vector_load %arg10[%parallel_loop3A_67, %parallel_loop3A_68] {strides = array<i32>} : memref<16x128xf32, #tpu.memory_space<vmem>>, vector<16xf32>,
        %parallel_loop3A_70 = arith.constant 7 : i32
        %parallel_loop3A_71 = arith.index_cast %parallel_loop3A_70 : i32 to index
        %parallel_loop3A_72 = arith.index_cast %parallel_loop3A_41 : i32 to index
        %parallel_loop3A_73 = tpu.vector_load %arg10[%parallel_loop3A_71, %parallel_loop3A_72] {strides = array<i32>} : memref<16x128xf32, #tpu.memory_space<vmem>>, vector<16xf32>,
        %parallel_loop3A_74 = arith.constant 8 : i32
        %parallel_loop3A_75 = arith.index_cast %parallel_loop3A_74 : i32 to index
        %parallel_loop3A_76 = arith.index_cast %parallel_loop3A_41 : i32 to index
        %parallel_loop3A_77 = tpu.vector_load %arg10[%parallel_loop3A_75, %parallel_loop3A_76] {strides = array<i32>} : memref<16x128xf32, #tpu.memory_space<vmem>>, vector<16xf32>,
        %parallel_loop3A_78 = arith.constant 9 : i32
        %parallel_loop3A_79 = arith.index_cast %parallel_loop3A_78 : i32 to index
        %parallel_loop3A_80 = arith.index_cast %parallel_loop3A_41 : i32 to index
        %parallel_loop3A_81 = tpu.vector_load %arg10[%parallel_loop3A_79, %parallel_loop3A_80] {strides = array<i32>} : memref<16x128xf32, #tpu.memory_space<vmem>>, vector<16xf32>,
        %parallel_loop3A_82 = arith.constant 10 : i32
        %parallel_loop3A_83 = arith.index_cast %parallel_loop3A_82 : i32 to index
        %parallel_loop3A_84 = arith.index_cast %parallel_loop3A_41 : i32 to index
        %parallel_loop3A_85 = tpu.vector_load %arg10[%parallel_loop3A_83, %parallel_loop3A_84] {strides = array<i32>} : memref<16x128xf32, #tpu.memory_space<vmem>>, vector<16xf32>,
        %parallel_loop3A_86 = arith.constant 11 : i32
        %parallel_loop3A_87 = arith.index_cast %parallel_loop3A_86 : i32 to index
        %parallel_loop3A_88 = arith.index_cast %parallel_loop3A_41 : i32 to index
        %parallel_loop3A_89 = tpu.vector_load %arg10[%parallel_loop3A_87, %parallel_loop3A_88] {strides = array<i32>} : memref<16x128xf32, #tpu.memory_space<vmem>>, vector<16xf32>,
        %parallel_loop3A_90 = arith.constant 12 : i32
        %parallel_loop3A_91 = arith.index_cast %parallel_loop3A_90 : i32 to index
        %parallel_loop3A_92 = arith.index_cast %parallel_loop3A_41 : i32 to index
        %parallel_loop3A_93 = tpu.vector_load %arg10[%parallel_loop3A_91, %parallel_loop3A_92] {strides = array<i32>} : memref<16x128xf32, #tpu.memory_space<vmem>>, vector<16xf32>,
        %parallel_loop3A_94 = arith.constant 13 : i32
        %parallel_loop3A_95 = arith.index_cast %parallel_loop3A_94 : i32 to index
        %parallel_loop3A_96 = arith.index_cast %parallel_loop3A_41 : i32 to index
        %parallel_loop3A_97 = tpu.vector_load %arg10[%parallel_loop3A_95, %parallel_loop3A_96] {strides = array<i32>} : memref<16x128xf32, #tpu.memory_space<vmem>>, vector<16xf32>,
        %parallel_loop3A_98 = arith.constant 14 : i32
        %parallel_loop3A_99 = arith.index_cast %parallel_loop3A_98 : i32 to index
        %parallel_loop3A_100 = arith.index_cast %parallel_loop3A_41 : i32 to index
        %parallel_loop3A_101 = tpu.vector_load %arg10[%parallel_loop3A_99, %parallel_loop3A_100] {strides = array<i32>} : memref<16x128xf32, #tpu.memory_space<vmem>>, vector<16xf32>,
        %parallel_loop3A_102 = arith.constant 15 : i32
        %parallel_loop3A_103 = arith.index_cast %parallel_loop3A_102 : i32 to index
        %parallel_loop3A_104 = arith.index_cast %parallel_loop3A_41 : i32 to index
        %parallel_loop3A_105 = tpu.vector_load %arg10[%parallel_loop3A_103, %parallel_loop3A_104] {strides = array<i32>} : memref<16x128xf32, #tpu.memory_space<vmem>>, vector<16xf32>,
        %parallel_loop3A_106 = arith.maximumf %parallel_loop3A_45, %parallel_loop3A_49 : vector<16xf32>
        %parallel_loop3A_107 = arith.maximumf %parallel_loop3A_106, %parallel_loop3A_53 : vector<16xf32>
        %parallel_loop3A_108 = arith.maximumf %parallel_loop3A_107, %parallel_loop3A_57 : vector<16xf32>
        %parallel_loop3A_109 = arith.maximumf %parallel_loop3A_108, %parallel_loop3A_61 : vector<16xf32>
        %parallel_loop3A_110 = arith.maximumf %parallel_loop3A_109, %parallel_loop3A_65 : vector<16xf32>
        %parallel_loop3A_111 = arith.maximumf %parallel_loop3A_110, %parallel_loop3A_69 : vector<16xf32>
        %parallel_loop3A_112 = arith.maximumf %parallel_loop3A_111, %parallel_loop3A_73 : vector<16xf32>
        %parallel_loop3A_113 = arith.maximumf %parallel_loop3A_112, %parallel_loop3A_77 : vector<16xf32>
        %parallel_loop3A_114 = arith.maximumf %parallel_loop3A_113, %parallel_loop3A_81 : vector<16xf32>
        %parallel_loop3A_115 = arith.maximumf %parallel_loop3A_114, %parallel_loop3A_85 : vector<16xf32>
        %parallel_loop3A_116 = arith.maximumf %parallel_loop3A_115, %parallel_loop3A_89 : vector<16xf32>
        %parallel_loop3A_117 = arith.maximumf %parallel_loop3A_116, %parallel_loop3A_93 : vector<16xf32>
        %parallel_loop3A_118 = arith.maximumf %parallel_loop3A_117, %parallel_loop3A_97 : vector<16xf32>
        %parallel_loop3A_119 = arith.maximumf %parallel_loop3A_118, %parallel_loop3A_101 : vector<16xf32>
        %parallel_loop3A_120 = arith.maximumf %parallel_loop3A_119, %parallel_loop3A_105 : vector<16xf32>
        %parallel_loop3A_121 = arith.subf %parallel_loop3A_45, %parallel_loop3A_120 : vector<16xf32>
        %parallel_loop3A_122 = math.exp %parallel_loop3A_121 : vector<16xf32>
        %parallel_loop3A_123 = arith.subf %parallel_loop3A_49, %parallel_loop3A_120 : vector<16xf32>
        %parallel_loop3A_124 = math.exp %parallel_loop3A_123 : vector<16xf32>
        %parallel_loop3A_125 = arith.subf %parallel_loop3A_53, %parallel_loop3A_120 : vector<16xf32>
        %parallel_loop3A_126 = math.exp %parallel_loop3A_125 : vector<16xf32>
        %parallel_loop3A_127 = arith.subf %parallel_loop3A_57, %parallel_loop3A_120 : vector<16xf32>
        %parallel_loop3A_128 = math.exp %parallel_loop3A_127 : vector<16xf32>
        %parallel_loop3A_129 = arith.subf %parallel_loop3A_61, %parallel_loop3A_120 : vector<16xf32>
        %parallel_loop3A_130 = math.exp %parallel_loop3A_129 : vector<16xf32>
        %parallel_loop3A_131 = arith.subf %parallel_loop3A_65, %parallel_loop3A_120 : vector<16xf32>
        %parallel_loop3A_132 = math.exp %parallel_loop3A_131 : vector<16xf32>
        %parallel_loop3A_133 = arith.subf %parallel_loop3A_69, %parallel_loop3A_120 : vector<16xf32>
        %parallel_loop3A_134 = math.exp %parallel_loop3A_133 : vector<16xf32>
        %parallel_loop3A_135 = arith.subf %parallel_loop3A_73, %parallel_loop3A_120 : vector<16xf32>
        %parallel_loop3A_136 = math.exp %parallel_loop3A_135 : vector<16xf32>
        %parallel_loop3A_137 = arith.subf %parallel_loop3A_77, %parallel_loop3A_120 : vector<16xf32>
        %parallel_loop3A_138 = math.exp %parallel_loop3A_137 : vector<16xf32>
        %parallel_loop3A_139 = arith.subf %parallel_loop3A_81, %parallel_loop3A_120 : vector<16xf32>
        %parallel_loop3A_140 = math.exp %parallel_loop3A_139 : vector<16xf32>
        %parallel_loop3A_141 = arith.subf %parallel_loop3A_85, %parallel_loop3A_120 : vector<16xf32>
        %parallel_loop3A_142 = math.exp %parallel_loop3A_141 : vector<16xf32>
        %parallel_loop3A_143 = arith.subf %parallel_loop3A_89, %parallel_loop3A_120 : vector<16xf32>
        %parallel_loop3A_144 = math.exp %parallel_loop3A_143 : vector<16xf32>
        %parallel_loop3A_145 = arith.subf %parallel_loop3A_93, %parallel_loop3A_120 : vector<16xf32>
        %parallel_loop3A_146 = math.exp %parallel_loop3A_145 : vector<16xf32>
        %parallel_loop3A_147 = arith.subf %parallel_loop3A_97, %parallel_loop3A_120 : vector<16xf32>
        %parallel_loop3A_148 = math.exp %parallel_loop3A_147 : vector<16xf32>
        %parallel_loop3A_149 = arith.subf %parallel_loop3A_101, %parallel_loop3A_120 : vector<16xf32>
        %parallel_loop3A_150 = math.exp %parallel_loop3A_149 : vector<16xf32>
        %parallel_loop3A_151 = arith.subf %parallel_loop3A_105, %parallel_loop3A_120 : vector<16xf32>
        %parallel_loop3A_152 = math.exp %parallel_loop3A_151 : vector<16xf32>
        %parallel_loop3A_153 = arith.addf %parallel_loop3A_122, %parallel_loop3A_124 : vector<16xf32>
        %parallel_loop3A_154 = arith.addf %parallel_loop3A_153, %parallel_loop3A_126 : vector<16xf32>
        %parallel_loop3A_155 = arith.addf %parallel_loop3A_154, %parallel_loop3A_128 : vector<16xf32>
        %parallel_loop3A_156 = arith.addf %parallel_loop3A_155, %parallel_loop3A_130 : vector<16xf32>
        %parallel_loop3A_157 = arith.addf %parallel_loop3A_156, %parallel_loop3A_132 : vector<16xf32>
        %parallel_loop3A_158 = arith.addf %parallel_loop3A_157, %parallel_loop3A_134 : vector<16xf32>
        %parallel_loop3A_159 = arith.addf %parallel_loop3A_158, %parallel_loop3A_136 : vector<16xf32>
        %parallel_loop3A_160 = arith.addf %parallel_loop3A_159, %parallel_loop3A_138 : vector<16xf32>
        %parallel_loop3A_161 = arith.addf %parallel_loop3A_160, %parallel_loop3A_140 : vector<16xf32>
        %parallel_loop3A_162 = arith.addf %parallel_loop3A_161, %parallel_loop3A_142 : vector<16xf32>
        %parallel_loop3A_163 = arith.addf %parallel_loop3A_162, %parallel_loop3A_144 : vector<16xf32>
        %parallel_loop3A_164 = arith.addf %parallel_loop3A_163, %parallel_loop3A_146 : vector<16xf32>
        %parallel_loop3A_165 = arith.addf %parallel_loop3A_164, %parallel_loop3A_148 : vector<16xf32>
        %parallel_loop3A_166 = arith.addf %parallel_loop3A_165, %parallel_loop3A_150 : vector<16xf32>
        %parallel_loop3A_167 = arith.addf %parallel_loop3A_166, %parallel_loop3A_152 : vector<16xf32>
        %parallel_loop3A_168 = arith.addf %parallel_loop3A_130, %parallel_loop3A_148 : vector<16xf32>
        %parallel_loop3A_169 = arith.addf %parallel_loop3A_168, %parallel_loop3A_150 : vector<16xf32>
        %parallel_loop3A_170 = arith.addf %parallel_loop3A_169, %parallel_loop3A_152 : vector<16xf32>
        %parallel_loop3A_171 = arith.addf %parallel_loop3A_128, %parallel_loop3A_142 : vector<16xf32>
        %parallel_loop3A_172 = arith.addf %parallel_loop3A_171, %parallel_loop3A_144 : vector<16xf32>
        %parallel_loop3A_173 = arith.addf %parallel_loop3A_172, %parallel_loop3A_146 : vector<16xf32>
        %parallel_loop3A_174 = arith.addf %parallel_loop3A_126, %parallel_loop3A_136 : vector<16xf32>
        %parallel_loop3A_175 = arith.addf %parallel_loop3A_174, %parallel_loop3A_138 : vector<16xf32>
        %parallel_loop3A_176 = arith.addf %parallel_loop3A_175, %parallel_loop3A_140 : vector<16xf32>
        %parallel_loop3A_177 = arith.addf %parallel_loop3A_124, %parallel_loop3A_132 : vector<16xf32>
        %parallel_loop3A_178 = arith.addf %parallel_loop3A_177, %parallel_loop3A_134 : vector<16xf32>
        %parallel_loop3A_179 = arith.addf %parallel_loop3A_178, %parallel_loop3A_170 : vector<16xf32>
        %parallel_loop3A_180 = arith.constant 1.000000e+00 : f32
        %parallel_loop3A_181 = vector.broadcast %parallel_loop3A_180 : f32 to vector<16xf32>
        %parallel_loop3A_182 = arith.divf %parallel_loop3A_181, %parallel_loop3A_167 : vector<16xf32>
        %parallel_loop3A_183 = arith.mulf %parallel_loop3A_179, %parallel_loop3A_182 : vector<16xf32>
        %parallel_loop3A_184 = arith.mulf %parallel_loop3A_176, %parallel_loop3A_182 : vector<16xf32>
        %parallel_loop3A_185 = arith.mulf %parallel_loop3A_173, %parallel_loop3A_182 : vector<16xf32>
        %parallel_loop3A_186 = arith.mulf %parallel_loop3A_170, %parallel_loop3A_182 : vector<16xf32>
        %parallel_loop3A_187 = arith.mulf %parallel_loop3A_132, %parallel_loop3A_182 : vector<16xf32>
        %parallel_loop3A_188 = arith.mulf %parallel_loop3A_134, %parallel_loop3A_182 : vector<16xf32>
        %parallel_loop3A_189 = arith.mulf %parallel_loop3A_136, %parallel_loop3A_182 : vector<16xf32>
        %parallel_loop3A_190 = arith.mulf %parallel_loop3A_138, %parallel_loop3A_182 : vector<16xf32>
        %parallel_loop3A_191 = arith.mulf %parallel_loop3A_140, %parallel_loop3A_182 : vector<16xf32>
        %parallel_loop3A_192 = arith.mulf %parallel_loop3A_142, %parallel_loop3A_182 : vector<16xf32>
        %parallel_loop3A_193 = arith.mulf %parallel_loop3A_144, %parallel_loop3A_182 : vector<16xf32>
        %parallel_loop3A_194 = arith.mulf %parallel_loop3A_146, %parallel_loop3A_182 : vector<16xf32>
        %parallel_loop3A_195 = arith.mulf %parallel_loop3A_148, %parallel_loop3A_182 : vector<16xf32>
        %parallel_loop3A_196 = arith.mulf %parallel_loop3A_150, %parallel_loop3A_182 : vector<16xf32>
        %parallel_loop3A_197 = arith.mulf %parallel_loop3A_152, %parallel_loop3A_182 : vector<16xf32>
        %parallel_loop3A_198 = arith.constant 16 : i32
        %parallel_loop3A_199 = arith.muli %parallel_loop3A_41, %parallel_loop3A_198 : i32
        %parallel_loop3A_200 = vector.broadcast %parallel_loop3A_199 : i32 to vector<16xi32>
        %parallel_loop3A_201 = arith.addi %parallel_loop3A_200, %mul3A_5 : vector<16xi32>
        %parallel_loop3A_202 = arith.constant 1 : i32
        %parallel_loop3A_203 = vector.broadcast %parallel_loop3A_202 : i32 to vector<16xi32>
        %parallel_loop3A_204 = arith.addi %parallel_loop3A_201, %parallel_loop3A_203 : vector<16xi32>
        tpu.vector_store_idx %arg7[%parallel_loop3A_204], %parallel_loop3A_183 : memref<8192xf32, #tpu.memory_space<vmem>>[vector<16xi32>], vector<16xf32>,
        %parallel_loop3A_205 = arith.constant 2 : i32
        %parallel_loop3A_206 = vector.broadcast %parallel_loop3A_205 : i32 to vector<16xi32>
        %parallel_loop3A_207 = arith.addi %parallel_loop3A_201, %parallel_loop3A_206 : vector<16xi32>
        tpu.vector_store_idx %arg7[%parallel_loop3A_207], %parallel_loop3A_184 : memref<8192xf32, #tpu.memory_space<vmem>>[vector<16xi32>], vector<16xf32>,
        %parallel_loop3A_208 = arith.constant 3 : i32
        %parallel_loop3A_209 = vector.broadcast %parallel_loop3A_208 : i32 to vector<16xi32>
        %parallel_loop3A_210 = arith.addi %parallel_loop3A_201, %parallel_loop3A_209 : vector<16xi32>
        tpu.vector_store_idx %arg7[%parallel_loop3A_210], %parallel_loop3A_185 : memref<8192xf32, #tpu.memory_space<vmem>>[vector<16xi32>], vector<16xf32>,
        %parallel_loop3A_211 = arith.constant 4 : i32
        %parallel_loop3A_212 = vector.broadcast %parallel_loop3A_211 : i32 to vector<16xi32>
        %parallel_loop3A_213 = arith.addi %parallel_loop3A_201, %parallel_loop3A_212 : vector<16xi32>
        tpu.vector_store_idx %arg7[%parallel_loop3A_213], %parallel_loop3A_186 : memref<8192xf32, #tpu.memory_space<vmem>>[vector<16xi32>], vector<16xf32>,
        %parallel_loop3A_214 = arith.constant 5 : i32
        %parallel_loop3A_215 = vector.broadcast %parallel_loop3A_214 : i32 to vector<16xi32>
        %parallel_loop3A_216 = arith.addi %parallel_loop3A_201, %parallel_loop3A_215 : vector<16xi32>
        tpu.vector_store_idx %arg7[%parallel_loop3A_216], %parallel_loop3A_187 : memref<8192xf32, #tpu.memory_space<vmem>>[vector<16xi32>], vector<16xf32>,
        %parallel_loop3A_217 = arith.constant 6 : i32
        %parallel_loop3A_218 = vector.broadcast %parallel_loop3A_217 : i32 to vector<16xi32>
        %parallel_loop3A_219 = arith.addi %parallel_loop3A_201, %parallel_loop3A_218 : vector<16xi32>
        tpu.vector_store_idx %arg7[%parallel_loop3A_219], %parallel_loop3A_188 : memref<8192xf32, #tpu.memory_space<vmem>>[vector<16xi32>], vector<16xf32>,
        %parallel_loop3A_220 = arith.constant 7 : i32
        %parallel_loop3A_221 = vector.broadcast %parallel_loop3A_220 : i32 to vector<16xi32>
        %parallel_loop3A_222 = arith.addi %parallel_loop3A_201, %parallel_loop3A_221 : vector<16xi32>
        tpu.vector_store_idx %arg7[%parallel_loop3A_222], %parallel_loop3A_189 : memref<8192xf32, #tpu.memory_space<vmem>>[vector<16xi32>], vector<16xf32>,
        %parallel_loop3A_223 = arith.constant 8 : i32
        %parallel_loop3A_224 = vector.broadcast %parallel_loop3A_223 : i32 to vector<16xi32>
        %parallel_loop3A_225 = arith.addi %parallel_loop3A_201, %parallel_loop3A_224 : vector<16xi32>
        tpu.vector_store_idx %arg7[%parallel_loop3A_225], %parallel_loop3A_190 : memref<8192xf32, #tpu.memory_space<vmem>>[vector<16xi32>], vector<16xf32>,
        %parallel_loop3A_226 = arith.constant 9 : i32
        %parallel_loop3A_227 = vector.broadcast %parallel_loop3A_226 : i32 to vector<16xi32>
        %parallel_loop3A_228 = arith.addi %parallel_loop3A_201, %parallel_loop3A_227 : vector<16xi32>
        tpu.vector_store_idx %arg7[%parallel_loop3A_228], %parallel_loop3A_191 : memref<8192xf32, #tpu.memory_space<vmem>>[vector<16xi32>], vector<16xf32>,
        %parallel_loop3A_229 = arith.constant 10 : i32
        %parallel_loop3A_230 = vector.broadcast %parallel_loop3A_229 : i32 to vector<16xi32>
        %parallel_loop3A_231 = arith.addi %parallel_loop3A_201, %parallel_loop3A_230 : vector<16xi32>
        tpu.vector_store_idx %arg7[%parallel_loop3A_231], %parallel_loop3A_192 : memref<8192xf32, #tpu.memory_space<vmem>>[vector<16xi32>], vector<16xf32>,
        %parallel_loop3A_232 = arith.constant 11 : i32
        %parallel_loop3A_233 = vector.broadcast %parallel_loop3A_232 : i32 to vector<16xi32>
        %parallel_loop3A_234 = arith.addi %parallel_loop3A_201, %parallel_loop3A_233 : vector<16xi32>
        tpu.vector_store_idx %arg7[%parallel_loop3A_234], %parallel_loop3A_193 : memref<8192xf32, #tpu.memory_space<vmem>>[vector<16xi32>], vector<16xf32>,
        %parallel_loop3A_235 = arith.constant 12 : i32
        %parallel_loop3A_236 = vector.broadcast %parallel_loop3A_235 : i32 to vector<16xi32>
        %parallel_loop3A_237 = arith.addi %parallel_loop3A_201, %parallel_loop3A_236 : vector<16xi32>
        tpu.vector_store_idx %arg7[%parallel_loop3A_237], %parallel_loop3A_194 : memref<8192xf32, #tpu.memory_space<vmem>>[vector<16xi32>], vector<16xf32>,
        %parallel_loop3A_238 = arith.constant 13 : i32
        %parallel_loop3A_239 = vector.broadcast %parallel_loop3A_238 : i32 to vector<16xi32>
        %parallel_loop3A_240 = arith.addi %parallel_loop3A_201, %parallel_loop3A_239 : vector<16xi32>
        tpu.vector_store_idx %arg7[%parallel_loop3A_240], %parallel_loop3A_195 : memref<8192xf32, #tpu.memory_space<vmem>>[vector<16xi32>], vector<16xf32>,
        %parallel_loop3A_241 = arith.constant 14 : i32
        %parallel_loop3A_242 = vector.broadcast %parallel_loop3A_241 : i32 to vector<16xi32>
        %parallel_loop3A_243 = arith.addi %parallel_loop3A_201, %parallel_loop3A_242 : vector<16xi32>
        tpu.vector_store_idx %arg7[%parallel_loop3A_243], %parallel_loop3A_196 : memref<8192xf32, #tpu.memory_space<vmem>>[vector<16xi32>], vector<16xf32>,
        %parallel_loop3A_244 = arith.constant 15 : i32
        %parallel_loop3A_245 = vector.broadcast %parallel_loop3A_244 : i32 to vector<16xi32>
        %parallel_loop3A_246 = arith.addi %parallel_loop3A_201, %parallel_loop3A_245 : vector<16xi32>
        tpu.vector_store_idx %arg7[%parallel_loop3A_246], %parallel_loop3A_197 : memref<8192xf32, #tpu.memory_space<vmem>>[vector<16xi32>], vector<16xf32>,
      } {sc.loop_unroll_factor = 2 : i64, sc.parallel_access}
      %mul3A_37 = arith.constant 2048 : i32
      %mul3A_38 = arith.muli %add3A_32, %mul3A_37 : i32
      "tpu.region"() ({
        %run_scoped3A = tpu.sem_alloc : memref<!tpu.dma_semaphore, #tpu.memory_space<semaphore_mem>>
        %dma_start3A_39 = arith.constant 0 : i32
        %dma_start3A_40 = tpu.memref_slice %arg7[%dma_start3A_39] : memref<8192xf32, #tpu.memory_space<vmem>> -> memref<2048xf32, #tpu.memory_space<vmem>>
        %dma_start3A_41 = tpu.memref_slice %arg4[%mul3A_38] : memref<16000000xf32, #tpu.memory_space<hbm>> -> memref<2048xf32, #tpu.memory_space<hbm>>
        %dma_start3A_42 = tpu.memref_slice %arg4[%mul3A_38] : memref<16000000xf32, #tpu.memory_space<hbm>> -> memref<2048xf32, #tpu.memory_space<hbm>>
        %dma_start3A_43 = arith.constant 0 : i32
        %dma_start3A_44 = tpu.memref_slice %arg7[%dma_start3A_43] : memref<8192xf32, #tpu.memory_space<vmem>> -> memref<2048xf32, #tpu.memory_space<vmem>>
        tpu.enqueue_dma source(%dma_start3A_44 : memref<2048xf32, #tpu.memory_space<vmem>>) target(%dma_start3A_42 : memref<2048xf32, #tpu.memory_space<hbm>>) target_semaphore(%run_scoped3A : memref<!tpu.dma_semaphore, #tpu.memory_space<semaphore_mem>>)
        %dma_wait3A_45 = arith.constant 0 : i32
        %dma_wait3A_46 = tpu.memref_slice %arg7[%dma_wait3A_45] : memref<8192xf32, #tpu.memory_space<vmem>> -> memref<2048xf32, #tpu.memory_space<vmem>>
        %dma_wait3A_47 = tpu.memref_slice %arg4[%mul3A_38] : memref<16000000xf32, #tpu.memory_space<hbm>> -> memref<2048xf32, #tpu.memory_space<hbm>>
        %dma_wait3A_48 = tpu.memref_slice %arg4[%mul3A_38] : memref<16000000xf32, #tpu.memory_space<hbm>> -> memref<2048xf32, #tpu.memory_space<hbm>>
        %dma_wait3A_49 = arith.constant 0 : i32
        %dma_wait3A_50 = tpu.memref_slice %arg7[%dma_wait3A_49] : memref<8192xf32, #tpu.memory_space<vmem>> -> memref<2048xf32, #tpu.memory_space<vmem>>
        tpu.wait_dma2 semaphore(%run_scoped3A : memref<!tpu.dma_semaphore, #tpu.memory_space<semaphore_mem>>) src(%dma_wait3A_50 : memref<2048xf32, #tpu.memory_space<vmem>>) dst(%dma_wait3A_48 : memref<2048xf32, #tpu.memory_space<hbm>>)
        tpu.yield
      }) : () -> ()
    } else {
    }
    %eq3A = arith.constant 4 : i32
    %eq3A_27 = arith.cmpi eq, %add3A, %eq3A : i32
    %convert_element_type3A_28 = arith.extui %eq3A_27 : i1 to i32
    %cond3A_29 = arith.constant 0 : i32
    %cond3A_30 = arith.cmpi ne, %convert_element_type3A_28, %cond3A_29 : i32
    scf.if %cond3A_30 {
      "tpu.region"() ({
        %run_scoped3A = tpu.sem_alloc : memref<!tpu.dma_semaphore, #tpu.memory_space<semaphore_mem>>
        tpu.enqueue_dma source(%arg3 : memref<16x64xf32, #tpu.memory_space<hbm>>) target(%arg9 : memref<16x64xf32, #tpu.memory_space<vmem>>) target_semaphore(%run_scoped3A : memref<!tpu.dma_semaphore, #tpu.memory_space<semaphore_mem>>)
        tpu.wait_dma2 semaphore(%run_scoped3A : memref<!tpu.dma_semaphore, #tpu.memory_space<semaphore_mem>>) src(%arg3 : memref<16x64xf32, #tpu.memory_space<hbm>>) dst(%arg9 : memref<16x64xf32, #tpu.memory_space<vmem>>)
        tpu.yield
      }) : () -> ()
      %parallel_loop3A = arith.constant 0 : i32
      %parallel_loop3A_31 = arith.constant 4 : i32
      %parallel_loop3A_32 = arith.constant 1 : i32
      scf.for %parallel_loop3A_33 = %parallel_loop3A to %parallel_loop3A_31 step %parallel_loop3A_32  : i32 {
        %parallel_loop3A_34 = arith.constant 16 : i32
        %parallel_loop3A_35 = arith.muli %parallel_loop3A_33, %parallel_loop3A_34 : i32
        %parallel_loop3A_36 = arith.constant 0 : i32
        %parallel_loop3A_37 = arith.index_cast %parallel_loop3A_36 : i32 to index
        %parallel_loop3A_38 = arith.index_cast %parallel_loop3A_35 : i32 to index
        %parallel_loop3A_39 = tpu.vector_load %arg9[%parallel_loop3A_37, %parallel_loop3A_38] {strides = array<i32>} : memref<16x64xf32, #tpu.memory_space<vmem>>, vector<16xf32>,
        %parallel_loop3A_40 = arith.constant 1 : i32
        %parallel_loop3A_41 = arith.index_cast %parallel_loop3A_40 : i32 to index
        %parallel_loop3A_42 = arith.index_cast %parallel_loop3A_35 : i32 to index
        %parallel_loop3A_43 = tpu.vector_load %arg9[%parallel_loop3A_41, %parallel_loop3A_42] {strides = array<i32>} : memref<16x64xf32, #tpu.memory_space<vmem>>, vector<16xf32>,
        %parallel_loop3A_44 = arith.constant 2 : i32
        %parallel_loop3A_45 = arith.index_cast %parallel_loop3A_44 : i32 to index
        %parallel_loop3A_46 = arith.index_cast %parallel_loop3A_35 : i32 to index
        %parallel_loop3A_47 = tpu.vector_load %arg9[%parallel_loop3A_45, %parallel_loop3A_46] {strides = array<i32>} : memref<16x64xf32, #tpu.memory_space<vmem>>, vector<16xf32>,
        %parallel_loop3A_48 = arith.constant 3 : i32
        %parallel_loop3A_49 = arith.index_cast %parallel_loop3A_48 : i32 to index
        %parallel_loop3A_50 = arith.index_cast %parallel_loop3A_35 : i32 to index
        %parallel_loop3A_51 = tpu.vector_load %arg9[%parallel_loop3A_49, %parallel_loop3A_50] {strides = array<i32>} : memref<16x64xf32, #tpu.memory_space<vmem>>, vector<16xf32>,
        %parallel_loop3A_52 = arith.constant 4 : i32
        %parallel_loop3A_53 = arith.index_cast %parallel_loop3A_52 : i32 to index
        %parallel_loop3A_54 = arith.index_cast %parallel_loop3A_35 : i32 to index
        %parallel_loop3A_55 = tpu.vector_load %arg9[%parallel_loop3A_53, %parallel_loop3A_54] {strides = array<i32>} : memref<16x64xf32, #tpu.memory_space<vmem>>, vector<16xf32>,
        %parallel_loop3A_56 = arith.constant 5 : i32
        %parallel_loop3A_57 = arith.index_cast %parallel_loop3A_56 : i32 to index
        %parallel_loop3A_58 = arith.index_cast %parallel_loop3A_35 : i32 to index
        %parallel_loop3A_59 = tpu.vector_load %arg9[%parallel_loop3A_57, %parallel_loop3A_58] {strides = array<i32>} : memref<16x64xf32, #tpu.memory_space<vmem>>, vector<16xf32>,
        %parallel_loop3A_60 = arith.constant 6 : i32
        %parallel_loop3A_61 = arith.index_cast %parallel_loop3A_60 : i32 to index
        %parallel_loop3A_62 = arith.index_cast %parallel_loop3A_35 : i32 to index
        %parallel_loop3A_63 = tpu.vector_load %arg9[%parallel_loop3A_61, %parallel_loop3A_62] {strides = array<i32>} : memref<16x64xf32, #tpu.memory_space<vmem>>, vector<16xf32>,
        %parallel_loop3A_64 = arith.constant 7 : i32
        %parallel_loop3A_65 = arith.index_cast %parallel_loop3A_64 : i32 to index
        %parallel_loop3A_66 = arith.index_cast %parallel_loop3A_35 : i32 to index
        %parallel_loop3A_67 = tpu.vector_load %arg9[%parallel_loop3A_65, %parallel_loop3A_66] {strides = array<i32>} : memref<16x64xf32, #tpu.memory_space<vmem>>, vector<16xf32>,
        %parallel_loop3A_68 = arith.constant 8 : i32
        %parallel_loop3A_69 = arith.index_cast %parallel_loop3A_68 : i32 to index
        %parallel_loop3A_70 = arith.index_cast %parallel_loop3A_35 : i32 to index
        %parallel_loop3A_71 = tpu.vector_load %arg9[%parallel_loop3A_69, %parallel_loop3A_70] {strides = array<i32>} : memref<16x64xf32, #tpu.memory_space<vmem>>, vector<16xf32>,
        %parallel_loop3A_72 = arith.constant 9 : i32
        %parallel_loop3A_73 = arith.index_cast %parallel_loop3A_72 : i32 to index
        %parallel_loop3A_74 = arith.index_cast %parallel_loop3A_35 : i32 to index
        %parallel_loop3A_75 = tpu.vector_load %arg9[%parallel_loop3A_73, %parallel_loop3A_74] {strides = array<i32>} : memref<16x64xf32, #tpu.memory_space<vmem>>, vector<16xf32>,
        %parallel_loop3A_76 = arith.constant 10 : i32
        %parallel_loop3A_77 = arith.index_cast %parallel_loop3A_76 : i32 to index
        %parallel_loop3A_78 = arith.index_cast %parallel_loop3A_35 : i32 to index
        %parallel_loop3A_79 = tpu.vector_load %arg9[%parallel_loop3A_77, %parallel_loop3A_78] {strides = array<i32>} : memref<16x64xf32, #tpu.memory_space<vmem>>, vector<16xf32>,
        %parallel_loop3A_80 = arith.constant 11 : i32
        %parallel_loop3A_81 = arith.index_cast %parallel_loop3A_80 : i32 to index
        %parallel_loop3A_82 = arith.index_cast %parallel_loop3A_35 : i32 to index
        %parallel_loop3A_83 = tpu.vector_load %arg9[%parallel_loop3A_81, %parallel_loop3A_82] {strides = array<i32>} : memref<16x64xf32, #tpu.memory_space<vmem>>, vector<16xf32>,
        %parallel_loop3A_84 = arith.constant 12 : i32
        %parallel_loop3A_85 = arith.index_cast %parallel_loop3A_84 : i32 to index
        %parallel_loop3A_86 = arith.index_cast %parallel_loop3A_35 : i32 to index
        %parallel_loop3A_87 = tpu.vector_load %arg9[%parallel_loop3A_85, %parallel_loop3A_86] {strides = array<i32>} : memref<16x64xf32, #tpu.memory_space<vmem>>, vector<16xf32>,
        %parallel_loop3A_88 = arith.constant 13 : i32
        %parallel_loop3A_89 = arith.index_cast %parallel_loop3A_88 : i32 to index
        %parallel_loop3A_90 = arith.index_cast %parallel_loop3A_35 : i32 to index
        %parallel_loop3A_91 = tpu.vector_load %arg9[%parallel_loop3A_89, %parallel_loop3A_90] {strides = array<i32>} : memref<16x64xf32, #tpu.memory_space<vmem>>, vector<16xf32>,
        %parallel_loop3A_92 = arith.constant 14 : i32
        %parallel_loop3A_93 = arith.index_cast %parallel_loop3A_92 : i32 to index
        %parallel_loop3A_94 = arith.index_cast %parallel_loop3A_35 : i32 to index
        %parallel_loop3A_95 = tpu.vector_load %arg9[%parallel_loop3A_93, %parallel_loop3A_94] {strides = array<i32>} : memref<16x64xf32, #tpu.memory_space<vmem>>, vector<16xf32>,
        %parallel_loop3A_96 = arith.constant 15 : i32
        %parallel_loop3A_97 = arith.index_cast %parallel_loop3A_96 : i32 to index
        %parallel_loop3A_98 = arith.index_cast %parallel_loop3A_35 : i32 to index
        %parallel_loop3A_99 = tpu.vector_load %arg9[%parallel_loop3A_97, %parallel_loop3A_98] {strides = array<i32>} : memref<16x64xf32, #tpu.memory_space<vmem>>, vector<16xf32>,
        %parallel_loop3A_100 = arith.maximumf %parallel_loop3A_39, %parallel_loop3A_43 : vector<16xf32>
        %parallel_loop3A_101 = arith.maximumf %parallel_loop3A_100, %parallel_loop3A_47 : vector<16xf32>
        %parallel_loop3A_102 = arith.maximumf %parallel_loop3A_101, %parallel_loop3A_51 : vector<16xf32>
        %parallel_loop3A_103 = arith.maximumf %parallel_loop3A_102, %parallel_loop3A_55 : vector<16xf32>
        %parallel_loop3A_104 = arith.maximumf %parallel_loop3A_103, %parallel_loop3A_59 : vector<16xf32>
        %parallel_loop3A_105 = arith.maximumf %parallel_loop3A_104, %parallel_loop3A_63 : vector<16xf32>
        %parallel_loop3A_106 = arith.maximumf %parallel_loop3A_105, %parallel_loop3A_67 : vector<16xf32>
        %parallel_loop3A_107 = arith.maximumf %parallel_loop3A_106, %parallel_loop3A_71 : vector<16xf32>
        %parallel_loop3A_108 = arith.maximumf %parallel_loop3A_107, %parallel_loop3A_75 : vector<16xf32>
        %parallel_loop3A_109 = arith.maximumf %parallel_loop3A_108, %parallel_loop3A_79 : vector<16xf32>
        %parallel_loop3A_110 = arith.maximumf %parallel_loop3A_109, %parallel_loop3A_83 : vector<16xf32>
        %parallel_loop3A_111 = arith.maximumf %parallel_loop3A_110, %parallel_loop3A_87 : vector<16xf32>
        %parallel_loop3A_112 = arith.maximumf %parallel_loop3A_111, %parallel_loop3A_91 : vector<16xf32>
        %parallel_loop3A_113 = arith.maximumf %parallel_loop3A_112, %parallel_loop3A_95 : vector<16xf32>
        %parallel_loop3A_114 = arith.maximumf %parallel_loop3A_113, %parallel_loop3A_99 : vector<16xf32>
        %parallel_loop3A_115 = arith.subf %parallel_loop3A_39, %parallel_loop3A_114 : vector<16xf32>
        %parallel_loop3A_116 = math.exp %parallel_loop3A_115 : vector<16xf32>
        %parallel_loop3A_117 = arith.subf %parallel_loop3A_43, %parallel_loop3A_114 : vector<16xf32>
        %parallel_loop3A_118 = math.exp %parallel_loop3A_117 : vector<16xf32>
        %parallel_loop3A_119 = arith.subf %parallel_loop3A_47, %parallel_loop3A_114 : vector<16xf32>
        %parallel_loop3A_120 = math.exp %parallel_loop3A_119 : vector<16xf32>
        %parallel_loop3A_121 = arith.subf %parallel_loop3A_51, %parallel_loop3A_114 : vector<16xf32>
        %parallel_loop3A_122 = math.exp %parallel_loop3A_121 : vector<16xf32>
        %parallel_loop3A_123 = arith.subf %parallel_loop3A_55, %parallel_loop3A_114 : vector<16xf32>
        %parallel_loop3A_124 = math.exp %parallel_loop3A_123 : vector<16xf32>
        %parallel_loop3A_125 = arith.subf %parallel_loop3A_59, %parallel_loop3A_114 : vector<16xf32>
        %parallel_loop3A_126 = math.exp %parallel_loop3A_125 : vector<16xf32>
        %parallel_loop3A_127 = arith.subf %parallel_loop3A_63, %parallel_loop3A_114 : vector<16xf32>
        %parallel_loop3A_128 = math.exp %parallel_loop3A_127 : vector<16xf32>
        %parallel_loop3A_129 = arith.subf %parallel_loop3A_67, %parallel_loop3A_114 : vector<16xf32>
        %parallel_loop3A_130 = math.exp %parallel_loop3A_129 : vector<16xf32>
        %parallel_loop3A_131 = arith.subf %parallel_loop3A_71, %parallel_loop3A_114 : vector<16xf32>
        %parallel_loop3A_132 = math.exp %parallel_loop3A_131 : vector<16xf32>
        %parallel_loop3A_133 = arith.subf %parallel_loop3A_75, %parallel_loop3A_114 : vector<16xf32>
        %parallel_loop3A_134 = math.exp %parallel_loop3A_133 : vector<16xf32>
        %parallel_loop3A_135 = arith.subf %parallel_loop3A_79, %parallel_loop3A_114 : vector<16xf32>
        %parallel_loop3A_136 = math.exp %parallel_loop3A_135 : vector<16xf32>
        %parallel_loop3A_137 = arith.subf %parallel_loop3A_83, %parallel_loop3A_114 : vector<16xf32>
        %parallel_loop3A_138 = math.exp %parallel_loop3A_137 : vector<16xf32>
        %parallel_loop3A_139 = arith.subf %parallel_loop3A_87, %parallel_loop3A_114 : vector<16xf32>
        %parallel_loop3A_140 = math.exp %parallel_loop3A_139 : vector<16xf32>
        %parallel_loop3A_141 = arith.subf %parallel_loop3A_91, %parallel_loop3A_114 : vector<16xf32>
        %parallel_loop3A_142 = math.exp %parallel_loop3A_141 : vector<16xf32>
        %parallel_loop3A_143 = arith.subf %parallel_loop3A_95, %parallel_loop3A_114 : vector<16xf32>
        %parallel_loop3A_144 = math.exp %parallel_loop3A_143 : vector<16xf32>
        %parallel_loop3A_145 = arith.subf %parallel_loop3A_99, %parallel_loop3A_114 : vector<16xf32>
        %parallel_loop3A_146 = math.exp %parallel_loop3A_145 : vector<16xf32>
        %parallel_loop3A_147 = arith.addf %parallel_loop3A_116, %parallel_loop3A_118 : vector<16xf32>
        %parallel_loop3A_148 = arith.addf %parallel_loop3A_147, %parallel_loop3A_120 : vector<16xf32>
        %parallel_loop3A_149 = arith.addf %parallel_loop3A_148, %parallel_loop3A_122 : vector<16xf32>
        %parallel_loop3A_150 = arith.addf %parallel_loop3A_149, %parallel_loop3A_124 : vector<16xf32>
        %parallel_loop3A_151 = arith.addf %parallel_loop3A_150, %parallel_loop3A_126 : vector<16xf32>
        %parallel_loop3A_152 = arith.addf %parallel_loop3A_151, %parallel_loop3A_128 : vector<16xf32>
        %parallel_loop3A_153 = arith.addf %parallel_loop3A_152, %parallel_loop3A_130 : vector<16xf32>
        %parallel_loop3A_154 = arith.addf %parallel_loop3A_153, %parallel_loop3A_132 : vector<16xf32>
        %parallel_loop3A_155 = arith.addf %parallel_loop3A_154, %parallel_loop3A_134 : vector<16xf32>
        %parallel_loop3A_156 = arith.addf %parallel_loop3A_155, %parallel_loop3A_136 : vector<16xf32>
        %parallel_loop3A_157 = arith.addf %parallel_loop3A_156, %parallel_loop3A_138 : vector<16xf32>
        %parallel_loop3A_158 = arith.addf %parallel_loop3A_157, %parallel_loop3A_140 : vector<16xf32>
        %parallel_loop3A_159 = arith.addf %parallel_loop3A_158, %parallel_loop3A_142 : vector<16xf32>
        %parallel_loop3A_160 = arith.addf %parallel_loop3A_159, %parallel_loop3A_144 : vector<16xf32>
        %parallel_loop3A_161 = arith.addf %parallel_loop3A_160, %parallel_loop3A_146 : vector<16xf32>
        %parallel_loop3A_162 = arith.addf %parallel_loop3A_124, %parallel_loop3A_142 : vector<16xf32>
        %parallel_loop3A_163 = arith.addf %parallel_loop3A_162, %parallel_loop3A_144 : vector<16xf32>
        %parallel_loop3A_164 = arith.addf %parallel_loop3A_163, %parallel_loop3A_146 : vector<16xf32>
        %parallel_loop3A_165 = arith.addf %parallel_loop3A_122, %parallel_loop3A_136 : vector<16xf32>
        %parallel_loop3A_166 = arith.addf %parallel_loop3A_165, %parallel_loop3A_138 : vector<16xf32>
        %parallel_loop3A_167 = arith.addf %parallel_loop3A_166, %parallel_loop3A_140 : vector<16xf32>
        %parallel_loop3A_168 = arith.addf %parallel_loop3A_120, %parallel_loop3A_130 : vector<16xf32>
        %parallel_loop3A_169 = arith.addf %parallel_loop3A_168, %parallel_loop3A_132 : vector<16xf32>
        %parallel_loop3A_170 = arith.addf %parallel_loop3A_169, %parallel_loop3A_134 : vector<16xf32>
        %parallel_loop3A_171 = arith.addf %parallel_loop3A_118, %parallel_loop3A_126 : vector<16xf32>
        %parallel_loop3A_172 = arith.addf %parallel_loop3A_171, %parallel_loop3A_128 : vector<16xf32>
        %parallel_loop3A_173 = arith.addf %parallel_loop3A_172, %parallel_loop3A_164 : vector<16xf32>
        %parallel_loop3A_174 = arith.constant 1.000000e+00 : f32
        %parallel_loop3A_175 = vector.broadcast %parallel_loop3A_174 : f32 to vector<16xf32>
        %parallel_loop3A_176 = arith.divf %parallel_loop3A_175, %parallel_loop3A_161 : vector<16xf32>
        %parallel_loop3A_177 = arith.mulf %parallel_loop3A_173, %parallel_loop3A_176 : vector<16xf32>
        %parallel_loop3A_178 = arith.mulf %parallel_loop3A_170, %parallel_loop3A_176 : vector<16xf32>
        %parallel_loop3A_179 = arith.mulf %parallel_loop3A_167, %parallel_loop3A_176 : vector<16xf32>
        %parallel_loop3A_180 = arith.mulf %parallel_loop3A_164, %parallel_loop3A_176 : vector<16xf32>
        %parallel_loop3A_181 = arith.mulf %parallel_loop3A_126, %parallel_loop3A_176 : vector<16xf32>
        %parallel_loop3A_182 = arith.mulf %parallel_loop3A_128, %parallel_loop3A_176 : vector<16xf32>
        %parallel_loop3A_183 = arith.mulf %parallel_loop3A_130, %parallel_loop3A_176 : vector<16xf32>
        %parallel_loop3A_184 = arith.mulf %parallel_loop3A_132, %parallel_loop3A_176 : vector<16xf32>
        %parallel_loop3A_185 = arith.mulf %parallel_loop3A_134, %parallel_loop3A_176 : vector<16xf32>
        %parallel_loop3A_186 = arith.mulf %parallel_loop3A_136, %parallel_loop3A_176 : vector<16xf32>
        %parallel_loop3A_187 = arith.mulf %parallel_loop3A_138, %parallel_loop3A_176 : vector<16xf32>
        %parallel_loop3A_188 = arith.mulf %parallel_loop3A_140, %parallel_loop3A_176 : vector<16xf32>
        %parallel_loop3A_189 = arith.mulf %parallel_loop3A_142, %parallel_loop3A_176 : vector<16xf32>
        %parallel_loop3A_190 = arith.mulf %parallel_loop3A_144, %parallel_loop3A_176 : vector<16xf32>
        %parallel_loop3A_191 = arith.mulf %parallel_loop3A_146, %parallel_loop3A_176 : vector<16xf32>
        %parallel_loop3A_192 = arith.constant 16 : i32
        %parallel_loop3A_193 = arith.muli %parallel_loop3A_35, %parallel_loop3A_192 : i32
        %parallel_loop3A_194 = vector.broadcast %parallel_loop3A_193 : i32 to vector<16xi32>
        %parallel_loop3A_195 = arith.addi %parallel_loop3A_194, %mul3A_5 : vector<16xi32>
        %parallel_loop3A_196 = arith.constant 1 : i32
        %parallel_loop3A_197 = vector.broadcast %parallel_loop3A_196 : i32 to vector<16xi32>
        %parallel_loop3A_198 = arith.addi %parallel_loop3A_195, %parallel_loop3A_197 : vector<16xi32>
        tpu.vector_store_idx %arg7[%parallel_loop3A_198], %parallel_loop3A_177 : memref<8192xf32, #tpu.memory_space<vmem>>[vector<16xi32>], vector<16xf32>,
        %parallel_loop3A_199 = arith.constant 2 : i32
        %parallel_loop3A_200 = vector.broadcast %parallel_loop3A_199 : i32 to vector<16xi32>
        %parallel_loop3A_201 = arith.addi %parallel_loop3A_195, %parallel_loop3A_200 : vector<16xi32>
        tpu.vector_store_idx %arg7[%parallel_loop3A_201], %parallel_loop3A_178 : memref<8192xf32, #tpu.memory_space<vmem>>[vector<16xi32>], vector<16xf32>,
        %parallel_loop3A_202 = arith.constant 3 : i32
        %parallel_loop3A_203 = vector.broadcast %parallel_loop3A_202 : i32 to vector<16xi32>
        %parallel_loop3A_204 = arith.addi %parallel_loop3A_195, %parallel_loop3A_203 : vector<16xi32>
        tpu.vector_store_idx %arg7[%parallel_loop3A_204], %parallel_loop3A_179 : memref<8192xf32, #tpu.memory_space<vmem>>[vector<16xi32>], vector<16xf32>,
        %parallel_loop3A_205 = arith.constant 4 : i32
        %parallel_loop3A_206 = vector.broadcast %parallel_loop3A_205 : i32 to vector<16xi32>
        %parallel_loop3A_207 = arith.addi %parallel_loop3A_195, %parallel_loop3A_206 : vector<16xi32>
        tpu.vector_store_idx %arg7[%parallel_loop3A_207], %parallel_loop3A_180 : memref<8192xf32, #tpu.memory_space<vmem>>[vector<16xi32>], vector<16xf32>,
        %parallel_loop3A_208 = arith.constant 5 : i32
        %parallel_loop3A_209 = vector.broadcast %parallel_loop3A_208 : i32 to vector<16xi32>
        %parallel_loop3A_210 = arith.addi %parallel_loop3A_195, %parallel_loop3A_209 : vector<16xi32>
        tpu.vector_store_idx %arg7[%parallel_loop3A_210], %parallel_loop3A_181 : memref<8192xf32, #tpu.memory_space<vmem>>[vector<16xi32>], vector<16xf32>,
        %parallel_loop3A_211 = arith.constant 6 : i32
        %parallel_loop3A_212 = vector.broadcast %parallel_loop3A_211 : i32 to vector<16xi32>
        %parallel_loop3A_213 = arith.addi %parallel_loop3A_195, %parallel_loop3A_212 : vector<16xi32>
        tpu.vector_store_idx %arg7[%parallel_loop3A_213], %parallel_loop3A_182 : memref<8192xf32, #tpu.memory_space<vmem>>[vector<16xi32>], vector<16xf32>,
        %parallel_loop3A_214 = arith.constant 7 : i32
        %parallel_loop3A_215 = vector.broadcast %parallel_loop3A_214 : i32 to vector<16xi32>
        %parallel_loop3A_216 = arith.addi %parallel_loop3A_195, %parallel_loop3A_215 : vector<16xi32>
        tpu.vector_store_idx %arg7[%parallel_loop3A_216], %parallel_loop3A_183 : memref<8192xf32, #tpu.memory_space<vmem>>[vector<16xi32>], vector<16xf32>,
        %parallel_loop3A_217 = arith.constant 8 : i32
        %parallel_loop3A_218 = vector.broadcast %parallel_loop3A_217 : i32 to vector<16xi32>
        %parallel_loop3A_219 = arith.addi %parallel_loop3A_195, %parallel_loop3A_218 : vector<16xi32>
        tpu.vector_store_idx %arg7[%parallel_loop3A_219], %parallel_loop3A_184 : memref<8192xf32, #tpu.memory_space<vmem>>[vector<16xi32>], vector<16xf32>,
        %parallel_loop3A_220 = arith.constant 9 : i32
        %parallel_loop3A_221 = vector.broadcast %parallel_loop3A_220 : i32 to vector<16xi32>
        %parallel_loop3A_222 = arith.addi %parallel_loop3A_195, %parallel_loop3A_221 : vector<16xi32>
        tpu.vector_store_idx %arg7[%parallel_loop3A_222], %parallel_loop3A_185 : memref<8192xf32, #tpu.memory_space<vmem>>[vector<16xi32>], vector<16xf32>,
        %parallel_loop3A_223 = arith.constant 10 : i32
        %parallel_loop3A_224 = vector.broadcast %parallel_loop3A_223 : i32 to vector<16xi32>
        %parallel_loop3A_225 = arith.addi %parallel_loop3A_195, %parallel_loop3A_224 : vector<16xi32>
        tpu.vector_store_idx %arg7[%parallel_loop3A_225], %parallel_loop3A_186 : memref<8192xf32, #tpu.memory_space<vmem>>[vector<16xi32>], vector<16xf32>,
        %parallel_loop3A_226 = arith.constant 11 : i32
        %parallel_loop3A_227 = vector.broadcast %parallel_loop3A_226 : i32 to vector<16xi32>
        %parallel_loop3A_228 = arith.addi %parallel_loop3A_195, %parallel_loop3A_227 : vector<16xi32>
        tpu.vector_store_idx %arg7[%parallel_loop3A_228], %parallel_loop3A_187 : memref<8192xf32, #tpu.memory_space<vmem>>[vector<16xi32>], vector<16xf32>,
        %parallel_loop3A_229 = arith.constant 12 : i32
        %parallel_loop3A_230 = vector.broadcast %parallel_loop3A_229 : i32 to vector<16xi32>
        %parallel_loop3A_231 = arith.addi %parallel_loop3A_195, %parallel_loop3A_230 : vector<16xi32>
        tpu.vector_store_idx %arg7[%parallel_loop3A_231], %parallel_loop3A_188 : memref<8192xf32, #tpu.memory_space<vmem>>[vector<16xi32>], vector<16xf32>,
        %parallel_loop3A_232 = arith.constant 13 : i32
        %parallel_loop3A_233 = vector.broadcast %parallel_loop3A_232 : i32 to vector<16xi32>
        %parallel_loop3A_234 = arith.addi %parallel_loop3A_195, %parallel_loop3A_233 : vector<16xi32>
        tpu.vector_store_idx %arg7[%parallel_loop3A_234], %parallel_loop3A_189 : memref<8192xf32, #tpu.memory_space<vmem>>[vector<16xi32>], vector<16xf32>,
        %parallel_loop3A_235 = arith.constant 14 : i32
        %parallel_loop3A_236 = vector.broadcast %parallel_loop3A_235 : i32 to vector<16xi32>
        %parallel_loop3A_237 = arith.addi %parallel_loop3A_195, %parallel_loop3A_236 : vector<16xi32>
        tpu.vector_store_idx %arg7[%parallel_loop3A_237], %parallel_loop3A_190 : memref<8192xf32, #tpu.memory_space<vmem>>[vector<16xi32>], vector<16xf32>,
        %parallel_loop3A_238 = arith.constant 15 : i32
        %parallel_loop3A_239 = vector.broadcast %parallel_loop3A_238 : i32 to vector<16xi32>
        %parallel_loop3A_240 = arith.addi %parallel_loop3A_195, %parallel_loop3A_239 : vector<16xi32>
        tpu.vector_store_idx %arg7[%parallel_loop3A_240], %parallel_loop3A_191 : memref<8192xf32, #tpu.memory_space<vmem>>[vector<16xi32>], vector<16xf32>,
      } {sc.loop_unroll_factor = 2 : i64, sc.parallel_access}
      "tpu.region"() ({
        %run_scoped3A = tpu.sem_alloc : memref<!tpu.dma_semaphore, #tpu.memory_space<semaphore_mem>>
        %dma_start3A_33 = arith.constant 0 : i32
        %dma_start3A_34 = tpu.memref_slice %arg7[%dma_start3A_33] : memref<8192xf32, #tpu.memory_space<vmem>> -> memref<1024xf32, #tpu.memory_space<vmem>>
        %dma_start3A_35 = arith.constant 15998976 : i32
        %dma_start3A_36 = tpu.memref_slice %arg4[%dma_start3A_35] : memref<16000000xf32, #tpu.memory_space<hbm>> -> memref<1024xf32, #tpu.memory_space<hbm>>
        %dma_start3A_37 = arith.constant 15998976 : i32
        %dma_start3A_38 = tpu.memref_slice %arg4[%dma_start3A_37] : memref<16000000xf32, #tpu.memory_space<hbm>> -> memref<1024xf32, #tpu.memory_space<hbm>>
        %dma_start3A_39 = arith.constant 0 : i32
        %dma_start3A_40 = tpu.memref_slice %arg7[%dma_start3A_39] : memref<8192xf32, #tpu.memory_space<vmem>> -> memref<1024xf32, #tpu.memory_space<vmem>>
        tpu.enqueue_dma source(%dma_start3A_40 : memref<1024xf32, #tpu.memory_space<vmem>>) target(%dma_start3A_38 : memref<1024xf32, #tpu.memory_space<hbm>>) target_semaphore(%run_scoped3A : memref<!tpu.dma_semaphore, #tpu.memory_space<semaphore_mem>>)
        %dma_wait3A_41 = arith.constant 0 : i32
        %dma_wait3A_42 = tpu.memref_slice %arg7[%dma_wait3A_41] : memref<8192xf32, #tpu.memory_space<vmem>> -> memref<1024xf32, #tpu.memory_space<vmem>>
        %dma_wait3A_43 = arith.constant 15998976 : i32
        %dma_wait3A_44 = tpu.memref_slice %arg4[%dma_wait3A_43] : memref<16000000xf32, #tpu.memory_space<hbm>> -> memref<1024xf32, #tpu.memory_space<hbm>>
        %dma_wait3A_45 = arith.constant 15998976 : i32
        %dma_wait3A_46 = tpu.memref_slice %arg4[%dma_wait3A_45] : memref<16000000xf32, #tpu.memory_space<hbm>> -> memref<1024xf32, #tpu.memory_space<hbm>>
        %dma_wait3A_47 = arith.constant 0 : i32
        %dma_wait3A_48 = tpu.memref_slice %arg7[%dma_wait3A_47] : memref<8192xf32, #tpu.memory_space<vmem>> -> memref<1024xf32, #tpu.memory_space<vmem>>
        tpu.wait_dma2 semaphore(%run_scoped3A : memref<!tpu.dma_semaphore, #tpu.memory_space<semaphore_mem>>) src(%dma_wait3A_48 : memref<1024xf32, #tpu.memory_space<vmem>>) dst(%dma_wait3A_46 : memref<1024xf32, #tpu.memory_space<hbm>>)
        tpu.yield
      }) : () -> ()
    } else {
    }
    return
  }
}

</mosaic_0001>

<sc_bundles>
// kernel: _build_gtable.3.cloned.1.call-start
scs
__scs_entry_jumppad:
0x0: {  	(pc) =	sbr.rel $0x88, $3  }
0x1: {  	(tag) =	ssettag $0x0;
	lr =	simm.s32 $0x1  }
0x2: {  	[smem:$0x3F9F] =	sst lr;
	_ =	strace $0xD0000000  }
0x3: {  	_ = 	snop  }
0x4: {  	_ = 	snop  }
0x5: {  	_ = 	snop  }
0x6: {  	_ = 	snop  }
0x7: {  	_ = 	snop  }
__scs_overlays_trampoline_lowered:
0x8: {  	[smem:$0x3FAE] =	sst s0  }
0x9: {  	[smem:$0x3FAF] =	sst s1  }
0xa: {  	[smem:$0x3FB0] =	sst s2  }
0xb: {  	[smem:$0x3FB1] =	sst s3  }
0xc: {  	[smem:$0x3FB2] =	sst s4  }
0xd: {  	[smem:$0x3FB3] =	sst s5  }
0xe: {  	[smem:$0x3FB4] =	sst s6  }
0xf: {  	[smem:$0x3FB5] =	sst s7  }
0x10: {  	[smem:$0x3FB6] =	sst s8  }
0x11: {  	[smem:$0x3FB7] =	sst s9;
	s0 =	simm.s32 @!p0 $0x0  }
0x12: {  	s1 =	sld [smem:$0x3F9D];
	s0 =	simm.s32 @p0 $0x1  }
0x13: {  	[smem:$0x3FB8] =	sst s0;
	s0 =	simm.s32 @!p1 $0x0  }
0x14: {  	s2 =	sld [smem:$0x3F9C];
	s0 =	simm.s32 @p1 $0x1  }
0x15: {  	[smem:$0x3FB9] =	sst s0;
	s0 =	simm.s32 @!p2 $0x0  }
0x16: {  	s3 =	sld [smem:$0x3FDB];
	s0 =	simm.s32 @p2 $0x1  }
0x17: {  	s4 =	simm.s32 $0x1BF5;
	[smem:$0x3FBB] =	sst s0  }
0x18: {  	s0 =	sld [smem:$0x3F9E];
	_ =	swait.ge [sflag:s4], $0x0  }
0x19: {  	s7 =	sld [smem:$0x3F9F]  }
0x1a: {  	s8 =	sadd.s32 $0xFFFFE003, lr  }
0x1b: {  	s9 =	sadd.s32 $0xFFFFFEF7, lr;
	s5 =	simm.s32 $0xFFFFFFFF;
	p2 =	slt.u32 s8, $0xFFFFF086  }
0x1c: {  	p1 =	slt.u32 s9, $0xF7A;
	s5 =	simm.s32 @!p2 $0x0  }
0x1d: {  	s5 =	simm.s32 @p1 $0x1;
	p0 =	seq.s32 s7, s2  }
0x1e: {  	s7 =	smul.u32 @!p0 $0xF7A, s2;
	p2 =	seq.s32 @!p0 s5, $0x0  }
0x1f: {  	s9 =	smul.u32 $0xF7A, s1;
	s8 =	simm.s32 @!p0 $0x1BF5;
	p2 =	por !p2, p0  }
0x20: {  	[sflag:s8] =	ssyncset.s32 @!p0 $0xFFFFF086;
	s6 =	sadd.s32 @!p0 s3, s7;
	s7 =	simm.s32 @!p0 $0x108  }
0x21: {  	s3 =	sadd.s32 s3, s9;
	s6 =	sadd.s32 @!p0 $0x88, s6;
	s7 =	simm.s32 @p2 $0x1082  }
0x22: {  	[simem:s7], [sflag:s8] =	dma.local @!p0 [hbm:s6], $0xF7A  }
0x23: {  	s9 =	sor.u32 $0xD0000000, s2;
	s6 =	simm.s32 $0x108;
	_ =	swait.ge @!p0 [sflag:s8], $0x0  }
0x24: {  	s3 =	sadd.s32 $0x88, s3;
	s6 =	simm.s32 @!p1 $0x1082;
	[sflag:s4] =	ssyncset.s32 $0xFFFFF086  }
0x25: {  	[simem:s6], [sflag:s4] =	dma.local [hbm:s3], $0xF7A  }
0x26: {  	[smem:$0x3F9F] =	sst s1;
	(tag) =	ssettag s2;
	_ =	strace s9  }
0x27: {  	s1 =	sld [smem:$0x3FAF]  }
0x28: {  	s2 =	sld [smem:$0x3FB0]  }
0x29: {  	s4 =	sld [smem:$0x3FB2]  }
0x2a: {  	p0 =	seq.s32 s5, $0x0;
	s5 =	sld [smem:$0x3FB3]  }
0x2b: {  	s6 =	sld [smem:$0x3FB4]  }
0x2c: {  	s7 =	sld [smem:$0x3FB5]  }
0x2d: {  	s3 =	simm.s32 $0x108;
	s8 =	sld [smem:$0x3FB6]  }
0x2e: {  	s3 =	simm.s32 @!p0 $0x1082;
	s9 =	sld [smem:$0x3FB7]  }
0x2f: {  	lr =	sadd.s32 s0, s3;
	s0 =	sld [smem:$0x3FAE]  }
0x30: {  	s3 =	sld [smem:$0x3FB1]  }
0x31: {  	[smem:$0x3FBA] =	sst s10  }
0x32: {  	s10 =	sld [smem:$0x3FB8];
	_ =	sdelay $0x3  }
0x33: {  	p0 =	seq.s32 s10, $0x1;
	s10 =	sld [smem:$0x3FBA];
	_ =	sdelay $0x3  }
0x34: {  	[smem:$0x3FBA] =	sst s10  }
0x35: {  	s10 =	sld [smem:$0x3FB9];
	_ =	sdelay $0x3  }
0x36: {  	p1 =	seq.s32 s10, $0x1;
	s10 =	sld [smem:$0x3FBA];
	_ =	sdelay $0x3  }
0x37: {  	[smem:$0x3FBA] =	sst s10  }
0x38: {  	s10 =	sld [smem:$0x3FBB]  }
0x39: {  	_ = 	snop;
	(pc) =	sbr.ind lr, $3  }
0x3a: {  	_ = 	snop  }
0x3b: {  	_ = 	snop  }
0x3c: {  	p2 =	seq.s32 s10, $0x1;
	s10 =	sld [smem:$0x3FBA]  }
0x3d: {  	_ =	shalt  }
0x3e: {  	_ =	shalt  }
0x3f: {  	_ =	shalt  }
0x40: {  	_ =	shalt  }
0x41: {  	_ =	shalt  }
0x42: {  	_ =	shalt  }
0x43: {  	_ =	shalt  }
0x44: {  	_ =	shalt  }
0x45: {  	_ =	shalt  }
0x46: {  	_ =	shalt  }
0x47: {  	_ =	shalt  }
0x48: {  	_ =	shalt  }
0x49: {  	_ =	shalt  }
0x4a: {  	_ =	shalt  }
0x4b: {  	_ =	shalt  }
0x4c: {  	_ =	shalt  }
0x4d: {  	_ =	shalt  }
0x4e: {  	_ =	shalt  }
0x4f: {  	_ =	shalt  }
0x50: {  	_ =	shalt  }
0x51: {  	_ =	shalt  }
0x52: {  	_ =	shalt  }
0x53: {  	_ =	shalt  }
0x54: {  	_ =	shalt  }
0x55: {  	_ =	shalt  }
0x56: {  	_ =	shalt  }
0x57: {  	_ =	shalt  }
0x58: {  	_ =	shalt  }
0x59: {  	_ =	shalt  }
0x5a: {  	_ =	shalt  }
0x5b: {  	_ =	shalt  }
0x5c: {  	_ =	shalt  }
0x5d: {  	_ =	shalt  }
0x5e: {  	_ =	shalt  }
0x5f: {  	_ =	shalt  }
0x60: {  	_ =	shalt  }
0x61: {  	_ =	shalt  }
0x62: {  	_ =	shalt  }
0x63: {  	_ =	shalt  }
0x64: {  	_ =	shalt  }
0x65: {  	_ =	shalt  }
0x66: {  	_ =	shalt  }
0x67: {  	_ =	shalt  }
0x68: {  	_ =	shalt  }
0x69: {  	_ =	shalt  }
0x6a: {  	_ =	shalt  }
0x6b: {  	_ =	shalt  }
0x6c: {  	_ =	shalt  }
0x6d: {  	_ =	shalt  }
0x6e: {  	_ =	shalt  }
0x6f: {  	_ =	shalt  }
0x70: {  	_ =	shalt  }
0x71: {  	_ =	shalt  }
0x72: {  	_ =	shalt  }
0x73: {  	_ =	shalt  }
0x74: {  	_ =	shalt  }
0x75: {  	_ =	shalt  }
0x76: {  	_ =	shalt  }
0x77: {  	_ =	shalt  }
0x78: {  	_ =	shalt  }
0x79: {  	_ =	shalt  }
0x7a: {  	_ =	shalt  }
0x7b: {  	_ =	shalt  }
0x7c: {  	_ =	shalt  }
0x7d: {  	_ =	shalt  }
0x7e: {  	_ =	shalt  }
0x7f: {  	_ =	shalt  }
0x80: {  	_ =	shalt  }
0x81: {  	_ =	shalt  }
0x82: {  	_ =	shalt  }
0x83: {  	_ =	shalt  }
0x84: {  	_ =	shalt  }
0x85: {  	_ =	shalt  }
0x86: {  	_ =	shalt  }
0x87: {  	_ =	shalt  }
.Lfunc_end0:
.L_simem_size_0:
called_computation_lowered:
.L_overlay_start_0:
0x88: {  	s2 =	sld [smem:$0x3FD9]  }
0x89: {  	s3 =	sld [smem:$0x3FFE];
	_ =	sdelay $0x1  }
0x8a: {  	s1 =	srdreg.scid  }
0x8b: {  	s0 =	sand.u32 $0x1, s1  }
0x8c: {  	s18 =	sshll.u32 s0, $0xA;
	s2 =	sadd.s32 s3, s2  }
0x8d: {  	s2 =	sadd.s32 s2, s18  }
0x8e: {  	[smem:$0x3FC6] =	sst s2  }
0x8f: {  	_ = 	snop  }
0x90: {  	s2 =	sld [smem:$0x3FC9]  }
0x91: {  	s19 =	sld [smem:$0x3FC8]  }
0x92: {  	s4 =	sld [smem:$0x3FD0];
	(tm) =	ssettm $0x1  }
0x93: {  	s5 =	sld [smem:$0x3FFB];
	_ =	sdelay $0x3  }
0x94: {  	_ =	strace s5  }
0x95: {  	s5 =	sld [smem:$0x3FFC];
	_ =	sdelay $0x3  }
0x96: {  	_ =	strace s5  }
0x97: {  	s5 =	sld [smem:$0x3FFD];
	_ =	sdelay $0x3  }
0x98: {  	_ =	strace s5  }
0x99: {  	_ =	strace $0x8FFFFFFF  }
0x9a: {  	s20 =	sld [smem:$0x3FDB];
	_ =	sdelay $0x1  }
0x9b: {  	s6 =	simm.s32 $_scs_section_size  }
0x9c: {  	s7 =	simm.s32 $_size__tile_overlayer_lowered;
	s8 =	simm.s32 $_tile_overlayer_lowered  }
0x9d: {  	s23 =	simm.s32 $0x1BFF;
	s22 =	sshll.u32 s8, $0x1;
	s5 =	sadd.s32 s6, s20  }
0x9e: {  	s9 =	simm.s32 $0x0;
	s21 =	sshll.u32 s7, $0x1;
	s7 =	sadd.s32 s22, s5  }
0x9f: {  	[timem:s9], [sflag:s23] =	dma.local [hbm:s7], s21  }
0xa0: {  	_ =	swait.ge [sflag:s23], s21  }
0xa1: {  	s6 =	ssub.s32 $0x0, s21;
	[sflag:s23] =	ssyncset.done $0x0  }
0xa2: {  	[sflag:s23] =	ssyncadd.s32 s6;
	_ =	sdelay $0x1  }
0xa3: {  	s24 =	simm.s32 $0x1B8B  }
0xa4: {  	_ =	swait.ge [sflag:s24], $0x1  }
0xa5: {  	[sflag:s24] =	ssyncset.done $0x0  }
0xa6: {  	s25 =	simm.s32 $0x1B8E;
	[sflag:s24] =	ssyncadd.s32 $0xFFFFFFFF  }
0xa7: {  	s26 =	simm.s32 $execute0_lowered;
	[smem:$0x3FD2] =	sst s25  }
0xa8: {  	s6 =	sshll.u32 s26, $0x1;
	_ =	strace $0x80000046;
	[dreg:$0x1] =	wrdreg $0xFFFFFFFF  }
0xa9: {  	s28 =	simm.s32 $_size_execute0_lowered;
	s5 =	sadd.s32 s5, s6;
	[dreg:$0x0] =	wrdreg $0x0  }
0xaa: {  	s6 =	sshll.u32 s28, $0x1;
	[dreg:$0x2] =	wrdreg s5  }
0xab: {  	[dreg:$0x3] =	wrdreg s6  }
0xac: {  	[dreg:$0x4] =	wrdreg $0xC0  }
0xad: {  	_ =	task [dreg:s9], $0x5FFFF  }
0xae: {  	[dreg:$0x1] =	wrdreg $0xFFFFFFFF  }
0xaf: {  	[dreg:$0x0] =	wrdreg $0x60  }
0xb0: {  	[dreg:$0x2] =	wrdreg s2  }
0xb1: {  	[dreg:$0x3] =	wrdreg s19  }
0xb2: {  	[dreg:$0x4] =	wrdreg s4  }
0xb3: {  	[dreg:$0x5] =	wrdreg $0x9  }
0xb4: {  	_ =	task.clear_ibuf [dreg:s9], $0x6FFFF;
	_ =	strace $0x90000046  }
0xb5: {  	s29 =	simm.s32 $0x9;
	_ =	strace $0x80000048  }
0xb6: {  	_ =	swait.ge [sflag:s29], $0x1  }
0xb7: {  	[sflag:s29] =	ssyncadd.s32 $0xFFFFFFFF  }
0xb8: {  	_ =	strace $0x90000048  }
0xb9: {  	_ =	sfence  }
0xba: {  	s30 =	sld [smem:$0x0];
	_ =	sdelay $0x2  }
0xbb: {  	s31 =	sshll.u32 s1, $0xD;
	s1 =	sshrl.u32 s1, $0x2  }
0xbc: {  	s3 =	sand.u32 $0x4000, s31;
	s1 =	sadd.s32 s1, s30  }
0xbd: {  	s0 =	sor.u32 s3, s0;
	s1 =	sshll.u32 s1, $0x11  }
0xbe: {  	s0 =	sor.u32 s1, s0  }
0xbf: {  	s0 =	sadd.s32 $0x8F2B, s0  }
0xc0: {  	[sflag:s0] =	ssyncadd.remote.s32 $0x1  }
0xc1: {  	_ =	sfence.sel $0xFFFF  }
0xc2: {  	[dreg:$0x0] =	wrdreg $0xFFFFFFFF;
	(pc) =	sbr.abs _section_cstart, $3  }
0xc3: {  	[dreg:$0x1] =	wrdreg $0xFFFFFFFF  }
0xc4: {  	_ =	task.clear_ibuf [dreg:s9], $0x2FFFF;
	_ =	strace $0x9FFFFFFF  }
0xc5: {  	(tm) =	ssettm $0x7FFFFFFF  }
tec
execute0_lowered:
.L_overlay_start_1:
0x0: {  	(tag) =	ssettag $0x1  }
0x1: {  	v0 =	vlaneseq.u32  }
0x2: {  	v0 =	vmul.u32 $0x10, v0  }
0x3: {  	s9 =	rddreg [dreg:$0x0];
	s5 =	simm.s32 $0x0  }
0x4: {  	[smem:$0x7FF] =	sst s5;
	v59 =	vor.u32 $0x1, v0  }
0x5: {  	s4 =	rddreg [dreg:$0x2];
	_ =	strace $0x80000047;
	v56 =	vor.u32 $0x2, v0;
	[tilespmem:$0x1FF10] =	vst v59  }
0x6: {  	v14 =	vor.u32 $0x9, v0;
	[tilespmem:$0x1FF20] =	vst v56  }
0x7: {  	v38 =	vor.u32 $0xA, v0;
	[tilespmem:$0x1FF30] =	vst v14  }
0x8: {  	s0 =	srdreg.scid;
	v39 =	vor.u32 $0xB, v0;
	[tilespmem:$0x1FF40] =	vst v38  }
0x9: {  	s2 =	stileid.u32;
	s16 =	simm.s32 $0x1;
	s17 =	simm.s32 $0x4000;
	v43 =	vor.u32 $0xC, v0;
	[tilespmem:$0x1FF50] =	vst v39  }
0xa: {  	s18 =	simm.s32 $0x6000;
	s0 =	sand.u32 $0x1, s0;
	s1 =	sshll.u32 s2, $0x1;
	v44 =	vor.u32 $0xD, v0;
	[tilespmem:$0x1FF60] =	vst v43  }
0xb: {  	s31 =	sadd.s32 $0x1E8400, s4;
	s3 =	ssub.s32 $0x2, s0;
	s0 =	sor.u32 s0, s1;
	v47 =	vor.u32 $0xE, v0;
	[tilespmem:$0x1FF70] =	vst v44  }
0xc: {  	p0 =	sgt.u32 s2, $0x1;
	[dreg:$0x8] =	wrdreg s31;
	s6 =	smul.u32 $0x7A00, s0;
	v48 =	vor.u32 $0xF, v0;
	[tilespmem:$0x1FF80] =	vst v47  }
0xd: {  	s26 =	sshrl.u32 s3, $0x1;
	s7 =	smul.u32 $0x3D000, s0;
	s29 =	sor.u32 $0x1E80, s0;
	v40 =	vor.u32 $0x7, v0;
	[tilespmem:$0x1FF90] =	vst v48  }
0xe: {  	v13 =	vor.u32 $0x6, v0;
	s1 =	ssub.s32 s3, s26;
	s30 =	sshll.u32 s29, $0x7;
	[tilespmem:$0x1FFA0] =	vst v40;
	s28 =	sadd.s32 s9, s6  }
.Ltmp0:
0xf: {  	v41 =	vor.u32 $0x4, v0;
	[tilespmem:$0x1FFB0] =	vst v13;
	s10 =	sadd.s32 $0x2000, s7;
	[dreg:$0x4] =	wrdreg s28;
	(pc) =	sbr.rel .LBB2_1-.Ltmp0, $4  }
0x10: {  	v46 =	vor.u32 $0x8, v0;
	s3 =	sshll.u32 s29, $0x8;
	[tilespmem:$0x1FFC0] =	vst v41;
	s6 =	sadd.s32 s9, s30;
	[dreg:$0x5] =	wrdreg s10  }
0x11: {  	s2 =	smov.u32 s9;
	v45 =	vor.u32 $0x3, v0;
	[tilespmem:$0x1FFD0] =	vst v46;
	s3 =	sadd.s32 s4, s3;
	[dreg:$0x6] =	wrdreg s6  }
0x12: {  	s8 =	smul.u32 $0x7A000, s0;
	v42 =	vor.u32 $0x5, v0;
	[tilespmem:$0x1FFE0] =	vst v45;
	s1 =	smax.u32 s1, $0x1;
	[dreg:$0x7] =	wrdreg s3  }
0x13: {  	p1 =	sne.s32 s0, $0x4;
	[tilespmem:$0x1FFF0] =	vst v42;
	[dreg:$0x9] =	wrdreg s1;
	s3 =	simm.s32 $0x0  }
.LBB2_17:
0x14: {  	s3 =	sadd.s32 $0x1, s3;
	s0 =	rddreg [dreg:$0x9]  }
0x15: {  	p2 =	sne.s32 s3, s0  }
.Ltmp1:
0x16: {  	_ = 	snop;
	(pc) =	sbr.rel @!p2 .LBB2_18-.Ltmp1, $1  }
0x17: {  	_ =	sdelay $0x3  }
.LBB2_1:
.Ltmp2:
0x18: {  	(pc) =	sbr.rel .LBB2_2-.Ltmp2, $4  }
0x19: {  	[dreg:$0xa] =	wrdreg s3  }
0x1a: {  	s0 =	rddreg [dreg:$0x4]  }
0x1b: {  	s1 =	simm.s32 $0x1000;
	s31 =	simm.s32 $0x7A1400;
	s25 =	simm.s32 $0x0  }
0x1c: {  	[tilespmem:s5], [sflag:$0x1] =	stream.strided.gather [hbm4b:s0+s1], $0x2000, s31, s1, $0x38;
	[tilespmem:$0x9000] =	vst v63  }
.LBB2_8:
0x1d: {  	s25 =	sadd.s32 $0x1, s25  }
0x1e: {  	p2 =	sne.s32 s25, $0x1F  }
.Ltmp3:
0x1f: {  	_ = 	snop;
	(pc) =	sbr.rel @!p2 .LBB2_9-.Ltmp3, $1  }
0x20: {  	_ =	sdelay $0x3  }
.LBB2_2:
0x21: {  	s26 =	sshllo.u32 s25, $0x1  }
0x22: {  	p3 =	sgt.u32 s26, $0x3C  }
0x23: {  	_ =	swait.ge [sflag:s16], $0x2000;
	s0 =	sshll.u32 @!p3 s26, $0xC  }
0x24: {  	p2 =	seq.s32 s25, $0x0;
	[sflag:s16] =	ssyncset.done $0x0;
	s0 =	sadd.s32 @!p3 s7, s0  }
0x25: {  	[sflag:s16] =	ssyncadd.s32 $0xFFFFE000;
	s1 =	simm.s32 @!p3 $0x1000;
	s0 =	sshrl.u32 @!p3 s0, $0x3  }
0x26: {  	s3 =	simm.s32 @!p3 $0x7A1400;
	s6 =	simm.s32 @!p3 $0x2000;
	s0 =	sadd.s32 @!p3 s2, s0  }
0x27: {  	[tilespmem:s6], [sflag:$0x1] =	stream.strided.gather @!p3 [hbm4b:s0+s1], $0x2000, s3, s1, $0x38;
	[tilespmem:$0x9000] =	vst v63  }
0x28: {  	s0 =	simm.s32 @!p2 $0x2  }
0x29: {  	s23 =	simm.s32 $0x0;
	s1 =	simm.s32 $0x0;
	_ =	swait.ge @!p2 [sflag:s0], $0x2000  }
0x2a: {  	s11 =	sand.u32 $0x60, s23;
	s20 =	sand.u32 $0xC00, s1;
	[sflag:s0] =	ssyncset.done @!p2 $0x0  }
0x2b: {  	s24 =	sor.u32 s11, s20;
	[sflag:s0] =	ssyncadd.s32 @!p2 $0xFFFFE000  }
0x2c: {  	v0 =	vld [tilespmem:s24+$0x0]  }
0x2d: {  	v1 =	vld [tilespmem:s24+$0x80]  }
0x2e: {  	s9 =	sand.u32 $0x3, s1;
	v2 =	vld [tilespmem:s24+$0x100]  }
0x2f: {  	s6 =	sshll.u32 s9, $0x5;
	v3 =	vld [tilespmem:s24+$0x180]  }
0x30: {  	s6 =	sadd.s32 $0x0, s6;
	v4 =	vld [tilespmem:s24+$0x200]  }
0x31: {  	s3 =	sor.u32 s23, s1;
	v15 =	vld [tilespmem:s24+$0x280];
	s10 =	sor.u32 $0x300, s6  }
0x32: {  	s12 =	sor.u32 $0x380, s3;
	s13 =	sor.u32 $0x1000, s20;
	v16 =	vld [tilespmem:s10+$0x0];
	v17 =	vmax.f32 v0, v1  }
0x33: {  	s19 =	sor.u32 $0x1080, s20;
	s14 =	sor.u32 s11, s13;
	v18 =	vld [tilespmem:s12+$0x0];
	v17 =	vmax.f32 v17, v2  }
0x34: {  	s15 =	sor.u32 s11, s19;
	v19 =	vld [tilespmem:s14+$0x0];
	s14 =	sor.u32 $0x1100, s20;
	v17 =	vmax.f32 v17, v3  }
0x35: {  	v20 =	vld [tilespmem:s15+$0x0];
	s12 =	sor.u32 $0x1180, s20;
	s21 =	sor.u32 s11, s14;
	v17 =	vmax.f32 v17, v4  }
0x36: {  	s22 =	sor.u32 s11, s12;
	s10 =	sor.u32 $0x1200, s20;
	v21 =	vld [tilespmem:s21+$0x0];
	v17 =	vmax.f32 v17, v15  }
0x37: {  	s3 =	sor.u32 $0x1280, s20;
	v22 =	vld [tilespmem:s22+$0x0];
	s23 =	sor.u32 s11, s10;
	v17 =	vmax.f32 v17, v16  }
0x38: {  	s24 =	sor.u32 s11, s3;
	s6 =	sor.u32 $0x1300, s20;
	v23 =	vld [tilespmem:s23+$0x0];
	v17 =	vmax.f32 v17, v18  }
0x39: {  	s0 =	sor.u32 $0x1380, s20;
	v24 =	vld [tilespmem:s24+$0x0];
	s21 =	sor.u32 s11, s6;
	v17 =	vmax.f32 v17, v19  }
0x3a: {  	s11 =	sor.u32 s11, s0;
	v25 =	vld [tilespmem:s21+$0x0];
	v17 =	vmax.f32 v17, v20  }
0x3b: {  	v26 =	vld [tilespmem:s11+$0x0];
	v17 =	vmax.f32 v17, v21  }
0x3c: {  	v17 =	vmax.f32 v17, v22  }
0x3d: {  	v17 =	vmax.f32 v17, v23  }
0x3e: {  	v17 =	vmax.f32 v17, v24  }
0x3f: {  	s9 =	simm.s32 $0x10;
	v17 =	vmax.f32 v17, v25  }
0x40: {  	s11 =	sand.u32 $0x70, s9;
	v29 =	vmax.f32 v17, v26  }
0x41: {  	s20 =	sor.u32 s11, s20;
	v0 =	vsub.f32 v0, v29  }
0x42: {  	v27 =	vld [tilespmem:s20+$0x0];
	v1 =	vsub.f32 v1, v29  }
0x43: {  	v28 =	vld [tilespmem:s20+$0x80];
	v0 =	vmul.f32 $1.442695020e+00, v0  }
0x44: {  	v30 =	vld [tilespmem:s20+$0x100];
	v2 =	vsub.f32 v2, v29;
	v1 =	vmul.f32 $1.442695020e+00, v1  }
0x45: {  	s22 =	sand.u32 $0x7, s1;
	v31 =	vld [tilespmem:s20+$0x180];
	(erf) = vpow2.f32 v0  }
0x46: {  	s22 =	sshll.u32 s22, $0x4;
	v3 =	vsub.f32 v3, v29;
	v2 =	vmul.f32 $1.442695020e+00, v2;
	v0 =	vld [tilespmem:s20+$0x200];
	(erf) = vpow2.f32 v1  }
0x47: {  	s22 =	sadd.s32 $0x0, s22;
	v32 =	vld [tilespmem:s20+$0x280];
	v4 =	vsub.f32 v4, v29  }
0x48: {  	s22 =	sadd.s32 $0x10, s22;
	v17 =	vmax.f32 v27, v28;
	v3 =	vmul.f32 $1.442695020e+00, v3;
	(erf) = vpow2.f32 v2  }
0x49: {  	s15 =	sor.u32 $0x300, s22;
	v1 =	vmax.f32 v17, v30;
	v2 =	vmul.f32 $1.442695020e+00, v4;
	v4 =	vsub.f32 v15, v29  }
0x4a: {  	v33 =	vld [tilespmem:s15+$0x0];
	v1 =	vmax.f32 v1, v31;
	(erf) = vpow2.f32 v3  }
0x4b: {  	v3 =	vmul.f32 $1.442695020e+00, v4;
	v4 =	vsub.f32 v16, v29;
	v1 =	vmax.f32 v1, v0  }
0x4c: {  	(erf) = vpow2.f32 v2;
	v1 =	vmax.f32 v1, v32  }
0x4d: {  	v2 =	vmul.f32 $1.442695020e+00, v4  }
0x4e: {  	s1 =	sor.u32 s9, s1;
	v15 =	vpop (erf)  }
0x4f: {  	s1 =	sor.u32 $0x380, s1;
	v4 =	vsub.f32 v18, v29;
	(erf) = vpow2.f32 v3;
	v3 =	vmax.f32 v1, v33;
	v1 =	vpop (erf)  }
0x50: {  	v35 =	vld [tilespmem:s1+$0x0];
	s21 =	sor.u32 s11, s13;
	v15 =	vadd.f32 v1, v15  }
0x51: {  	v36 =	vld [tilespmem:s21+$0x0];
	s22 =	sor.u32 s11, s19;
	v16 =	vsub.f32 v19, v29;
	v4 =	vmul.f32 $1.442695020e+00, v4;
	(erf) = vpow2.f32 v2;
	v2 =	vpop (erf)  }
0x52: {  	s23 =	sor.u32 s11, s14;
	v17 =	vsub.f32 v20, v29;
	v18 =	vld [tilespmem:s22+$0x0];
	v15 =	vadd.f32 v15, v2  }
0x53: {  	s12 =	sor.u32 s11, s12;
	v37 =	vld [tilespmem:s23+$0x0];
	v16 =	vmul.f32 $1.442695020e+00, v16;
	(erf) = vpow2.f32 v4;
	v39 =	vpop (erf)  }
0x54: {  	s24 =	sor.u32 s11, s10;
	v38 =	vld [tilespmem:s12+$0x0];
	v17 =	vmul.f32 $1.442695020e+00, v17;
	v15 =	vadd.f32 v15, v39  }
0x55: {  	s9 =	sor.u32 s11, s3;
	v3 =	vmax.f32 v3, v35;
	v4 =	vld [tilespmem:s24+$0x0];
	(erf) = vpow2.f32 v16;
	v16 =	vsub.f32 v21, v29;
	v21 =	vpop (erf)  }
0x56: {  	s10 =	sor.u32 s11, s6;
	v44 =	vld [tilespmem:s9+$0x0];
	v20 =	vsub.f32 v22, v29;
	v3 =	vmax.f32 v3, v36;
	v15 =	vadd.f32 v15, v21  }
0x57: {  	s0 =	sor.u32 s11, s0;
	v47 =	vld [tilespmem:s10+$0x0];
	v3 =	vmax.f32 v3, v18;
	(erf) = vpow2.f32 v17;
	v16 =	vmul.f32 $1.442695020e+00, v16  }
0x58: {  	v23 =	vsub.f32 v23, v29;
	v20 =	vmul.f32 $1.442695020e+00, v20;
	v19 =	vld [tilespmem:s0+$0x0];
	v3 =	vmax.f32 v3, v37;
	v48 =	vpop (erf)  }
0x59: {  	v3 =	vmax.f32 v3, v38;
	(erf) = vpow2.f32 v16;
	v22 =	vadd.f32 v15, v48  }
0x5a: {  	v24 =	vsub.f32 v24, v29;
	v23 =	vmul.f32 $1.442695020e+00, v23;
	v3 =	vmax.f32 v3, v4;
	v15 =	vpop (erf)  }
0x5b: {  	v3 =	vmax.f32 v3, v44;
	(erf) = vpow2.f32 v20;
	v22 =	vadd.f32 v22, v15  }
0x5c: {  	v25 =	vsub.f32 v25, v29;
	v24 =	vmul.f32 $1.442695020e+00, v24;
	v3 =	vmax.f32 v3, v47;
	v16 =	vpop (erf)  }
0x5d: {  	(erf) = vpow2.f32 v23;
	v3 =	vmax.f32 v3, v19;
	v22 =	vadd.f32 v22, v16  }
0x5e: {  	v26 =	vsub.f32 v26, v29;
	v23 =	vsub.f32 v27, v3;
	v20 =	vpop (erf)  }
0x5f: {  	v25 =	vmul.f32 $1.442695020e+00, v25;
	(erf) = vpow2.f32 v24;
	v22 =	vadd.f32 v22, v20  }
0x60: {  	v24 =	vsub.f32 v28, v3;
	v23 =	vmul.f32 $1.442695020e+00, v23;
	v29 =	vpop (erf)  }
0x61: {  	v26 =	vmul.f32 $1.442695020e+00, v26;
	(erf) = vpow2.f32 v25;
	v22 =	vadd.f32 v22, v29  }
0x62: {  	v27 =	vsub.f32 v30, v3;
	v24 =	vmul.f32 $1.442695020e+00, v24;
	(erf) = vpow2.f32 v23;
	v28 =	vpop (erf)  }
0x63: {  	v0 =	vsub.f32 v0, v3;
	(erf) = vpow2.f32 v26;
	v22 =	vadd.f32 v22, v28  }
0x64: {  	v25 =	vmul.f32 $1.442695020e+00, v27;
	v23 =	vsub.f32 v31, v3;
	(erf) = vpow2.f32 v24;
	v34 =	vpop (erf)  }
0x65: {  	v0 =	vmul.f32 $1.442695020e+00, v0;
	v24 =	vsub.f32 v32, v3;
	v22 =	vadd.f32 v22, v34  }
0x66: {  	v23 =	vmul.f32 $1.442695020e+00, v23;
	(erf) = vpow2.f32 v25;
	v56 =	vpop (erf)  }
0x67: {  	v25 =	vsub.f32 v33, v3;
	v24 =	vmul.f32 $1.442695020e+00, v24;
	v22 =	vadd.f32 v22, v56  }
0x68: {  	v26 =	vsub.f32 v36, v3;
	(erf) = vpow2.f32 v23;
	v23 =	vsub.f32 v35, v3;
	v51 =	vpop (erf)  }
0x69: {  	v25 =	vmul.f32 $1.442695020e+00, v25;
	(erf) = vpow2.f32 v0;
	v0 =	vadd.f32 v22, v51  }
0x6a: {  	v18 =	vsub.f32 v18, v3;
	v52 =	vpop (erf);
	(erf) = vpow2.f32 v24;
	v22 =	vmul.f32 $1.442695020e+00, v23  }
0x6b: {  	v24 =	vpop (erf);
	(erf) = vpow2.f32 v25;
	v23 =	vmul.f32 $1.442695020e+00, v26;
	v0 =	vadd.f32 v0, v52  }
0x6c: {  	v18 =	vmul.f32 $1.442695020e+00, v18;
	v25 =	vsub.f32 v37, v3;
	v53 =	vpop (erf);
	(erf) = vpow2.f32 v22  }
0x6d: {  	v35 =	vpop (erf);
	(erf) = vpow2.f32 v23;
	v0 =	vadd.f32 v0, v53  }
0x6e: {  	v23 =	vadd.f32 v35, v24;
	v24 =	vmul.f32 $1.442695020e+00, v25;
	(erf) = vpow2.f32 v18  }
0x6f: {  	v21 =	vadd.f32 v51, v21;
	v27 =	vpop (erf);
	(erf) = vrcp.f32 v0;
	v0 =	vld [tilespmem:$0x1FF20]  }
0x70: {  	v8 =	vmov v13;
	v1 =	vadd.f32 v48, v1;
	v22 =	vsub.f32 v38, v3  }
0x71: {  	v6 =	vmov v40;
	s28 =	simm.s32 $0x100;
	s11 =	simm.s32 $0x20;
	v4 =	vsub.f32 v4, v3;
	v21 =	vadd.f32 v21, v52;
	v26 =	vpop (erf)  }
0x72: {  	s14 =	sand.u32 $0x60, s11;
	s20 =	sand.u32 $0xC00, s28;
	v25 =	vsub.f32 v47, v3;
	v22 =	vmul.f32 $1.442695020e+00, v22;
	(erf) = vpow2.f32 v24;
	v24 =	vpop (erf)  }
0x73: {  	s12 =	sor.u32 s14, s20;
	s0 =	simm.s32 $0x0;
	v4 =	vmul.f32 $1.442695020e+00, v4;
	v18 =	vadd.f32 v23, v27;
	v23 =	vsub.f32 v44, v3;
	v13 =	vpop (erf)  }
0x74: {  	v57 =	vld [tilespmem:s12+$0x0];
	(erf) = vpow2.f32 v22;
	v22 =	vmul.f32 $1.442695020e+00, v25;
	v14 =	vpop (erf);
	v0 =	vor.u32 s0, v0  }
0x75: {  	v50 =	vld [tilespmem:s12+$0x180];
	v1 =	vadd.f32 v1, v15;
	v21 =	vadd.f32 v21, v53;
	v23 =	vmul.f32 $1.442695020e+00, v23;
	v9 =	vpop (erf)  }
0x76: {  	v2 =	vadd.f32 v16, v2;
	v18 =	vadd.f32 v18, v26;
	v25 =	vld [tilespmem:s12+$0x100];
	(erf) = vpow2.f32 v4;
	v40 =	vpop (erf)  }
0x77: {  	v1 =	vadd.f32 v21, v1;
	(erf) = vpow2.f32 v23;
	v23 =	vld [tilespmem:s12+$0x80];
	[tilespmem:$0x1FDC0] =	vst v0;
	v0 =	vpop (erf)  }
0x78: {  	s29 =	simm.s32 $0x1;
	v2 =	vadd.f32 v2, v20;
	v18 =	vadd.f32 v18, v24;
	(erf) = vpow2.f32 v22;
	v22 =	vpop (erf)  }
0x79: {  	s13 =	sand.u32 $0x3, s29;
	v5 =	vor.u32 s0, v45;
	v4 =	vadd.f32 v28, v39;
	[tilespmem:$0x1FDB0] =	vst v0;
	v1 =	vmul.f32 v22, v1  }
0x7a: {  	v7 =	vmov v41;
	s6 =	sshll.u32 s13, $0x5;
	v2 =	vadd.f32 v2, v29;
	v18 =	vadd.f32 v18, v13;
	v60 =	vld [tilespmem:s12+$0x200];
	[tilespmem:$0x1FDE0] =	vst v5  }
0x7b: {  	s6 =	sadd.s32 $0x100, s6;
	v4 =	vadd.f32 v4, v34;
	v61 =	vld [tilespmem:s12+$0x280];
	[tilespmem:$0x1FDA0] =	vst v1;
	v1 =	vor.u32 s0, v7  }
0x7c: {  	s15 =	sor.u32 $0x300, s6;
	s1 =	sor.u32 s11, s28;
	v18 =	vadd.f32 v18, v14;
	v2 =	vmul.f32 v22, v2;
	[tilespmem:$0x1FE00] =	vst v1  }
0x7d: {  	s1 =	sor.u32 $0x380, s1;
	v4 =	vadd.f32 v4, v56;
	v62 =	vld [tilespmem:s15+$0x0]  }
0x7e: {  	s3 =	sor.u32 $0x1000, s20;
	v18 =	vadd.f32 v18, v9;
	v63 =	vld [tilespmem:s1+$0x0];
	[tilespmem:$0x1FDD0] =	vst v2;
	v2 =	vor.u32 s0, v42  }
0x7f: {  	s19 =	sor.u32 s14, s3;
	v3 =	vsub.f32 v19, v3;
	v4 =	vmul.f32 v22, v4;
	s1 =	sor.u32 $0x1080, s20;
	[tilespmem:$0x1FE20] =	vst v2  }
0x80: {  	v18 =	vadd.f32 v18, v40;
	s21 =	sor.u32 s14, s1;
	v12 =	vld [tilespmem:s19+$0x0]  }
0x81: {  	s6 =	sor.u32 $0x1100, s20;
	v2 =	vmul.f32 $1.442695020e+00, v3;
	v3 =	vld [tilespmem:s21+$0x0];
	[tilespmem:$0x1FDF0] =	vst v4;
	v4 =	vor.u32 s0, v8  }
0x82: {  	s10 =	sor.u32 $0x1180, s20;
	s22 =	sor.u32 s14, s6;
	v5 =	vmul.f32 v22, v21;
	v18 =	vadd.f32 v18, v0;
	v0 =	vpop (erf);
	[tilespmem:$0x1FE40] =	vst v4  }
0x83: {  	s23 =	sor.u32 s14, s10;
	v17 =	vld [tilespmem:s22+$0x0];
	[tilespmem:$0x1FF00] =	vst v0  }
0x84: {  	v4 =	vld [tilespmem:s23+$0x0];
	[tilespmem:$0x1FE10] =	vst v5;
	v5 =	vor.u32 s0, v6  }
0x85: {  	s11 =	sor.u32 $0x1200, s20;
	(erf) = vpow2.f32 v2;
	v2 =	vadd.f32 v18, v0;
	[tilespmem:$0x1FE60] =	vst v5;
	v5 =	vmul.f32 v22, v48  }
0x86: {  	s24 =	sor.u32 s14, s11;
	s12 =	sor.u32 $0x1280, s20;
	v44 =	vmov v0;
	v0 =	vpop (erf)  }
0x87: {  	s9 =	sor.u32 s14, s12;
	v1 =	vmax.f32 v57, v23;
	v2 =	vadd.f32 v2, v0;
	v6 =	vmovc v0;
	v0 =	vor.u32 s0, v46;
	v21 =	vld [tilespmem:s24+$0x0];
	[tilespmem:$0x1FE30] =	vst v5  }
0x88: {  	v1 =	vmax.f32 v1, v25;
	v19 =	vld [tilespmem:s9+$0x0];
	[tilespmem:$0x1FE80] =	vst v0;
	v0 =	vmul.f32 v22, v15  }
0x89: {  	v1 =	vmax.f32 v1, v50  }
0x8a: {  	s13 =	sor.u32 $0x1300, s20;
	v1 =	vmax.f32 v1, v60;
	[tilespmem:$0x1FE50] =	vst v0;
	v0 =	vmul.f32 v22, v16  }
0x8b: {  	s15 =	sor.u32 s14, s13;
	v1 =	vmax.f32 v1, v61  }
0x8c: {  	s19 =	sor.u32 $0x1380, s20;
	v1 =	vmax.f32 v1, v62;
	v18 =	vld [tilespmem:s15+$0x0];
	[tilespmem:$0x1FE70] =	vst v0;
	v0 =	vmul.f32 v22, v20  }
0x8d: {  	s22 =	sor.u32 s14, s19;
	v1 =	vmax.f32 v1, v63  }
0x8e: {  	s30 =	simm.s32 $0x30;
	v1 =	vmax.f32 v1, v12;
	v58 =	vld [tilespmem:s22+$0x0];
	[tilespmem:$0x1FE90] =	vst v0;
	v0 =	vmul.f32 v22, v29  }
0x8f: {  	s14 =	sand.u32 $0x70, s30;
	v54 =	vpop (erf);
	v1 =	vmax.f32 v1, v3;
	v5 =	vmul.f32 v22, v28  }
0x90: {  	s20 =	sor.u32 s14, s20;
	v2 =	vadd.f32 v2, v54;
	v1 =	vmax.f32 v1, v17;
	[tilespmem:$0x1FEA0] =	vst v0  }
0x91: {  	v55 =	vpop (erf);
	v1 =	vmax.f32 v1, v4;
	v29 =	vld [tilespmem:s20+$0x0];
	[tilespmem:$0x1FEB0] =	vst v5;
	v5 =	vmul.f32 v22, v34  }
0x92: {  	v2 =	vadd.f32 v2, v55;
	v16 =	vadd.f32 v55, v24;
	v1 =	vmax.f32 v1, v21  }
0x93: {  	v1 =	vmax.f32 v1, v19;
	v0 =	vpop (erf);
	[tilespmem:$0x1FEC0] =	vst v5  }
0x94: {  	v33 =	vadd.f32 v16, v0;
	v2 =	vadd.f32 v2, v0;
	v28 =	vld [tilespmem:s20+$0x80];
	[tilespmem:$0x1FD80] =	vst v0;
	v0 =	vmul.f32 v22, v51  }
0x95: {  	v1 =	vmax.f32 v1, v18  }
0x96: {  	v30 =	vld [tilespmem:s20+$0x100];
	[tilespmem:$0x1FED0] =	vst v0;
	v0 =	vmax.f32 v1, v58;
	v1 =	vmul.f32 v22, v52  }
0x97: {  	s23 =	simm.s32 $0x2;
	v5 =	vpop (erf);
	v20 =	vsub.f32 v57, v0  }
0x98: {  	v11 =	vor.u32 s0, v59;
	s21 =	sand.u32 $0x7, s23;
	v39 =	vld [tilespmem:s20+$0x180];
	v23 =	vsub.f32 v23, v0;
	[tilespmem:$0x1FEE0] =	vst v1;
	v1 =	vadd.f32 v2, v5  }
0x99: {  	v31 =	vadd.f32 v44, v26;
	s21 =	sshll.u32 s21, $0x4;
	v25 =	vsub.f32 v25, v0;
	v20 =	vmul.f32 $1.442695020e+00, v20  }
0x9a: {  	s21 =	sadd.s32 $0x100, s21;
	v47 =	vsub.f32 v61, v0;
	v26 =	vmul.f32 $1.442695020e+00, v23;
	(erf) = vrcp.f32 v1  }
0x9b: {  	s21 =	sadd.s32 $0x10, s21;
	v32 =	vld [tilespmem:s20+$0x200];
	v1 =	vmax.f32 v29, v28;
	(erf) = vpow2.f32 v20;
	v20 =	vsub.f32 v50, v0  }
0x9c: {  	s24 =	sor.u32 s30, s28;
	s21 =	sor.u32 $0x300, s21;
	v38 =	vsub.f32 v12, v0;
	v57 =	vld [tilespmem:s20+$0x280];
	v25 =	vmul.f32 $1.442695020e+00, v25;
	v1 =	vmax.f32 v1, v30  }
0x9d: {  	v43 =	vld [tilespmem:s21+$0x0];
	s20 =	sor.u32 $0x380, s24;
	(erf) = vpow2.f32 v26;
	v26 =	vsub.f32 v60, v0;
	v20 =	vmul.f32 $1.442695020e+00, v20  }
0x9e: {  	s3 =	sor.u32 s14, s3;
	v3 =	vsub.f32 v3, v0;
	v44 =	vld [tilespmem:s20+$0x0];
	v1 =	vmax.f32 v1, v39;
	(erf) = vpow2.f32 v25  }
0x9f: {  	s1 =	sor.u32 s14, s1;
	v24 =	vmovc v42;
	v42 =	vld [tilespmem:s3+$0x0];
	v48 =	vmul.f32 $1.442695020e+00, v26;
	(erf) = vpow2.f32 v20;
	v20 =	vsub.f32 v62, v0  }
0xa0: {  	s9 =	sor.u32 s14, s6;
	v34 =	vmul.f32 $1.442695020e+00, v47;
	v37 =	vld [tilespmem:s1+$0x0];
	v50 =	vsub.f32 v63, v0;
	v1 =	vmax.f32 v1, v32  }
0xa1: {  	s15 =	sor.u32 s14, s10;
	v47 =	vld [tilespmem:s9+$0x0];
	v1 =	vmax.f32 v1, v57;
	(erf) = vpow2.f32 v48;
	v20 =	vmul.f32 $1.442695020e+00, v20  }
0xa2: {  	s20 =	sor.u32 s14, s11;
	v51 =	vmul.f32 $1.442695020e+00, v50;
	v62 =	vld [tilespmem:s15+$0x0];
	v25 =	vmax.f32 v1, v43;
	(erf) = vpow2.f32 v34  }
0xa3: {  	s21 =	sor.u32 s14, s12;
	v63 =	vld [tilespmem:s20+$0x0];
	v49 =	vmax.f32 v25, v44;
	(erf) = vpow2.f32 v20;
	v20 =	vmul.f32 $1.442695020e+00, v38  }
0xa4: {  	s22 =	sor.u32 s14, s13;
	v3 =	vmul.f32 $1.442695020e+00, v3;
	v59 =	vld [tilespmem:s21+$0x0];
	v8 =	vmax.f32 v49, v42;
	(erf) = vpow2.f32 v51  }
0xa5: {  	s23 =	sor.u32 s14, s19;
	v52 =	vsub.f32 v17, v0;
	v60 =	vld [tilespmem:s22+$0x0];
	v17 =	vpop (erf);
	v61 =	vmax.f32 v8, v37;
	(erf) = vpow2.f32 v20  }
0xa6: {  	v12 =	vpop (erf);
	v20 =	vld [tilespmem:s23+$0x0];
	(erf) = vpow2.f32 v3;
	v3 =	vsub.f32 v21, v0;
	v21 =	vmax.f32 v61, v47  }
0xa7: {  	v10 =	vsub.f32 v4, v0;
	v21 =	vmax.f32 v21, v62  }
0xa8: {  	v19 =	vsub.f32 v19, v0;
	v4 =	vmul.f32 $1.442695020e+00, v52;
	v21 =	vmax.f32 v21, v63  }
0xa9: {  	v18 =	vsub.f32 v18, v0;
	v34 =	vmul.f32 $1.442695020e+00, v10;
	v21 =	vmax.f32 v21, v59  }
0xaa: {  	(erf) = vpow2.f32 v4;
	v36 =	vmul.f32 $1.442695020e+00, v3;
	v21 =	vmax.f32 v21, v60  }
0xab: {  	v19 =	vmul.f32 $1.442695020e+00, v19;
	v50 =	vpop (erf);
	(erf) = vpow2.f32 v34;
	v34 =	vmax.f32 v21, v20  }
0xac: {  	v18 =	vmul.f32 $1.442695020e+00, v18;
	v49 =	vpop (erf);
	(erf) = vpow2.f32 v36;
	v29 =	vsub.f32 v29, v34  }
0xad: {  	v35 =	vadd.f32 v13, v35;
	v1 =	vld [tilespmem:$0x1FDA0];
	v0 =	vsub.f32 v58, v0;
	v61 =	vpop (erf);
	(erf) = vpow2.f32 v19  }
0xae: {  	v48 =	vmov v45;
	v45 =	vpop (erf);
	(erf) = vpow2.f32 v18;
	v18 =	vmul.f32 $1.442695020e+00, v29  }
0xaf: {  	v35 =	vadd.f32 v35, v14;
	v10 =	vmovc v13;
	v13 =	vld [tilespmem:$0x1FF40];
	v51 =	vmov v9;
	v0 =	vmul.f32 $1.442695020e+00, v0  }
0xb0: {  	v38 =	vadd.f32 v50, v12;
	v12 =	vld [tilespmem:$0x1FF30];
	v58 =	vadd.f32 v9, v27;
	v27 =	vpop (erf);
	(erf) = vpow2.f32 v18  }
0xb1: {  	[tilespmem:$0x1FD90] =	vst v5;
	v9 =	vld [tilespmem:$0x1FF50];
	v3 =	vmov v40;
	v29 =	vsub.f32 v28, v34;
	v28 =	vpop (erf);
	(erf) = vpow2.f32 v0  }
0xb2: {  	v0 =	vadd.f32 v31, v6;
	v31 =	vadd.f32 v58, v40;
	v40 =	vmov v14;
	v14 =	vld [tilespmem:$0x1FF60];
	[tilespmem:v11+s17+$0x0] =	vst.idx.msk $0xffff, v1  }
0xb3: {  	v2 =	vld [tilespmem:$0x1FDC0];
	_ =	sdelay $0x2  }
0xb4: {  	v4 =	vld [tilespmem:$0x1FDD0];
	_ =	sdelay $0x3  }
0xb5: {  	v8 =	vld [tilespmem:$0x1FDB0]  }
0xb6: {  	v15 =	vld [tilespmem:$0x1FF70];
	[tilespmem:v2+s17+$0x0] =	vst.idx.msk $0xffff, v4  }
0xb7: {  	v4 =	vld [tilespmem:$0x1FDE0];
	_ =	sdelay $0x2  }
0xb8: {  	v19 =	vadd.f32 v33, v5;
	v5 =	vld [tilespmem:$0x1FDF0];
	_ =	sdelay $0x3  }
0xb9: {  	v26 =	vld [tilespmem:$0x1FF80]  }
0xba: {  	v16 =	vld [tilespmem:$0x1FF90];
	[tilespmem:v4+s17+$0x0] =	vst.idx.msk $0xffff, v5  }
0xbb: {  	v5 =	vld [tilespmem:$0x1FF20];
	_ =	sdelay $0x3  }
0xbc: {  	v56 =	vmul.f32 v22, v56;
	s24 =	simm.s32 $0x100  }
0xbd: {  	v53 =	vmul.f32 v22, v53;
	v38 =	vadd.f32 v38, v49;
	v22 =	vor.u32 s24, v5;
	v5 =	vld [tilespmem:$0x1FE00];
	_ =	sdelay $0x1  }
0xbe: {  	v38 =	vadd.f32 v38, v61  }
0xbf: {  	v11 =	vld [tilespmem:$0x1FE10]  }
0xc0: {  	v38 =	vadd.f32 v38, v45;
	_ =	sdelay $0x1  }
0xc1: {  	v41 =	vadd.f32 v38, v27  }
0xc2: {  	v18 =	vsub.f32 v30, v34;
	v30 =	vmul.f32 $1.442695020e+00, v29  }
0xc3: {  	v33 =	vadd.f32 v41, v28;
	v4 =	vld [tilespmem:$0x1FF10];
	[tilespmem:v5+s17+$0x0] =	vst.idx.msk $0xffff, v11  }
0xc4: {  	v29 =	vpop (erf);
	v18 =	vmul.f32 $1.442695020e+00, v18;
	v5 =	vld [tilespmem:$0x1FE20]  }
0xc5: {  	(erf) = vpow2.f32 v30;
	v33 =	vadd.f32 v33, v29  }
0xc6: {  	(erf) = vpow2.f32 v18;
	v30 =	vpop (erf)  }
0xc7: {  	v18 =	vadd.f32 v33, v30;
	v33 =	vsub.f32 v39, v34;
	v39 =	vor.u32 s24, v7;
	v7 =	vld [tilespmem:$0x1FE30];
	_ =	sdelay $0x4  }
0xc8: {  	[tilespmem:v5+s17+$0x0] =	vst.idx.msk $0xffff, v7  }
0xc9: {  	v7 =	vld [tilespmem:$0x1FE40];
	_ =	sdelay $0x2  }
0xca: {  	v11 =	vld [tilespmem:$0x1FE50];
	_ =	sdelay $0x4  }
0xcb: {  	[tilespmem:v7+s17+$0x0] =	vst.idx.msk $0xffff, v11  }
0xcc: {  	v7 =	vld [tilespmem:$0x1FFB0];
	_ =	sdelay $0x4  }
0xcd: {  	v11 =	vor.u32 s24, v7;
	v7 =	vld [tilespmem:$0x1FE60];
	_ =	sdelay $0x2  }
0xce: {  	v5 =	vor.u32 s24, v24;
	v24 =	vld [tilespmem:$0x1FE70];
	_ =	sdelay $0x4  }
0xcf: {  	[tilespmem:v7+s17+$0x0] =	vst.idx.msk $0xffff, v24  }
0xd0: {  	v7 =	vld [tilespmem:$0x1FE80];
	_ =	sdelay $0x2  }
0xd1: {  	v24 =	vld [tilespmem:$0x1FE90];
	_ =	sdelay $0x4  }
0xd2: {  	[tilespmem:v7+s17+$0x0] =	vst.idx.msk $0xffff, v24  }
0xd3: {  	v7 =	vld [tilespmem:$0x1FFA0];
	_ =	sdelay $0x4  }
0xd4: {  	v36 =	vor.u32 s0, v12;
	v24 =	vor.u32 s24, v7;
	v7 =	vld [tilespmem:$0x1FEA0];
	_ =	sdelay $0x4  }
0xd5: {  	[tilespmem:v36+s17+$0x0] =	vst.idx.msk $0xffff, v7  }
0xd6: {  	v38 =	vor.u32 s0, v13;
	v7 =	vld [tilespmem:$0x1FEB0];
	_ =	sdelay $0x4  }
0xd7: {  	[tilespmem:v38+s17+$0x0] =	vst.idx.msk $0xffff, v7  }
0xd8: {  	v58 =	vor.u32 s0, v9;
	v7 =	vld [tilespmem:$0x1FEC0]  }
0xd9: {  	v41 =	vadd.f32 v0, v54;
	v0 =	vor.u32 s0, v14;
	_ =	sdelay $0x3  }
0xda: {  	[tilespmem:v58+s17+$0x0] =	vst.idx.msk $0xffff, v7  }
0xdb: {  	[tilespmem:v0+s17+$0x0] =	vst.idx.msk $0xffff, v56  }
0xdc: {  	v1 =	vor.u32 s0, v15;
	v7 =	vld [tilespmem:$0x1FED0];
	_ =	sdelay $0x1  }
0xdd: {  	v21 =	vadd.f32 v19, v35  }
0xde: {  	v35 =	vsub.f32 v32, v34;
	v25 =	vadd.f32 v31, v8;
	v31 =	vpop (erf);
	v33 =	vmul.f32 $1.442695020e+00, v33  }
0xdf: {  	v18 =	vadd.f32 v18, v31  }
0xe0: {  	v35 =	vmul.f32 $1.442695020e+00, v35;
	v32 =	vpop (erf);
	v56 =	vld [tilespmem:$0x1FF20];
	[tilespmem:v1+s17+$0x0] =	vst.idx.msk $0xffff, v7  }
0xe1: {  	v52 =	vmovc v6;
	v23 =	vor.u32 s24, v48;
	v18 =	vadd.f32 v18, v32;
	v2 =	vor.u32 s0, v26;
	v7 =	vld [tilespmem:$0x1FEE0]  }
0xe2: {  	v57 =	vsub.f32 v57, v34;
	(erf) = vpow2.f32 v33;
	v33 =	vpop (erf);
	v6 =	vor.u32 s0, v16  }
0xe3: {  	v43 =	vsub.f32 v43, v34;
	v18 =	vadd.f32 v18, v33;
	v4 =	vor.u32 s24, v4  }
0xe4: {  	v44 =	vsub.f32 v44, v34;
	v19 =	vmul.f32 v17, v19;
	(erf) = vpow2.f32 v35;
	v35 =	vpop (erf)  }
0xe5: {  	v57 =	vmul.f32 $1.442695020e+00, v57;
	v25 =	vmul.f32 v17, v25;
	v18 =	vadd.f32 v18, v35  }
0xe6: {  	v43 =	vmul.f32 $1.442695020e+00, v43;
	v38 =	vsub.f32 v42, v34;
	[tilespmem:v2+s17+$0x0] =	vst.idx.msk $0xffff, v7;
	v2 =	vmul.f32 v17, v21  }
0xe7: {  	(erf) = vpow2.f32 v57;
	v36 =	vpop (erf);
	v42 =	vmul.f32 $1.442695020e+00, v44;
	[tilespmem:v6+s17+$0x0] =	vst.idx.msk $0xffff, v53  }
0xe8: {  	v18 =	vadd.f32 v18, v36;
	v38 =	vmul.f32 $1.442695020e+00, v38;
	[tilespmem:v4+s17+$0x0] =	vst.idx.msk $0xffff, v2;
	v4 =	vmul.f32 v17, v41  }
0xe9: {  	v57 =	vor.u32 s24, v46;
	v46 =	vsub.f32 v37, v34;
	(erf) = vpow2.f32 v43;
	v37 =	vpop (erf);
	[tilespmem:v22+s17+$0x0] =	vst.idx.msk $0xffff, v25  }
0xea: {  	v18 =	vadd.f32 v18, v37;
	(erf) = vpow2.f32 v42;
	[tilespmem:v23+s17+$0x0] =	vst.idx.msk $0xffff, v4;
	v4 =	vor.u32 s24, v26  }
0xeb: {  	(erf) = vpow2.f32 v38;
	v58 =	vadd.f32 v27, v50;
	v21 =	vpop (erf);
	[tilespmem:$0x1FEF0] =	vst v4;
	v4 =	vmul.f32 v17, v10  }
0xec: {  	v0 =	vor.u32 s24, v12;
	v12 =	vmul.f32 $1.442695020e+00, v46;
	v38 =	vpop (erf);
	v23 =	vmul.f32 v17, v40;
	[tilespmem:v39+s17+$0x0] =	vst.idx.msk $0xffff, v19  }
0xed: {  	v2 =	vor.u32 s24, v14;
	v18 =	vadd.f32 v18, v38;
	v14 =	vmul.f32 v17, v51;
	[tilespmem:v5+s17+$0x0] =	vst.idx.msk $0xffff, v4  }
0xee: {  	(erf) = vpow2.f32 v12;
	v51 =	vmul.f32 v17, v3;
	v22 =	vsub.f32 v47, v34;
	[tilespmem:v11+s17+$0x0] =	vst.idx.msk $0xffff, v23  }
0xef: {  	v1 =	vor.u32 s24, v13;
	v25 =	vsub.f32 v62, v34;
	v23 =	vsub.f32 v59, v34;
	v59 =	vld [tilespmem:$0x1FF10];
	[tilespmem:v24+s17+$0x0] =	vst.idx.msk $0xffff, v14  }
0xf0: {  	v53 =	vsub.f32 v63, v34;
	v62 =	vmul.f32 v17, v55;
	v22 =	vmul.f32 $1.442695020e+00, v22;
	[tilespmem:v57+s17+$0x0] =	vst.idx.msk $0xffff, v51  }
0xf1: {  	v13 =	vor.u32 s24, v15;
	(erf) = vrcp.f32 v18;
	v39 =	vpop (erf);
	v4 =	vmul.f32 $1.442695020e+00, v25;
	v3 =	vld [tilespmem:$0x1FF00]  }
0xf2: {  	(erf) = vpow2.f32 v22;
	v21 =	vadd.f32 v39, v21;
	v22 =	vmul.f32 $1.442695020e+00, v53  }
0xf3: {  	v6 =	vor.u32 s24, v9;
	v43 =	vpop (erf);
	v24 =	vmul.f32 v17, v8;
	(erf) = vpow2.f32 v4  }
0xf4: {  	v4 =	vsub.f32 v60, v34;
	v21 =	vadd.f32 v21, v43;
	v23 =	vmul.f32 $1.442695020e+00, v23  }
0xf5: {  	v44 =	vpop (erf);
	v60 =	vadd.f32 v29, v49;
	(erf) = vpow2.f32 v22;
	v57 =	vadd.f32 v36, v45  }
0xf6: {  	v46 =	vpop (erf);
	[tilespmem:v0+s17+$0x0] =	vst.idx.msk $0xffff, v24;
	v0 =	vmul.f32 $1.442695020e+00, v4;
	v4 =	vadd.f32 v21, v44;
	v22 =	vmul.f32 v17, v3  }
0xf7: {  	v26 =	vmul.f32 v17, v52;
	v25 =	vpop (erf);
	v24 =	vmul.f32 v17, v54;
	v40 =	vadd.f32 v57, v37  }
0xf8: {  	v45 =	vadd.f32 v60, v30;
	(erf) = vpow2.f32 v23;
	v63 =	vadd.f32 v4, v46;
	v23 =	vpop (erf)  }
0xf9: {  	(erf) = vpow2.f32 v0;
	v0 =	vadd.f32 v40, v38;
	v53 =	vpop (erf);
	[tilespmem:v1+s17+$0x0] =	vst.idx.msk $0xffff, v22;
	v1 =	vadd.f32 v32, v61  }
0xfa: {  	s3 =	simm.s32 $0x200;
	v18 =	vor.u32 s24, v16;
	v40 =	vadd.f32 v45, v31;
	v61 =	vadd.f32 v58, v28;
	[tilespmem:v6+s17+$0x0] =	vst.idx.msk $0xffff, v26;
	v22 =	vpop (erf)  }
0xfb: {  	v41 =	vadd.f32 v63, v25;
	v3 =	vor.u32 s3, v59;
	[tilespmem:v2+s17+$0x0] =	vst.idx.msk $0xffff, v24;
	v26 =	vadd.f32 v1, v33;
	v24 =	vpop (erf)  }
0xfc: {  	s31 =	simm.s32 $0x300;
	s1 =	simm.s32 $0x4;
	s0 =	simm.s32 $0x2;
	v4 =	vadd.f32 v0, v61;
	v2 =	vor.u32 s3, v56;
	v1 =	vor.u32 s3, v48;
	[tilespmem:v13+s17+$0x0] =	vst.idx.msk $0xffff, v62;
	v45 =	vpop (erf)  }
.LBB2_3:
0xfd: {  	v5 =	vld [tilespmem:$0x1FFC0]  }
0xfe: {  	v6 =	vld [tilespmem:$0x1FFF0]  }
0xff: {  	v9 =	vld [tilespmem:$0x1FFB0]  }
0x100: {  	v10 =	vld [tilespmem:$0x1FFA0]  }
0x101: {  	v11 =	vld [tilespmem:$0x1FFD0]  }
0x102: {  	v12 =	vld [tilespmem:$0x1FF30]  }
0x103: {  	v13 =	vld [tilespmem:$0x1FF40]  }
0x104: {  	v19 =	vld [tilespmem:$0x1FF50];
	v26 =	vadd.f32 v26, v35;
	v4 =	vmul.f32 v45, v4;
	v48 =	vor.u32 s3, v5  }
0x105: {  	s6 =	sand.u32 $0x7, s1;
	s30 =	sadd.s32 $0x20, s30;
	v0 =	vmul.f32 v45, v0;
	v15 =	vld [tilespmem:$0x1FF60];
	v47 =	vmul.f32 v45, v40;
	v49 =	vor.u32 s3, v6  }
0x106: {  	s28 =	sadd.s32 $0x100, s28;
	v16 =	vld [tilespmem:$0x1FF70];
	s11 =	sshll.u32 s6, $0x4;
	v50 =	vadd.f32 v41, v23;
	s22 =	sadd.s32 $0xFFFFFFF0, s30;
	v51 =	vmul.f32 v45, v26;
	[tilespmem:v3+s17+$0x0] =	vst.idx.msk $0xffff, v4;
	v3 =	vor.u32 s3, v9  }
0x107: {  	v42 =	vpop (erf);
	v27 =	vmul.f32 v45, v27;
	v14 =	vld [tilespmem:$0x1FF80];
	s12 =	sand.u32 $0xC00, s28;
	s13 =	sadd.s32 s28, s11;
	s11 =	sand.u32 $0x60, s22;
	v4 =	vsub.f32 v20, v34;
	[tilespmem:v2+s17+$0x0] =	vst.idx.msk $0xffff, v47;
	v2 =	vor.u32 s3, v10  }
0x108: {  	v28 =	vmul.f32 v45, v28;
	v21 =	vld [tilespmem:$0x1FF90];
	v41 =	vpop (erf);
	v20 =	vadd.f32 v50, v53;
	s14 =	sor.u32 s11, s12;
	[tilespmem:v1+s17+$0x0] =	vst.idx.msk $0xffff, v51;
	v1 =	vor.u32 s3, v11  }
0x109: {  	v29 =	vmul.f32 v45, v29;
	v40 =	vpop (erf);
	v4 =	vmul.f32 $1.442695020e+00, v4;
	v47 =	vld [tilespmem:s14+$0x0];
	[tilespmem:v48+s17+$0x0] =	vst.idx.msk $0xffff, v0;
	v0 =	vor.u32 s3, v12  }
0x10a: {  	s29 =	sadd.s32 $0x1, s29;
	v8 =	vmul.f32 v45, v35;
	v7 =	vpop (erf);
	v20 =	vadd.f32 v20, v22;
	v58 =	vor.u32 s3, v13;
	v62 =	vld [tilespmem:s14+$0x80];
	[tilespmem:v49+s17+$0x0] =	vst.idx.msk $0xffff, v27  }
0x10b: {  	s9 =	sand.u32 $0x3, s29;
	s13 =	sadd.s32 $0x10, s13;
	v63 =	vpop (erf);
	(erf) = vpow2.f32 v4;
	v4 =	vmul.f32 v45, v30;
	v48 =	vld [tilespmem:s14+$0x100];
	[tilespmem:v3+s17+$0x0] =	vst.idx.msk $0xffff, v28;
	v3 =	vor.u32 s3, v19  }
0x10c: {  	s21 =	sor.u32 $0x300, s13;
	s13 =	sshll.u32 s9, $0x5;
	v20 =	vadd.f32 v20, v24;
	v27 =	vmul.f32 v45, v31;
	v61 =	vld [tilespmem:s14+$0x180];
	[tilespmem:v2+s17+$0x0] =	vst.idx.msk $0xffff, v29;
	v2 =	vor.u32 s3, v15  }
0x10d: {  	s13 =	sadd.s32 s13, s28;
	v28 =	vadd.f32 v7, v46;
	v29 =	vmul.f32 v45, v32;
	v46 =	vld [tilespmem:s14+$0x200];
	[tilespmem:v1+s17+$0x0] =	vst.idx.msk $0xffff, v4;
	v1 =	vor.u32 s3, v16  }
0x10e: {  	s6 =	sor.u32 s22, s28;
	s13 =	sor.u32 $0x300, s13;
	v30 =	vmul.f32 v45, v33;
	v4 =	vadd.f32 v20, v42;
	v20 =	vld [tilespmem:s14+$0x280];
	[tilespmem:v0+s17+$0x0] =	vst.idx.msk $0xffff, v27;
	v0 =	vor.u32 s3, v14  }
0x10f: {  	s15 =	sor.u32 $0x1000, s12;
	s6 =	sor.u32 $0x380, s6;
	v31 =	vadd.f32 v28, v63;
	v27 =	vld [tilespmem:s13+$0x0];
	v28 =	vmax.f32 v47, v62;
	[tilespmem:v58+s17+$0x0] =	vst.idx.msk $0xffff, v29  }
0x110: {  	v36 =	vmul.f32 v45, v36;
	s24 =	sor.u32 s30, s28;
	s22 =	sor.u32 $0x1080, s12;
	s19 =	sor.u32 s11, s15;
	v34 =	vld [tilespmem:s6+$0x0];
	v28 =	vmax.f32 v28, v48;
	[tilespmem:v3+s17+$0x0] =	vst.idx.msk $0xffff, v30  }
0x111: {  	s23 =	sor.u32 $0x380, s24;
	s24 =	sor.u32 s11, s22;
	v49 =	vld [tilespmem:s19+$0x0];
	s19 =	sor.u32 $0x1100, s12;
	v3 =	vmax.f32 v28, v61;
	v28 =	vmul.f32 v45, v37;
	[tilespmem:v2+s17+$0x0] =	vst.idx.msk $0xffff, v8  }
0x112: {  	v29 =	vor.u32 s3, v21;
	v58 =	vld [tilespmem:s24+$0x0];
	s9 =	sor.u32 s11, s19;
	[tilespmem:v1+s17+$0x0] =	vst.idx.msk $0xffff, v36  }
0x113: {  	v55 =	vld [tilespmem:s9+$0x0];
	[tilespmem:v0+s17+$0x0] =	vst.idx.msk $0xffff, v28;
	v0 =	vadd.f32 v4, v41  }
0x114: {  	s10 =	sand.u32 $0x70, s30  }
0x115: {  	s3 =	sor.u32 s10, s15;
	s6 =	sor.u32 s10, s22;
	s22 =	sor.u32 $0x1180, s12;
	v8 =	vmax.f32 v3, v46;
	v3 =	vmul.f32 v45, v38;
	v0 =	vadd.f32 v0, v40  }
0x116: {  	s15 =	sor.u32 s11, s22;
	s13 =	sor.u32 s10, s19;
	v45 =	vld [tilespmem:$0x1FFE0];
	s24 =	sor.u32 $0x1200, s12  }
0x117: {  	v60 =	vor.u32 s31, v59;
	v59 =	vor.u32 s31, v56;
	s19 =	sor.u32 s10, s22;
	s9 =	sor.u32 s11, s24;
	v56 =	vld [tilespmem:s15+$0x0];
	s15 =	sor.u32 $0x1280, s12;
	[tilespmem:v29+s17+$0x0] =	vst.idx.msk $0xffff, v3;
	v0 =	vadd.f32 v0, v7  }
0x118: {  	v26 =	vor.u32 s31, v5;
	s22 =	sor.u32 s10, s24;
	v3 =	vadd.f32 v42, v44;
	v51 =	vld [tilespmem:s9+$0x0];
	s24 =	sor.u32 s11, s15;
	s9 =	sor.u32 $0x1300, s12  }
0x119: {  	s20 =	sor.u32 s10, s12;
	v1 =	vmax.f32 v8, v20;
	v4 =	vadd.f32 v53, v43;
	s12 =	sor.u32 $0x1380, s12;
	v28 =	vld [tilespmem:s24+$0x0];
	s24 =	sor.u32 s11, s9;
	v0 =	vadd.f32 v0, v63  }
0x11a: {  	v54 =	vor.u32 s31, v6;
	v2 =	vpop (erf);
	v1 =	vmax.f32 v1, v27;
	s11 =	sor.u32 s11, s12;
	v3 =	vadd.f32 v3, v41;
	v29 =	vld [tilespmem:s24+$0x0]  }
0x11b: {  	v5 =	vadd.f32 v31, v2;
	v1 =	vmax.f32 v1, v34;
	v30 =	vld [tilespmem:s11+$0x0];
	v0 =	vadd.f32 v0, v2  }
0x11c: {  	v31 =	vadd.f32 v25, v39;
	v1 =	vmax.f32 v1, v49;
	v6 =	vadd.f32 v3, v40;
	v3 =	vld [tilespmem:$0x1FD80]  }
0x11d: {  	v39 =	vadd.f32 v4, v22;
	v1 =	vmax.f32 v1, v58;
	v4 =	vmovc v63;
	(erf) = vrcp.f32 v0;
	v0 =	vld [tilespmem:$0x1FEF0]  }
0x11e: {  	v1 =	vmax.f32 v1, v55;
	[tilespmem:$0x1FD80] =	vst v4;
	v4 =	vld [tilespmem:$0x1FD90]  }
0x11f: {  	v1 =	vmax.f32 v1, v56  }
0x120: {  	v52 =	vld [tilespmem:s20+$0x0];
	v43 =	vadd.f32 v31, v23;
	v1 =	vmax.f32 v1, v51  }
0x121: {  	v9 =	vor.u32 s31, v9;
	v31 =	vld [tilespmem:s20+$0x80];
	v1 =	vmax.f32 v1, v28  }
0x122: {  	v50 =	vld [tilespmem:s20+$0x100];
	[tilespmem:$0x1FD70] =	vst v7;
	v8 =	vadd.f32 v5, v43;
	v57 =	vor.u32 s31, v45;
	v1 =	vmax.f32 v1, v29  }
0x123: {  	v32 =	vld [tilespmem:s20+$0x180];
	v3 =	vmul.f32 v17, v3;
	v17 =	vmul.f32 v17, v4;
	v4 =	vmovc v2;
	v63 =	vmax.f32 v1, v30  }
0x124: {  	v33 =	vld [tilespmem:s20+$0x200];
	v7 =	vadd.f32 v39, v24;
	[tilespmem:$0x1FD90] =	vst v4;
	v4 =	vor.u32 s31, v10;
	v44 =	vsub.f32 v48, v63  }
0x125: {  	v1 =	vsub.f32 v47, v63;
	v2 =	vsub.f32 v62, v63;
	v62 =	vor.u32 s31, v13;
	[tilespmem:v0+s17+$0x0] =	vst.idx.msk $0xffff, v3  }
0x126: {  	v61 =	vsub.f32 v61, v63;
	v44 =	vmul.f32 $1.442695020e+00, v44;
	v35 =	vld [tilespmem:s20+$0x280];
	[tilespmem:v18+s17+$0x0] =	vst.idx.msk $0xffff, v17;
	v17 =	vmax.f32 v52, v31  }
0x127: {  	v0 =	vor.u32 s31, v12;
	v18 =	vmul.f32 $1.442695020e+00, v1;
	v47 =	vld [tilespmem:s21+$0x0];
	v17 =	vmax.f32 v17, v50  }
0x128: {  	v1 =	vor.u32 s31, v19;
	v19 =	vmul.f32 $1.442695020e+00, v2;
	v36 =	vld [tilespmem:s23+$0x0];
	v2 =	vmax.f32 v17, v32  }
0x129: {  	v12 =	vsub.f32 v20, v63;
	v48 =	vld [tilespmem:s3+$0x0];
	(erf) = vpow2.f32 v18;
	v17 =	vmax.f32 v2, v33  }
0x12a: {  	v46 =	vsub.f32 v46, v63;
	v61 =	vmul.f32 $1.442695020e+00, v61;
	v37 =	vld [tilespmem:s6+$0x0];
	(erf) = vpow2.f32 v19  }
0x12b: {  	v3 =	vor.u32 s31, v11;
	v43 =	vld [tilespmem:s13+$0x0];
	v12 =	vmul.f32 $1.442695020e+00, v12;
	v11 =	vmax.f32 v17, v35  }
0x12c: {  	v38 =	vld [tilespmem:s19+$0x0];
	(erf) = vpow2.f32 v44;
	v10 =	vmax.f32 v11, v47;
	v17 =	vpop (erf);
	v11 =	vmul.f32 $1.442695020e+00, v46  }
0x12d: {  	s14 =	sor.u32 s10, s15;
	s24 =	sor.u32 s10, s9;
	s10 =	sor.u32 s10, s12;
	v27 =	vsub.f32 v27, v63;
	v39 =	vld [tilespmem:s22+$0x0];
	(erf) = vpow2.f32 v61;
	v8 =	vmul.f32 v17, v8  }
0x12e: {  	v20 =	vld [tilespmem:s10+$0x0];
	v18 =	vor.u32 s31, v21;
	v7 =	vmul.f32 v17, v7;
	v6 =	vmul.f32 v17, v6  }
0x12f: {  	v44 =	vld [tilespmem:s14+$0x0];
	v10 =	vmax.f32 v10, v36;
	v5 =	vmul.f32 v17, v5;
	(erf) = vpow2.f32 v11  }
0x130: {  	v46 =	vld [tilespmem:s24+$0x0];
	v10 =	vmax.f32 v10, v48;
	v11 =	vmul.f32 $1.442695020e+00, v27;
	v27 =	vsub.f32 v34, v63;
	[tilespmem:v60+s17+$0x0] =	vst.idx.msk $0xffff, v8  }
0x131: {  	v8 =	vsub.f32 v49, v63;
	v10 =	vmax.f32 v10, v37;
	v60 =	vmul.f32 v17, v25  }
0x132: {  	v25 =	vmul.f32 $1.442695020e+00, v27;
	[tilespmem:v59+s17+$0x0] =	vst.idx.msk $0xffff, v7;
	v7 =	vsub.f32 v58, v63;
	v61 =	vpop (erf);
	(erf) = vpow2.f32 v12  }
0x133: {  	v10 =	vmax.f32 v10, v43;
	v8 =	vmul.f32 $1.442695020e+00, v8;
	[tilespmem:v57+s17+$0x0] =	vst.idx.msk $0xffff, v6;
	v6 =	vsub.f32 v55, v63;
	v49 =	vpop (erf)  }
0x134: {  	v10 =	vmax.f32 v10, v38;
	(erf) = vpow2.f32 v11;
	v27 =	vadd.f32 v49, v61  }
0x135: {  	v57 =	vmul.f32 v17, v42;
	v7 =	vmul.f32 $1.442695020e+00, v7;
	[tilespmem:v26+s17+$0x0] =	vst.idx.msk $0xffff, v5;
	v5 =	vsub.f32 v56, v63;
	v58 =	vpop (erf)  }
0x136: {  	v61 =	vmul.f32 v17, v23;
	(erf) = vpow2.f32 v25;
	v23 =	vadd.f32 v27, v58  }
0x137: {  	v34 =	vmax.f32 v10, v39;
	v25 =	vmul.f32 v17, v53;
	v53 =	vmul.f32 v17, v22;
	v55 =	vpop (erf)  }
0x138: {  	v6 =	vmul.f32 $1.442695020e+00, v6;
	(erf) = vpow2.f32 v8;
	v23 =	vadd.f32 v23, v55  }
0x139: {  	[tilespmem:v54+s17+$0x0] =	vst.idx.msk $0xffff, v60;
	v54 =	vmul.f32 v17, v24;
	v5 =	vmul.f32 $1.442695020e+00, v5;
	v8 =	vmax.f32 v34, v44;
	v21 =	vpop (erf)  }
0x13a: {  	[tilespmem:v9+s17+$0x0] =	vst.idx.msk $0xffff, v61;
	v8 =	vmax.f32 v8, v46;
	(erf) = vpow2.f32 v7;
	v22 =	vadd.f32 v23, v21  }
0x13b: {  	[tilespmem:v4+s17+$0x0] =	vst.idx.msk $0xffff, v25;
	v4 =	vsub.f32 v29, v63;
	v7 =	vsub.f32 v51, v63;
	v27 =	vpop (erf);
	(erf) = vpow2.f32 v6  }
0x13c: {  	v2 =	vor.u32 s31, v15;
	[tilespmem:v3+s17+$0x0] =	vst.idx.msk $0xffff, v53;
	v3 =	vsub.f32 v30, v63;
	v22 =	vadd.f32 v22, v27  }
0x13d: {  	v4 =	vmul.f32 $1.442695020e+00, v4;
	v6 =	vsub.f32 v28, v63;
	v28 =	vpop (erf);
	(erf) = vpow2.f32 v5  }
0x13e: {  	v7 =	vmul.f32 $1.442695020e+00, v7;
	v3 =	vmul.f32 $1.442695020e+00, v3;
	v60 =	vadd.f32 v22, v28  }
0x13f: {  	v34 =	vmax.f32 v8, v20;
	v63 =	vmul.f32 v17, v40;
	v29 =	vpop (erf);
	v6 =	vmul.f32 $1.442695020e+00, v6  }
0x140: {  	(erf) = vpow2.f32 v7;
	v7 =	vsub.f32 v52, v34;
	v61 =	vadd.f32 v60, v29  }
0x141: {  	[tilespmem:v0+s17+$0x0] =	vst.idx.msk $0xffff, v54;
	v5 =	vmul.f32 v17, v41;
	v30 =	vpop (erf);
	(erf) = vpow2.f32 v6;
	v6 =	vsub.f32 v31, v34  }
0x142: {  	[tilespmem:v62+s17+$0x0] =	vst.idx.msk $0xffff, v57;
	v0 =	vmul.f32 $1.442695020e+00, v7;
	v7 =	vsub.f32 v50, v34;
	v8 =	vadd.f32 v61, v30  }
0x143: {  	[tilespmem:v1+s17+$0x0] =	vst.idx.msk $0xffff, v5;
	v31 =	vpop (erf);
	(erf) = vpow2.f32 v4;
	v1 =	vmul.f32 $1.442695020e+00, v6;
	v4 =	vsub.f32 v32, v34  }
0x144: {  	[tilespmem:v2+s17+$0x0] =	vst.idx.msk $0xffff, v63;
	v2 =	vmul.f32 $1.442695020e+00, v7;
	v8 =	vadd.f32 v8, v31;
	v32 =	vpop (erf);
	(erf) = vpow2.f32 v0  }
0x145: {  	(erf) = vpow2.f32 v3;
	v3 =	vmul.f32 $1.442695020e+00, v4  }
0x146: {  	v4 =	vsub.f32 v33, v34;
	v33 =	vpop (erf);
	v0 =	vadd.f32 v8, v32;
	(erf) = vpow2.f32 v1  }
0x147: {  	v1 =	vsub.f32 v35, v34;
	(erf) = vpow2.f32 v2  }
0x148: {  	v2 =	vmul.f32 $1.442695020e+00, v4;
	v4 =	vsub.f32 v47, v34;
	v0 =	vadd.f32 v0, v33  }
0x149: {  	v35 =	vpop (erf);
	(erf) = vpow2.f32 v3;
	v1 =	vmul.f32 $1.442695020e+00, v1;
	v3 =	vsub.f32 v36, v34  }
0x14a: {  	v36 =	vpop (erf);
	v4 =	vmul.f32 $1.442695020e+00, v4;
	(erf) = vpow2.f32 v2;
	v0 =	vadd.f32 v0, v35  }
0x14b: {  	v6 =	vsub.f32 v48, v34;
	v2 =	vmul.f32 $1.442695020e+00, v3;
	(erf) = vpow2.f32 v1  }
0x14c: {  	v3 =	vsub.f32 v37, v34;
	v37 =	vpop (erf);
	(erf) = vpow2.f32 v4;
	v0 =	vadd.f32 v0, v36  }
0x14d: {  	v1 =	vmul.f32 $1.442695020e+00, v6;
	v4 =	vsub.f32 v43, v34;
	v5 =	vpop (erf);
	(erf) = vpow2.f32 v2  }
0x14e: {  	v2 =	vmul.f32 $1.442695020e+00, v3;
	v3 =	vsub.f32 v38, v34;
	v0 =	vadd.f32 v0, v37  }
0x14f: {  	v38 =	vpop (erf);
	(erf) = vpow2.f32 v1;
	v1 =	vmul.f32 $1.442695020e+00, v4;
	v4 =	vsub.f32 v39, v34  }
0x150: {  	v39 =	vpop (erf);
	v0 =	vadd.f32 v0, v38  }
0x151: {  	v43 =	vpop (erf);
	(erf) = vpow2.f32 v2;
	v2 =	vmul.f32 $1.442695020e+00, v4;
	v4 =	vsub.f32 v44, v34  }
0x152: {  	v3 =	vmul.f32 $1.442695020e+00, v3;
	(erf) = vrcp.f32 v0;
	v0 =	vsub.f32 v46, v34  }
0x153: {  	v44 =	vpop (erf);
	v4 =	vmul.f32 $1.442695020e+00, v4;
	(erf) = vpow2.f32 v1;
	v1 =	vadd.f32 v36, v21  }
0x154: {  	v5 =	vadd.f32 v39, v5;
	v46 =	vpop (erf);
	(erf) = vpow2.f32 v3;
	v0 =	vmul.f32 $1.442695020e+00, v0  }
0x155: {  	v25 =	vpop (erf);
	(erf) = vpow2.f32 v2;
	v1 =	vadd.f32 v1, v37;
	v2 =	vadd.f32 v27, v49  }
0x156: {  	v5 =	vadd.f32 v5, v43;
	v23 =	vpop (erf);
	(erf) = vpow2.f32 v4  }
0x157: {  	v53 =	vpop (erf);
	(erf) = vpow2.f32 v0;
	v0 =	vadd.f32 v1, v38;
	v1 =	vadd.f32 v2, v28;
	v2 =	vld [tilespmem:$0x1FD70]  }
0x158: {  	s0 =	sadd.s32 $0x2, s0;
	v59 =	vld [tilespmem:$0x1FF10]  }
0x159: {  	p4 =	slt.u32 s0, $0x1E;
	v13 =	vor.u32 s31, v16;
	v56 =	vld [tilespmem:$0x1FF20];
	v5 =	vadd.f32 v5, v44;
	v3 =	vadd.f32 v29, v58  }
.Ltmp4:
0x15a: {  	v4 =	vadd.f32 v32, v55;
	(pc) =	sbr.rel @p4 .LBB2_3-.Ltmp4, $4  }
0x15b: {  	v14 =	vor.u32 s31, v14;
	s31 =	sadd.s32 $0x200, s31;
	v7 =	vadd.f32 v3, v30;
	v5 =	vadd.f32 v5, v46  }
0x15c: {  	s3 =	sadd.s32 $0xFFFFFF00, s31;
	v22 =	vpop (erf);
	v26 =	vadd.f32 v4, v33;
	v6 =	vmul.f32 v17, v2  }
0x15d: {  	[tilespmem:$0x1FEF0] =	vst v14;
	v3 =	vor.u32 s3, v59;
	v40 =	vadd.f32 v7, v31;
	v41 =	vadd.f32 v5, v25;
	v24 =	vpop (erf)  }
0x15e: {  	s1 =	sadd.s32 $0x2, s1;
	v4 =	vadd.f32 v0, v1;
	v1 =	vor.u32 s3, v45;
	v45 =	vpop (erf);
	v2 =	vor.u32 s3, v56;
	[tilespmem:v13+s17+$0x0] =	vst.idx.msk $0xffff, v6  }
0x15f: {  	v5 =	vadd.f32 v41, v23;
	v41 =	vld [tilespmem:$0x1FFC0];
	_ =	sdelay $0x1  }
0x160: {  	v42 =	vld [tilespmem:$0x1FFF0];
	_ =	sdelay $0x2  }
0x161: {  	v8 =	vadd.f32 v26, v35;
	v4 =	vmul.f32 v45, v4;
	v10 =	vor.u32 s3, v41  }
0x162: {  	v11 =	vmul.f32 v45, v40  }
0x163: {  	v8 =	vmul.f32 v45, v8;
	[tilespmem:v3+s17+$0x0] =	vst.idx.msk $0xffff, v4;
	v12 =	vor.u32 s3, v42  }
0x164: {  	v6 =	vsub.f32 v20, v34;
	v0 =	vmul.f32 v45, v0;
	v34 =	vld [tilespmem:$0x1FFB0];
	[tilespmem:v2+s17+$0x0] =	vst.idx.msk $0xffff, v11  }
0x165: {  	v40 =	vld [tilespmem:$0x1FFA0];
	[tilespmem:v1+s17+$0x0] =	vst.idx.msk $0xffff, v8  }
0x166: {  	v55 =	vmul.f32 v45, v27;
	v5 =	vadd.f32 v5, v53;
	v47 =	vld [tilespmem:$0x1FFD0];
	[tilespmem:v10+s17+$0x0] =	vst.idx.msk $0xffff, v0  }
0x167: {  	v21 =	vld [tilespmem:$0x1FF30]  }
0x168: {  	v5 =	vadd.f32 v5, v22;
	[tilespmem:v12+s17+$0x0] =	vst.idx.msk $0xffff, v55  }
0x169: {  	v6 =	vmul.f32 $1.442695020e+00, v6;
	v51 =	vor.u32 s3, v34;
	v13 =	vld [tilespmem:$0x1FF40]  }
0x16a: {  	v5 =	vadd.f32 v5, v24;
	v54 =	vor.u32 s3, v40  }
0x16b: {  	v7 =	vpop (erf);
	v57 =	vor.u32 s3, v47  }
0x16c: {  	v58 =	vmul.f32 v45, v28;
	v5 =	vadd.f32 v5, v7;
	v60 =	vor.u32 s3, v21  }
0x16d: {  	v61 =	vmul.f32 v45, v29;
	(erf) = vpow2.f32 v6;
	v6 =	vpop (erf)  }
0x16e: {  	v5 =	vadd.f32 v5, v6;
	v12 =	vmul.f32 v45, v30;
	[tilespmem:v51+s17+$0x0] =	vst.idx.msk $0xffff, v58;
	v62 =	vor.u32 s3, v13  }
0x16f: {  	v16 =	vmul.f32 v45, v31;
	v9 =	vpop (erf);
	v19 =	vld [tilespmem:$0x1FF50];
	[tilespmem:v54+s17+$0x0] =	vst.idx.msk $0xffff, v61  }
0x170: {  	v5 =	vadd.f32 v5, v9;
	v28 =	vld [tilespmem:$0x1FF60];
	[tilespmem:v57+s17+$0x0] =	vst.idx.msk $0xffff, v12  }
0x171: {  	v50 =	vmul.f32 v45, v32;
	v29 =	vld [tilespmem:$0x1FF70];
	[tilespmem:v60+s17+$0x0] =	vst.idx.msk $0xffff, v16  }
0x172: {  	v20 =	vpop (erf);
	v14 =	vld [tilespmem:$0x1FF80]  }
0x173: {  	v52 =	vadd.f32 v5, v20;
	[tilespmem:v62+s17+$0x0] =	vst.idx.msk $0xffff, v50  }
0x174: {  	v5 =	vpop (erf);
	v63 =	vor.u32 s3, v19;
	v30 =	vld [tilespmem:$0x1FF90]  }
0x175: {  	v4 =	vadd.f32 v52, v5;
	v48 =	vor.u32 s3, v28  }
0x176: {  	v10 =	vpop (erf);
	v51 =	vor.u32 s3, v29  }
0x177: {  	v12 =	vmul.f32 v45, v33;
	v4 =	vadd.f32 v4, v10;
	v52 =	vor.u32 s3, v14  }
0x178: {  	v55 =	vmul.f32 v45, v35  }
0x179: {  	v57 =	vmul.f32 v45, v36;
	(erf) = vrcp.f32 v4;
	[tilespmem:v63+s17+$0x0] =	vst.idx.msk $0xffff, v12;
	v58 =	vor.u32 s3, v30  }
0x17a: {  	v60 =	vmul.f32 v45, v37;
	v12 =	vadd.f32 v25, v39;
	[tilespmem:v48+s17+$0x0] =	vst.idx.msk $0xffff, v55  }
0x17b: {  	v49 =	vadd.f32 v20, v46;
	[tilespmem:v51+s17+$0x0] =	vst.idx.msk $0xffff, v57  }
0x17c: {  	v32 =	vadd.f32 v12, v23;
	v12 =	vmul.f32 v45, v38;
	[tilespmem:v52+s17+$0x0] =	vst.idx.msk $0xffff, v60  }
0x17d: {  	v54 =	vadd.f32 v49, v5;
	v37 =	vld [tilespmem:$0x1FD80]  }
0x17e: {  	v62 =	vadd.f32 v53, v43;
	v45 =	vld [tilespmem:$0x1FFE0];
	[tilespmem:v58+s17+$0x0] =	vst.idx.msk $0xffff, v12  }
0x17f: {  	v31 =	vadd.f32 v54, v10;
	v38 =	vld [tilespmem:$0x1FEF0]  }
0x180: {  	v35 =	vadd.f32 v62, v22;
	v63 =	vor.u32 s31, v59  }
0x181: {  	v61 =	vadd.f32 v7, v44;
	v33 =	vor.u32 s31, v56;
	v36 =	vadd.f32 v31, v32;
	v11 =	vld [tilespmem:$0x1FD90]  }
0x182: {  	v0 =	vadd.f32 v35, v24;
	v12 =	vpop (erf)  }
0x183: {  	v2 =	vadd.f32 v61, v6;
	v3 =	vmul.f32 v12, v36  }
0x184: {  	v0 =	vmul.f32 v12, v0;
	v15 =	vor.u32 s31, v45  }
0x185: {  	v2 =	vadd.f32 v2, v9;
	v16 =	vor.u32 s31, v41;
	[tilespmem:v63+s17+$0x0] =	vst.idx.msk $0xffff, v3;
	v4 =	vmul.f32 v17, v37  }
0x186: {  	v39 =	vor.u32 s31, v42;
	[tilespmem:v33+s17+$0x0] =	vst.idx.msk $0xffff, v0;
	v11 =	vmul.f32 v17, v11  }
0x187: {  	v43 =	vor.u32 s31, v34;
	v2 =	vmul.f32 v12, v2;
	[tilespmem:v38+s17+$0x0] =	vst.idx.msk $0xffff, v4  }
0x188: {  	v44 =	vor.u32 s31, v40;
	v1 =	vmul.f32 v12, v31;
	[tilespmem:v18+s17+$0x0] =	vst.idx.msk $0xffff, v11  }
0x189: {  	v46 =	vor.u32 s31, v47;
	v48 =	vmul.f32 v12, v25;
	[tilespmem:v15+s17+$0x0] =	vst.idx.msk $0xffff, v2  }
0x18a: {  	v49 =	vor.u32 s31, v21;
	v15 =	vmul.f32 v12, v23;
	[tilespmem:v16+s17+$0x0] =	vst.idx.msk $0xffff, v1  }
0x18b: {  	v50 =	vor.u32 s31, v13;
	v51 =	vmul.f32 v12, v53;
	[tilespmem:v39+s17+$0x0] =	vst.idx.msk $0xffff, v48  }
0x18c: {  	v52 =	vor.u32 s31, v19;
	v53 =	vmul.f32 v12, v22;
	[tilespmem:v43+s17+$0x0] =	vst.idx.msk $0xffff, v15  }
0x18d: {  	v54 =	vor.u32 s31, v28;
	v15 =	vmul.f32 v12, v24;
	[tilespmem:v44+s17+$0x0] =	vst.idx.msk $0xffff, v51  }
0x18e: {  	v55 =	vor.u32 s31, v29;
	v7 =	vmul.f32 v12, v7;
	[tilespmem:v46+s17+$0x0] =	vst.idx.msk $0xffff, v53  }
0x18f: {  	v57 =	vor.u32 s31, v14;
	v6 =	vmul.f32 v12, v6;
	[tilespmem:v49+s17+$0x0] =	vst.idx.msk $0xffff, v15  }
0x190: {  	v58 =	vor.u32 s31, v30;
	v60 =	vmul.f32 v12, v9;
	[tilespmem:v50+s17+$0x0] =	vst.idx.msk $0xffff, v7  }
0x191: {  	v61 =	vmul.f32 v12, v20;
	[tilespmem:v52+s17+$0x0] =	vst.idx.msk $0xffff, v6  }
.Ltmp5:
0x192: {  	s0 =	sshll.u32 s25, $0xE;
	v62 =	vmul.f32 v12, v5;
	[tilespmem:v54+s17+$0x0] =	vst.idx.msk $0xffff, v60;
	(pc) =	sbr.rel @p3 .LBB2_8-.Ltmp5, $4  }
0x193: {  	s0 =	sadd.s32 s8, s0;
	v63 =	vmul.f32 v12, v10;
	[tilespmem:v55+s17+$0x0] =	vst.idx.msk $0xffff, v61  }
0x194: {  	s0 =	sshrl.u32 s0, $0x3;
	[tilespmem:v57+s17+$0x0] =	vst.idx.msk $0xffff, v62  }
0x195: {  	s0 =	sadd.s32 s4, s0;
	[tilespmem:v58+s17+$0x0] =	vst.idx.msk $0xffff, v63  }
0x196: {  	v13 =	vmov v34;
	v46 =	vmov v47;
	[hbm4b:s0+s5] =	stream.linear.scatter [tilespmem:s17], [sflag:$0x2], $0x2000, $0x38;
	[tilespmem:$0x9000] =	vst v63  }
0x197: {  	_ =	swait.ge [sflag:s16], $0x2000  }
0x198: {  	s0 =	sshll.u32 s25, $0xD;
	s1 =	rddreg [dreg:$0x5]  }
0x199: {  	s0 =	sadd.s32 s0, s1  }
0x19a: {  	s12 =	simm.s32 $0x1000;
	[sflag:s16] =	ssyncset.done $0x0;
	s0 =	sshrl.u32 s0, $0x3  }
0x19b: {  	s13 =	simm.s32 $0x7A1400;
	[sflag:s16] =	ssyncadd.s32 $0xFFFFE000;
	s0 =	sadd.s32 s2, s0  }
0x19c: {  	[tilespmem:s5], [sflag:$0x1] =	stream.strided.gather [hbm4b:s0+s12], $0x2000, s13, s12, $0x38;
	[tilespmem:$0x9000] =	vst v63  }
0x19d: {  	s3 =	simm.s32 $0x0;
	s0 =	simm.s32 @!p2 $0x2  }
0x19e: {  	s14 =	simm.s32 $0x10;
	s9 =	sand.u32 $0xC00, s3;
	_ =	swait.ge @!p2 [sflag:s0], $0x2000  }
0x19f: {  	s10 =	sand.u32 $0x70, s14;
	s15 =	sor.u32 $0x2000, s9;
	[sflag:s0] =	ssyncset.done @!p2 $0x0  }
0x1a0: {  	s19 =	sor.u32 s10, s15;
	[sflag:s0] =	ssyncadd.s32 @!p2 $0xFFFFE000  }
0x1a1: {  	v0 =	vld [tilespmem:s19+$0x0]  }
0x1a2: {  	s6 =	sand.u32 $0x7, s3;
	v1 =	vld [tilespmem:s19+$0x80]  }
0x1a3: {  	s6 =	sshll.u32 s6, $0x4;
	v2 =	vld [tilespmem:s19+$0x100]  }
0x1a4: {  	s6 =	sadd.s32 $0x0, s6;
	v3 =	vld [tilespmem:s19+$0x180]  }
0x1a5: {  	s6 =	sadd.s32 $0x10, s6;
	v4 =	vld [tilespmem:s19+$0x200]  }
0x1a6: {  	s1 =	sor.u32 s14, s3;
	s20 =	sor.u32 $0x300, s6;
	v5 =	vld [tilespmem:s19+$0x280]  }
0x1a7: {  	s14 =	sor.u32 $0x3000, s9;
	s21 =	sor.u32 $0x380, s1;
	v6 =	vld [tilespmem:s20+$0x2000];
	v7 =	vmax.f32 v0, v1  }
0x1a8: {  	s22 =	sor.u32 s10, s14;
	s12 =	sor.u32 $0x3080, s9;
	v8 =	vld [tilespmem:s21+$0x2000];
	v7 =	vmax.f32 v7, v2  }
0x1a9: {  	s23 =	sor.u32 s10, s12;
	s19 =	sor.u32 $0x3100, s9;
	v9 =	vld [tilespmem:s22+$0x0];
	v7 =	vmax.f32 v7, v3  }
0x1aa: {  	s13 =	sor.u32 $0x3180, s9;
	v10 =	vld [tilespmem:s23+$0x0];
	s24 =	sor.u32 s10, s19;
	v7 =	vmax.f32 v7, v4  }
0x1ab: {  	s11 =	sor.u32 $0x3200, s9;
	s1 =	sor.u32 s10, s13;
	v11 =	vld [tilespmem:s24+$0x0];
	v7 =	vmax.f32 v7, v5  }
0x1ac: {  	s2 =	sor.u32 s10, s11;
	s6 =	sor.u32 $0x3280, s9;
	v12 =	vld [tilespmem:s1+$0x0];
	v7 =	vmax.f32 v7, v6  }
0x1ad: {  	s1 =	sor.u32 $0x3300, s9;
	v15 =	vld [tilespmem:s2+$0x0];
	s20 =	sor.u32 s10, s6;
	v7 =	vmax.f32 v7, v8  }
0x1ae: {  	s0 =	sor.u32 $0x3380, s9;
	v16 =	vld [tilespmem:s20+$0x0];
	s20 =	sor.u32 s10, s1;
	v7 =	vmax.f32 v7, v9  }
0x1af: {  	s21 =	sor.u32 s10, s0;
	v17 =	vld [tilespmem:s20+$0x0];
	v7 =	vmax.f32 v7, v10  }
0x1b0: {  	v18 =	vld [tilespmem:s21+$0x0];
	v7 =	vmax.f32 v7, v11  }
0x1b1: {  	v7 =	vmax.f32 v7, v12  }
0x1b2: {  	v7 =	vmax.f32 v7, v15  }
0x1b3: {  	v7 =	vmax.f32 v7, v16  }
0x1b4: {  	v7 =	vmax.f32 v7, v17  }
0x1b5: {  	s22 =	simm.s32 $0x0;
	v7 =	vmax.f32 v7, v18  }
0x1b6: {  	s10 =	sand.u32 $0x60, s22;
	v0 =	vsub.f32 v0, v7  }
0x1b7: {  	s23 =	sor.u32 s10, s15;
	v1 =	vsub.f32 v1, v7  }
0x1b8: {  	v21 =	vld [tilespmem:s23+$0x0];
	v0 =	vmul.f32 $1.442695020e+00, v0  }
0x1b9: {  	v22 =	vld [tilespmem:s23+$0x80];
	v2 =	vsub.f32 v2, v7;
	v1 =	vmul.f32 $1.442695020e+00, v1  }
0x1ba: {  	(erf) = vpow2.f32 v0  }
0x1bb: {  	v23 =	vld [tilespmem:s23+$0x100];
	v3 =	vsub.f32 v3, v7;
	v2 =	vmul.f32 $1.442695020e+00, v2;
	(erf) = vpow2.f32 v1;
	_ =	sdelay $0x1  }
0x1bc: {  	v4 =	vsub.f32 v4, v7;
	v3 =	vmul.f32 $1.442695020e+00, v3;
	(erf) = vpow2.f32 v2  }
0x1bd: {  	s24 =	sand.u32 $0x3, s3;
	v24 =	vld [tilespmem:s23+$0x180];
	v19 =	vmax.f32 v21, v22  }
0x1be: {  	s15 =	sshll.u32 s24, $0x5;
	v2 =	vmul.f32 $1.442695020e+00, v4;
	v4 =	vsub.f32 v5, v7;
	(erf) = vpow2.f32 v3  }
0x1bf: {  	v25 =	vld [tilespmem:s23+$0x200];
	s15 =	sadd.s32 $0x0, s15;
	v19 =	vmax.f32 v19, v23  }
0x1c0: {  	s3 =	sor.u32 s22, s3;
	s2 =	sor.u32 $0x300, s15;
	v0 =	vld [tilespmem:s23+$0x280];
	v3 =	vmul.f32 $1.442695020e+00, v4;
	v4 =	vsub.f32 v6, v7;
	(erf) = vpow2.f32 v2  }
0x1c1: {  	s3 =	sor.u32 $0x380, s3;
	v26 =	vld [tilespmem:s2+$0x2000];
	v8 =	vsub.f32 v8, v7  }
0x1c2: {  	v27 =	vld [tilespmem:s3+$0x2000];
	s15 =	sor.u32 s10, s14;
	v1 =	vmax.f32 v19, v24;
	v4 =	vmul.f32 $1.442695020e+00, v4;
	(erf) = vpow2.f32 v3;
	v19 =	vpop (erf)  }
0x1c3: {  	s20 =	sor.u32 s10, s12;
	v9 =	vsub.f32 v9, v7;
	v8 =	vmul.f32 $1.442695020e+00, v8;
	v5 =	vld [tilespmem:s15+$0x0];
	v2 =	vpop (erf)  }
0x1c4: {  	s21 =	sor.u32 s10, s19;
	v1 =	vmax.f32 v1, v25;
	v6 =	vld [tilespmem:s20+$0x0];
	(erf) = vpow2.f32 v4;
	v19 =	vadd.f32 v2, v19  }
0x1c5: {  	s22 =	sor.u32 s10, s13;
	v31 =	vld [tilespmem:s21+$0x0];
	v10 =	vsub.f32 v10, v7;
	v9 =	vmul.f32 $1.442695020e+00, v9;
	v1 =	vmax.f32 v1, v0;
	v3 =	vpop (erf)  }
0x1c6: {  	v32 =	vld [tilespmem:s22+$0x0];
	v1 =	vmax.f32 v1, v26;
	(erf) = vpow2.f32 v8;
	v19 =	vadd.f32 v19, v3  }
0x1c7: {  	v11 =	vsub.f32 v11, v7;
	v10 =	vmul.f32 $1.442695020e+00, v10;
	s23 =	sor.u32 s10, s11;
	v1 =	vmax.f32 v1, v27;
	v33 =	vpop (erf)  }
0x1c8: {  	s24 =	sor.u32 s10, s6;
	v4 =	vld [tilespmem:s23+$0x0];
	v1 =	vmax.f32 v1, v5;
	(erf) = vpow2.f32 v9;
	v19 =	vadd.f32 v19, v33  }
0x1c9: {  	s1 =	sor.u32 s10, s1;
	v52 =	vld [tilespmem:s24+$0x0];
	v12 =	vsub.f32 v12, v7;
	v11 =	vmul.f32 $1.442695020e+00, v11;
	v1 =	vmax.f32 v1, v6;
	v35 =	vpop (erf)  }
0x1ca: {  	s0 =	sor.u32 s10, s0;
	v53 =	vld [tilespmem:s1+$0x0];
	v1 =	vmax.f32 v1, v31;
	(erf) = vpow2.f32 v10;
	v28 =	vadd.f32 v19, v35  }
0x1cb: {  	v12 =	vmul.f32 $1.442695020e+00, v12;
	v1 =	vmax.f32 v1, v32;
	v20 =	vpop (erf);
	v19 =	vld [tilespmem:s0+$0x0]  }
0x1cc: {  	(erf) = vpow2.f32 v11;
	v54 =	vadd.f32 v28, v20;
	v28 =	vsub.f32 v15, v7  }
0x1cd: {  	v55 =	vsub.f32 v16, v7;
	v1 =	vmax.f32 v1, v4;
	(erf) = vpow2.f32 v12;
	v15 =	vpop (erf)  }
0x1ce: {  	v1 =	vmax.f32 v1, v52;
	v10 =	vadd.f32 v54, v15;
	v28 =	vmul.f32 $1.442695020e+00, v28  }
0x1cf: {  	v57 =	vsub.f32 v17, v7;
	v11 =	vmul.f32 $1.442695020e+00, v55;
	v1 =	vmax.f32 v1, v53;
	v16 =	vpop (erf)  }
0x1d0: {  	v1 =	vmax.f32 v1, v19;
	v10 =	vadd.f32 v10, v16;
	(erf) = vpow2.f32 v28  }
0x1d1: {  	v7 =	vsub.f32 v18, v7;
	v17 =	vpop (erf);
	v21 =	vsub.f32 v21, v1  }
0x1d2: {  	v12 =	vmul.f32 $1.442695020e+00, v57;
	(erf) = vpow2.f32 v11;
	v10 =	vadd.f32 v10, v17  }
0x1d3: {  	v7 =	vmul.f32 $1.442695020e+00, v7;
	v58 =	vmul.f32 $1.442695020e+00, v21;
	v28 =	vpop (erf)  }
0x1d4: {  	v18 =	vsub.f32 v22, v1;
	(erf) = vpow2.f32 v12;
	v10 =	vadd.f32 v10, v28  }
0x1d5: {  	v61 =	vsub.f32 v24, v1;
	v21 =	vsub.f32 v23, v1;
	v29 =	vpop (erf);
	(erf) = vpow2.f32 v58  }
0x1d6: {  	v60 =	vmul.f32 $1.442695020e+00, v18;
	(erf) = vpow2.f32 v7;
	v10 =	vadd.f32 v10, v29  }
0x1d7: {  	v62 =	vsub.f32 v25, v1;
	v0 =	vsub.f32 v0, v1;
	v30 =	vpop (erf);
	v7 =	vmul.f32 $1.442695020e+00, v21  }
0x1d8: {  	v63 =	vsub.f32 v26, v1;
	(erf) = vpow2.f32 v60;
	v10 =	vadd.f32 v10, v30  }
0x1d9: {  	v36 =	vsub.f32 v27, v1;
	v11 =	vmul.f32 $1.442695020e+00, v61;
	(erf) = vpow2.f32 v7;
	v34 =	vpop (erf)  }
0x1da: {  	v0 =	vmul.f32 $1.442695020e+00, v0;
	v7 =	vmul.f32 $1.442695020e+00, v62;
	v10 =	vadd.f32 v10, v34  }
0x1db: {  	v5 =	vsub.f32 v5, v1;
	v12 =	vmul.f32 $1.442695020e+00, v63;
	(erf) = vpow2.f32 v11;
	v48 =	vpop (erf)  }
0x1dc: {  	(erf) = vpow2.f32 v7;
	v7 =	vmul.f32 $1.442695020e+00, v36;
	v10 =	vadd.f32 v10, v48  }
0x1dd: {  	v49 =	vpop (erf);
	(erf) = vpow2.f32 v0;
	v0 =	vmul.f32 $1.442695020e+00, v5;
	v5 =	vsub.f32 v6, v1  }
0x1de: {  	(erf) = vpow2.f32 v12;
	v6 =	vpop (erf);
	v10 =	vadd.f32 v10, v49  }
0x1df: {  	v2 =	vadd.f32 v20, v2;
	(erf) = vpow2.f32 v7;
	v5 =	vmul.f32 $1.442695020e+00, v5;
	v50 =	vpop (erf)  }
0x1e0: {  	(erf) = vpow2.f32 v0;
	v0 =	vsub.f32 v4, v1;
	v10 =	vadd.f32 v10, v50  }
0x1e1: {  	s0 =	simm.s32 $0x100;
	v37 =	vsub.f32 v31, v1;
	v8 =	vsub.f32 v52, v1;
	v31 =	vpop (erf);
	(erf) = vpow2.f32 v5  }
0x1e2: {  	v39 =	vor.u32 s0, v59;
	v7 =	vsub.f32 v32, v1;
	v27 =	vpop (erf);
	(erf) = vrcp.f32 v10  }
0x1e3: {  	s28 =	simm.s32 $0x100;
	v2 =	vadd.f32 v2, v15;
	v4 =	vadd.f32 v31, v6;
	v6 =	vmul.f32 $1.442695020e+00, v37  }
0x1e4: {  	s29 =	simm.s32 $0x30;
	s2 =	sand.u32 $0xC00, s28;
	v38 =	vadd.f32 v48, v35;
	v7 =	vmul.f32 $1.442695020e+00, v7;
	v5 =	vmul.f32 $1.442695020e+00, v0;
	v0 =	vpop (erf)  }
0x1e5: {  	s14 =	sand.u32 $0x70, s29;
	s20 =	sor.u32 $0x2000, s2;
	v9 =	vsub.f32 v53, v1;
	(erf) = vpow2.f32 v6;
	v6 =	vmul.f32 $1.442695020e+00, v8;
	v8 =	vpop (erf)  }
0x1e6: {  	s6 =	sor.u32 s14, s20;
	v4 =	vadd.f32 v4, v27;
	(erf) = vpow2.f32 v7;
	v7 =	vadd.f32 v38, v49;
	v43 =	vpop (erf)  }
0x1e7: {  	v9 =	vmul.f32 $1.442695020e+00, v9;
	v21 =	vor.u32 s0, v45;
	v10 =	vld [tilespmem:s6+$0x0];
	(erf) = vpow2.f32 v5;
	v25 =	vpop (erf)  }
0x1e8: {  	v4 =	vadd.f32 v4, v0;
	(erf) = vpow2.f32 v6;
	v6 =	vadd.f32 v7, v50;
	v7 =	vld [tilespmem:s6+$0x80];
	v51 =	vpop (erf)  }
0x1e9: {  	v44 =	vor.u32 s0, v56;
	v3 =	vadd.f32 v16, v3;
	(erf) = vpow2.f32 v9;
	v9 =	vld [tilespmem:s6+$0x100];
	v47 =	vpop (erf);
	[tilespmem:$0x1FC00] =	vst v39  }
0x1ea: {  	s30 =	simm.s32 $0x2;
	v4 =	vadd.f32 v4, v8;
	v11 =	vld [tilespmem:s6+$0x180];
	v2 =	vadd.f32 v6, v2;
	[tilespmem:$0x1FC20] =	vst v44;
	v18 =	vpop (erf)  }
0x1eb: {  	s9 =	sand.u32 $0x7, s30;
	v5 =	vadd.f32 v29, v33;
	v12 =	vld [tilespmem:s6+$0x200];
	[tilespmem:$0x1FC30] =	vst v21;
	v21 =	vpop (erf)  }
0x1ec: {  	s3 =	sshll.u32 s9, $0x4;
	v3 =	vadd.f32 v3, v17;
	v4 =	vadd.f32 v4, v43;
	v2 =	vmul.f32 v21, v2  }
0x1ed: {  	s3 =	sadd.s32 $0x100, s3;
	v5 =	vadd.f32 v5, v30  }
0x1ee: {  	s3 =	sadd.s32 $0x10, s3;
	v3 =	vadd.f32 v3, v28;
	v4 =	vadd.f32 v4, v25;
	v24 =	vld [tilespmem:s6+$0x280];
	[tilespmem:$0x1FC10] =	vst v2;
	v2 =	vor.u32 s0, v41  }
0x1ef: {  	s10 =	sor.u32 $0x300, s3;
	s11 =	sor.u32 s29, s28;
	v5 =	vadd.f32 v5, v34;
	[tilespmem:$0x1FC50] =	vst v2  }
0x1f0: {  	s3 =	sor.u32 $0x380, s11;
	s6 =	sor.u32 $0x3000, s2;
	v4 =	vadd.f32 v4, v51;
	v38 =	vmul.f32 v21, v3;
	v3 =	vor.u32 s0, v42;
	v57 =	vld [tilespmem:s10+$0x2000]  }
0x1f1: {  	s1 =	sor.u32 $0x3080, s2;
	v1 =	vsub.f32 v19, v1;
	s12 =	sor.u32 s14, s6;
	v5 =	vmul.f32 v21, v5;
	v58 =	vld [tilespmem:s3+$0x2000];
	[tilespmem:$0x1FC70] =	vst v3  }
0x1f2: {  	s13 =	sor.u32 s14, s1;
	v4 =	vadd.f32 v4, v47;
	v3 =	vld [tilespmem:s12+$0x0]  }
0x1f3: {  	v1 =	vmul.f32 $1.442695020e+00, v1;
	s3 =	sor.u32 $0x3100, s2;
	v59 =	vld [tilespmem:s13+$0x0];
	[tilespmem:$0x1FC40] =	vst v5;
	v5 =	vor.u32 s0, v13  }
0x1f4: {  	v14 =	vpop (erf);
	v6 =	vmul.f32 v21, v6;
	v4 =	vadd.f32 v4, v18;
	s10 =	sor.u32 $0x3180, s2;
	s15 =	sor.u32 s14, s3;
	[tilespmem:$0x1FC80] =	vst v5  }
0x1f5: {  	(erf) = vpow2.f32 v1;
	v2 =	vmax.f32 v10, v7;
	s21 =	sor.u32 s14, s10;
	v5 =	vld [tilespmem:s15+$0x0];
	[tilespmem:$0x1FD60] =	vst v14  }
0x1f6: {  	s11 =	sor.u32 $0x3200, s2;
	v2 =	vmax.f32 v2, v9;
	v1 =	vadd.f32 v4, v14;
	v4 =	vld [tilespmem:s21+$0x0];
	[tilespmem:$0x1FC60] =	vst v6;
	v6 =	vor.u32 s0, v40  }
0x1f7: {  	s22 =	sor.u32 s14, s11;
	v15 =	vmul.f32 v21, v15;
	v2 =	vmax.f32 v2, v11;
	s12 =	sor.u32 $0x3280, s2;
	[tilespmem:$0x1FCA0] =	vst v6  }
0x1f8: {  	v19 =	vmov v45;
	v2 =	vmax.f32 v2, v12;
	s23 =	sor.u32 s14, s12;
	v6 =	vld [tilespmem:s22+$0x0]  }
0x1f9: {  	v45 =	vmovc v18;
	v18 =	vor.u32 s0, v46;
	s13 =	sor.u32 $0x3300, s2;
	v2 =	vmax.f32 v2, v24;
	v61 =	vld [tilespmem:s23+$0x0];
	[tilespmem:$0x1FC90] =	vst v15;
	v15 =	vmul.f32 v21, v16  }
0x1fa: {  	s24 =	sor.u32 s14, s13;
	v2 =	vmax.f32 v2, v57;
	[tilespmem:$0x1FCC0] =	vst v18  }
0x1fb: {  	s19 =	sor.u32 $0x3380, s2;
	v2 =	vmax.f32 v2, v58;
	v53 =	vld [tilespmem:s24+$0x0];
	[tilespmem:$0x1FCB0] =	vst v15;
	v15 =	vmul.f32 v21, v17  }
0x1fc: {  	v55 =	vpop (erf);
	s21 =	sor.u32 s14, s19;
	v2 =	vmax.f32 v2, v3  }
0x1fd: {  	v1 =	vadd.f32 v1, v55;
	v2 =	vmax.f32 v2, v59;
	v60 =	vld [tilespmem:s21+$0x0];
	[tilespmem:$0x1FCD0] =	vst v15;
	v15 =	vmul.f32 v21, v28  }
0x1fe: {  	v52 =	vpop (erf);
	s2 =	simm.s32 $0x20;
	v2 =	vmax.f32 v2, v5  }
0x1ff: {  	v54 =	vpop (erf);
	s14 =	sand.u32 $0x60, s2;
	v1 =	vadd.f32 v1, v52;
	v2 =	vmax.f32 v2, v4;
	[tilespmem:$0x1FCE0] =	vst v15;
	v15 =	vmul.f32 v21, v29  }
0x200: {  	v37 =	vmov v46;
	s22 =	sor.u32 s14, s20;
	v16 =	vadd.f32 v54, v8;
	v2 =	vmax.f32 v2, v6  }
0x201: {  	v1 =	vadd.f32 v1, v54;
	v2 =	vmax.f32 v2, v61;
	v28 =	vld [tilespmem:s22+$0x0];
	[tilespmem:$0x1FCF0] =	vst v15;
	v15 =	vmul.f32 v21, v30  }
0x202: {  	v32 =	vmul.f32 v21, v20;
	v46 =	vpop (erf);
	v8 =	vadd.f32 v14, v0;
	v2 =	vmax.f32 v2, v53  }
0x203: {  	v1 =	vadd.f32 v1, v46;
	v29 =	vadd.f32 v16, v46;
	v63 =	vmax.f32 v2, v60  }
0x204: {  	v48 =	vmul.f32 v21, v48;
	v10 =	vsub.f32 v10, v63;
	v0 =	vsub.f32 v7, v63  }
0x205: {  	v2 =	vmul.f32 v21, v49;
	v62 =	vld [tilespmem:s22+$0x80];
	v9 =	vsub.f32 v9, v63;
	v49 =	vsub.f32 v12, v63;
	[tilespmem:$0x1FD00] =	vst v15;
	v15 =	vpop (erf)  }
0x206: {  	v56 =	vmul.f32 v21, v34;
	s23 =	simm.s32 $0x1;
	[tilespmem:$0x1FBE0] =	vst v46;
	v3 =	vsub.f32 v3, v63;
	v1 =	vadd.f32 v1, v15  }
0x207: {  	s20 =	sand.u32 $0x3, s23;
	v34 =	vsub.f32 v59, v63;
	v39 =	vsub.f32 v5, v63;
	v30 =	vld [tilespmem:s22+$0x100];
	[tilespmem:$0x1FD10] =	vst v48;
	v7 =	vmul.f32 $1.442695020e+00, v10  }
0x208: {  	s20 =	sshll.u32 s20, $0x5;
	v4 =	vsub.f32 v4, v63;
	v18 =	vld [tilespmem:s22+$0x180];
	[tilespmem:$0x1FD20] =	vst v2;
	v2 =	vmul.f32 v21, v50;
	(erf) = vrcp.f32 v1  }
0x209: {  	s20 =	sadd.s32 $0x100, s20;
	v0 =	vmul.f32 $1.442695020e+00, v0;
	v22 =	vld [tilespmem:s22+$0x200];
	(erf) = vpow2.f32 v7;
	v7 =	vsub.f32 v11, v63  }
0x20a: {  	s2 =	sor.u32 s2, s28;
	s24 =	sor.u32 $0x300, s20;
	v6 =	vsub.f32 v6, v63;
	v9 =	vmul.f32 $1.442695020e+00, v9;
	v10 =	vmul.f32 $1.442695020e+00, v49;
	v23 =	vld [tilespmem:s22+$0x280];
	[tilespmem:$0x1FD30] =	vst v2  }
0x20b: {  	s9 =	sor.u32 $0x380, s2;
	v35 =	vld [tilespmem:s24+$0x2000];
	v1 =	vmax.f32 v28, v62;
	(erf) = vpow2.f32 v0;
	v7 =	vmul.f32 $1.442695020e+00, v7  }
0x20c: {  	s6 =	sor.u32 s14, s6;
	v50 =	vsub.f32 v24, v63;
	v36 =	vld [tilespmem:s9+$0x2000];
	v1 =	vmax.f32 v1, v30;
	(erf) = vpow2.f32 v9  }
0x20d: {  	s1 =	sor.u32 s14, s1;
	v21 =	vld [tilespmem:s6+$0x0];
	v1 =	vmax.f32 v1, v18;
	(erf) = vpow2.f32 v7;
	v7 =	vsub.f32 v57, v63  }
0x20e: {  	v26 =	vld [tilespmem:s1+$0x0];
	s9 =	sor.u32 s14, s3;
	v1 =	vmax.f32 v1, v22;
	v9 =	vmul.f32 $1.442695020e+00, v50;
	v57 =	vsub.f32 v58, v63  }
0x20f: {  	s15 =	sor.u32 s14, s10;
	v44 =	vld [tilespmem:s9+$0x0];
	v0 =	vmax.f32 v1, v23;
	(erf) = vpow2.f32 v10;
	v58 =	vmul.f32 $1.442695020e+00, v7  }
0x210: {  	s20 =	sor.u32 s14, s11;
	v49 =	vld [tilespmem:s15+$0x0];
	v0 =	vmax.f32 v0, v35;
	(erf) = vpow2.f32 v9;
	v33 =	vmul.f32 $1.442695020e+00, v57  }
0x211: {  	s21 =	sor.u32 s14, s12;
	v3 =	vmul.f32 $1.442695020e+00, v3;
	v48 =	vld [tilespmem:s20+$0x0];
	v11 =	vmax.f32 v0, v36;
	(erf) = vpow2.f32 v58  }
0x212: {  	v46 =	vmul.f32 $1.442695020e+00, v34;
	s22 =	sor.u32 s14, s13;
	v59 =	vld [tilespmem:s21+$0x0];
	v11 =	vmax.f32 v11, v21;
	(erf) = vpow2.f32 v33  }
0x213: {  	s23 =	sor.u32 s14, s19;
	v50 =	vld [tilespmem:s22+$0x0];
	v10 =	vmul.f32 $1.442695020e+00, v39;
	v11 =	vmax.f32 v11, v26;
	v17 =	vpop (erf);
	(erf) = vpow2.f32 v3  }
0x214: {  	v4 =	vmul.f32 $1.442695020e+00, v4;
	v20 =	vld [tilespmem:s23+$0x0];
	v34 =	vmax.f32 v11, v44;
	v33 =	vpop (erf);
	(erf) = vpow2.f32 v46  }
0x215: {  	v9 =	vmax.f32 v34, v49;
	(erf) = vpow2.f32 v10  }
0x216: {  	v6 =	vmul.f32 $1.442695020e+00, v6;
	(erf) = vpow2.f32 v4;
	v4 =	vmax.f32 v9, v48  }
0x217: {  	v46 =	vsub.f32 v61, v63;
	v4 =	vmax.f32 v4, v59  }
0x218: {  	(erf) = vpow2.f32 v6;
	v6 =	vsub.f32 v53, v63;
	v4 =	vmax.f32 v4, v50  }
0x219: {  	v0 =	vld [tilespmem:$0x1FC00];
	v57 =	vpop (erf);
	v9 =	vmul.f32 $1.442695020e+00, v46;
	v34 =	vmax.f32 v4, v20  }
0x21a: {  	v58 =	vpop (erf);
	v4 =	vsub.f32 v60, v63;
	v6 =	vmul.f32 $1.442695020e+00, v6;
	v60 =	vsub.f32 v28, v34  }
0x21b: {  	v61 =	vpop (erf);
	(erf) = vpow2.f32 v9  }
0x21c: {  	v1 =	vld [tilespmem:$0x1FC10];
	v46 =	vpop (erf);
	(erf) = vpow2.f32 v6;
	v6 =	vmul.f32 $1.442695020e+00, v60  }
0x21d: {  	v4 =	vmul.f32 $1.442695020e+00, v4  }
0x21e: {  	v16 =	vld [tilespmem:$0x1FF30];
	v63 =	vadd.f32 v51, v27;
	v27 =	vpop (erf);
	(erf) = vpow2.f32 v6  }
0x21f: {  	v2 =	vld [tilespmem:$0x1FF50];
	v39 =	vadd.f32 v57, v33;
	v28 =	vpop (erf);
	(erf) = vpow2.f32 v4;
	v4 =	vadd.f32 v8, v55  }
0x220: {  	[tilespmem:$0x1FBF0] =	vst v15;
	v53 =	vadd.f32 v29, v15;
	v15 =	vld [tilespmem:$0x1FF40]  }
0x221: {  	v10 =	vadd.f32 v39, v58;
	v39 =	vadd.f32 v4, v52;
	v4 =	vld [tilespmem:$0x1FF60];
	[tilespmem:v0+s18+$0x0] =	vst.idx.msk $0xffff, v1  }
0x222: {  	v0 =	vld [tilespmem:$0x1FC20];
	_ =	sdelay $0x7  }
0x223: {  	v3 =	vld [tilespmem:$0x1FF70];
	[tilespmem:v0+s18+$0x0] =	vst.idx.msk $0xffff, v38  }
0x224: {  	v0 =	vld [tilespmem:$0x1FC30];
	_ =	sdelay $0x2  }
0x225: {  	v1 =	vld [tilespmem:$0x1FC40];
	_ =	sdelay $0x3  }
0x226: {  	v5 =	vld [tilespmem:$0x1FF80]  }
0x227: {  	v14 =	vmov v13;
	v13 =	vsub.f32 v62, v34;
	v7 =	vld [tilespmem:$0x1FF90];
	[tilespmem:v0+s18+$0x0] =	vst.idx.msk $0xffff, v1  }
0x228: {  	v24 =	vld [tilespmem:$0x1FC50]  }
0x229: {  	v33 =	vadd.f32 v63, v47;
	v11 =	vmul.f32 $1.442695020e+00, v13;
	_ =	sdelay $0x1  }
0x22a: {  	(erf) = vpow2.f32 v11;
	v11 =	vadd.f32 v33, v45;
	v33 =	vld [tilespmem:$0x1FC60];
	_ =	sdelay $0x3  }
0x22b: {  	v0 =	vld [tilespmem:$0x1FF10]  }
0x22c: {  	v1 =	vld [tilespmem:$0x1FF20];
	[tilespmem:v24+s18+$0x0] =	vst.idx.msk $0xffff, v33  }
0x22d: {  	v33 =	vld [tilespmem:$0x1FC70];
	_ =	sdelay $0x7  }
0x22e: {  	s24 =	simm.s32 $0x0;
	[tilespmem:v33+s18+$0x0] =	vst.idx.msk $0xffff, v32  }
0x22f: {  	v24 =	vor.u32 s24, v41;
	v41 =	vor.u32 s24, v42;
	v42 =	vld [tilespmem:$0x1FC80];
	_ =	sdelay $0x2  }
0x230: {  	v33 =	vld [tilespmem:$0x1FC90];
	_ =	sdelay $0x4  }
0x231: {  	[tilespmem:v42+s18+$0x0] =	vst.idx.msk $0xffff, v33  }
0x232: {  	v42 =	vor.u32 s24, v14;
	v14 =	vld [tilespmem:$0x1FCA0];
	_ =	sdelay $0x2  }
0x233: {  	v33 =	vld [tilespmem:$0x1FCB0];
	_ =	sdelay $0x2  }
0x234: {  	v6 =	vsub.f32 v30, v34;
	v30 =	vadd.f32 v43, v31  }
0x235: {  	v18 =	vsub.f32 v18, v34  }
0x236: {  	[tilespmem:v14+s18+$0x0] =	vst.idx.msk $0xffff, v33  }
0x237: {  	v29 =	vpop (erf);
	v18 =	vmul.f32 $1.442695020e+00, v18;
	v6 =	vmul.f32 $1.442695020e+00, v6;
	v14 =	vld [tilespmem:$0x1FCC0]  }
0x238: {  	v13 =	vmov v43;
	v43 =	vmov v47;
	v47 =	vadd.f32 v30, v25;
	v30 =	vpop (erf)  }
0x239: {  	(erf) = vpow2.f32 v6;
	v31 =	vpop (erf)  }
0x23a: {  	v32 =	vpop (erf);
	(erf) = vpow2.f32 v18;
	v18 =	vsub.f32 v35, v34;
	v35 =	vld [tilespmem:$0x1FCD0];
	_ =	sdelay $0x4  }
0x23b: {  	[tilespmem:v14+s18+$0x0] =	vst.idx.msk $0xffff, v35  }
0x23c: {  	v9 =	vor.u32 s0, v16;
	v14 =	vld [tilespmem:$0x1FCE0];
	_ =	sdelay $0x1  }
0x23d: {  	v10 =	vadd.f32 v10, v61;
	_ =	sdelay $0x1  }
0x23e: {  	v10 =	vadd.f32 v10, v46  }
0x23f: {  	[tilespmem:v9+s18+$0x0] =	vst.idx.msk $0xffff, v14  }
0x240: {  	v10 =	vadd.f32 v10, v27;
	v8 =	vor.u32 s0, v15;
	v14 =	vld [tilespmem:$0x1FCF0];
	_ =	sdelay $0x1  }
0x241: {  	v10 =	vadd.f32 v10, v28;
	_ =	sdelay $0x1  }
0x242: {  	v10 =	vadd.f32 v10, v29  }
0x243: {  	[tilespmem:v8+s18+$0x0] =	vst.idx.msk $0xffff, v14  }
0x244: {  	v6 =	vadd.f32 v10, v30;
	v10 =	vor.u32 s0, v2;
	v14 =	vld [tilespmem:$0x1FD00]  }
0x245: {  	v60 =	vor.u32 s0, v4;
	_ =	sdelay $0x3  }
0x246: {  	v22 =	vsub.f32 v22, v34;
	[tilespmem:v10+s18+$0x0] =	vst.idx.msk $0xffff, v14  }
0x247: {  	v23 =	vsub.f32 v23, v34;
	[tilespmem:v60+s18+$0x0] =	vst.idx.msk $0xffff, v56  }
0x248: {  	v22 =	vmul.f32 $1.442695020e+00, v22;
	v62 =	vor.u32 s0, v3;
	v14 =	vld [tilespmem:$0x1FD10]  }
0x249: {  	v23 =	vmul.f32 $1.442695020e+00, v23  }
0x24a: {  	v33 =	vpop (erf);
	(erf) = vpow2.f32 v22;
	v22 =	vor.u32 s24, v40;
	v40 =	vsub.f32 v36, v34  }
0x24b: {  	v18 =	vmul.f32 $1.442695020e+00, v18  }
0x24c: {  	(erf) = vpow2.f32 v23;
	v9 =	vmul.f32 $1.442695020e+00, v40;
	v40 =	vsub.f32 v26, v34  }
0x24d: {  	v6 =	vadd.f32 v6, v31;
	v35 =	vpop (erf);
	(erf) = vpow2.f32 v18;
	v56 =	vld [tilespmem:$0x1FF20];
	[tilespmem:v62+s18+$0x0] =	vst.idx.msk $0xffff, v14  }
0x24e: {  	v38 =	vor.u32 s0, v5;
	(erf) = vpow2.f32 v9;
	v9 =	vmul.f32 $1.442695020e+00, v40;
	v40 =	vld [tilespmem:$0x1FD20];
	_ =	sdelay $0x1  }
0x24f: {  	v6 =	vadd.f32 v6, v32  }
0x250: {  	v0 =	vor.u32 s24, v0  }
0x251: {  	v12 =	vadd.f32 v53, v47;
	v1 =	vor.u32 s24, v1;
	v6 =	vadd.f32 v6, v33  }
0x252: {  	v47 =	vmov v19;
	v19 =	vor.u32 s24, v19;
	[tilespmem:v38+s18+$0x0] =	vst.idx.msk $0xffff, v40  }
0x253: {  	v63 =	vor.u32 s0, v7;
	v6 =	vadd.f32 v6, v35;
	v60 =	vmul.f32 v17, v12;
	v14 =	vld [tilespmem:$0x1FD30]  }
0x254: {  	v21 =	vsub.f32 v21, v34;
	v11 =	vmul.f32 v17, v11;
	v36 =	vpop (erf)  }
0x255: {  	v6 =	vadd.f32 v6, v36;
	[tilespmem:v0+s18+$0x0] =	vst.idx.msk $0xffff, v60;
	v0 =	vmul.f32 v17, v39  }
0x256: {  	v8 =	vor.u32 s24, v37;
	v37 =	vpop (erf);
	[tilespmem:v1+s18+$0x0] =	vst.idx.msk $0xffff, v11  }
0x257: {  	v44 =	vsub.f32 v44, v34;
	v18 =	vmul.f32 $1.442695020e+00, v21;
	v6 =	vadd.f32 v6, v37;
	v62 =	vpop (erf);
	[tilespmem:v19+s18+$0x0] =	vst.idx.msk $0xffff, v0  }
0x258: {  	v26 =	vor.u32 s24, v2;
	v38 =	vpop (erf);
	v1 =	vmul.f32 v17, v53;
	v0 =	vor.u32 s24, v5;
	[tilespmem:v63+s18+$0x0] =	vst.idx.msk $0xffff, v14  }
0x259: {  	(erf) = vpow2.f32 v18;
	v6 =	vadd.f32 v6, v38;
	[tilespmem:$0x1FD40] =	vst v0;
	v0 =	vmul.f32 v17, v13  }
0x25a: {  	v2 =	vsub.f32 v49, v34;
	(erf) = vpow2.f32 v9;
	v60 =	vsub.f32 v48, v34;
	[tilespmem:v24+s18+$0x0] =	vst.idx.msk $0xffff, v1  }
0x25b: {  	(erf) = vrcp.f32 v6;
	v1 =	vmul.f32 v17, v25;
	[tilespmem:v41+s18+$0x0] =	vst.idx.msk $0xffff, v0;
	v0 =	vor.u32 s24, v7  }
0x25c: {  	v6 =	vmul.f32 v17, v51;
	v14 =	vor.u32 s24, v3;
	v3 =	vmul.f32 $1.442695020e+00, v44;
	[tilespmem:$0x1FD50] =	vst v0  }
0x25d: {  	v53 =	vmul.f32 v17, v43;
	v0 =	vmul.f32 $1.442695020e+00, v2;
	[tilespmem:v42+s18+$0x0] =	vst.idx.msk $0xffff, v1  }
0x25e: {  	(erf) = vpow2.f32 v3;
	v3 =	vsub.f32 v59, v34;
	v2 =	vmul.f32 $1.442695020e+00, v60;
	v59 =	vld [tilespmem:$0x1FF10];
	[tilespmem:v22+s18+$0x0] =	vst.idx.msk $0xffff, v6  }
0x25f: {  	v23 =	vor.u32 s24, v16;
	(erf) = vpow2.f32 v0;
	[tilespmem:v8+s18+$0x0] =	vst.idx.msk $0xffff, v53  }
0x260: {  	v21 =	vor.u32 s24, v15;
	v9 =	vor.u32 s24, v4;
	v39 =	vpop (erf);
	(erf) = vpow2.f32 v2;
	v2 =	vld [tilespmem:$0x1FD60]  }
0x261: {  	v4 =	vmul.f32 v17, v45;
	v5 =	vmul.f32 v17, v55;
	v1 =	vadd.f32 v39, v62  }
0x262: {  	v43 =	vpop (erf);
	v3 =	vmul.f32 $1.442695020e+00, v3;
	v62 =	vadd.f32 v29, v58;
	v0 =	vsub.f32 v50, v34  }
0x263: {  	v44 =	vpop (erf);
	v63 =	vmul.f32 v17, v54;
	v6 =	vadd.f32 v36, v46;
	v1 =	vadd.f32 v1, v43  }
0x264: {  	v46 =	vpop (erf);
	v8 =	vadd.f32 v62, v30;
	[tilespmem:v23+s18+$0x0] =	vst.idx.msk $0xffff, v4;
	v0 =	vmul.f32 $1.442695020e+00, v0;
	(erf) = vpow2.f32 v3  }
0x265: {  	v25 =	vpop (erf);
	v3 =	vadd.f32 v6, v37;
	v6 =	vadd.f32 v27, v57;
	v2 =	vmul.f32 v17, v2  }
0x266: {  	v4 =	vmul.f32 v17, v52;
	v23 =	vpop (erf);
	v1 =	vadd.f32 v1, v44;
	v40 =	vadd.f32 v8, v31  }
0x267: {  	v22 =	vpop (erf);
	(erf) = vpow2.f32 v0;
	v0 =	vadd.f32 v3, v38;
	[tilespmem:v21+s18+$0x0] =	vst.idx.msk $0xffff, v2;
	v2 =	vadd.f32 v32, v61  }
0x268: {  	s31 =	simm.s32 $0x300;
	v6 =	vadd.f32 v6, v28;
	v42 =	vpop (erf);
	[tilespmem:v26+s18+$0x0] =	vst.idx.msk $0xffff, v5;
	v5 =	vadd.f32 v1, v46  }
0x269: {  	v3 =	vor.u32 s31, v59;
	v24 =	vpop (erf);
	v1 =	vor.u32 s31, v56;
	[tilespmem:v9+s18+$0x0] =	vst.idx.msk $0xffff, v4;
	v26 =	vadd.f32 v2, v33  }
0x26a: {  	s3 =	simm.s32 $0x200;
	s1 =	simm.s32 $0x2;
	s0 =	simm.s32 $0x2;
	v45 =	vpop (erf);
	v4 =	vadd.f32 v0, v6;
	v2 =	vor.u32 s31, v47;
	[tilespmem:v14+s18+$0x0] =	vst.idx.msk $0xffff, v63;
	v41 =	vadd.f32 v5, v25  }
.LBB2_6:
0x26b: {  	v12 =	vld [tilespmem:$0x1FFC0]  }
0x26c: {  	v50 =	vld [tilespmem:$0x1FFF0]  }
0x26d: {  	v13 =	vld [tilespmem:$0x1FFB0]  }
0x26e: {  	v4 =	vmul.f32 v45, v4;
	v15 =	vld [tilespmem:$0x1FFA0];
	v7 =	vadd.f32 v41, v23  }
0x26f: {  	v11 =	vld [tilespmem:$0x1FFD0]  }
0x270: {  	v16 =	vld [tilespmem:$0x1FF30];
	v5 =	vadd.f32 v26, v35;
	[tilespmem:v3+s18+$0x0] =	vst.idx.msk $0xffff, v4;
	v4 =	vadd.f32 v7, v22  }
0x271: {  	v21 =	vpop (erf);
	s28 =	sadd.s32 $0x100, s28;
	v18 =	vld [tilespmem:$0x1FF40];
	v8 =	vmul.f32 v45, v40;
	v6 =	vor.u32 s31, v12  }
0x272: {  	s29 =	sadd.s32 $0x20, s29;
	v51 =	vld [tilespmem:$0x1FF50];
	v41 =	vpop (erf);
	s10 =	sand.u32 $0xC00, s28;
	[tilespmem:$0x1FBC0] =	vst v21;
	v5 =	vmul.f32 v45, v5;
	v9 =	vor.u32 s31, v50;
	v4 =	vadd.f32 v4, v42  }
0x273: {  	v10 =	vsub.f32 v20, v34;
	v0 =	vmul.f32 v45, v0;
	v19 =	vld [tilespmem:$0x1FF60];
	s11 =	sand.u32 $0x70, s29;
	v40 =	vpop (erf);
	s13 =	sor.u32 $0x2000, s10;
	[tilespmem:v1+s18+$0x0] =	vst.idx.msk $0xffff, v8;
	v3 =	vor.u32 s31, v13  }
0x274: {  	v26 =	vmov v42;
	v14 =	vpop (erf);
	s22 =	sor.u32 s11, s13;
	v1 =	vor.u32 s31, v15;
	[tilespmem:v2+s18+$0x0] =	vst.idx.msk $0xffff, v5;
	v42 =	vld [tilespmem:$0x1FF80];
	v4 =	vadd.f32 v4, v24  }
0x275: {  	v57 =	vmul.f32 v45, v27;
	v7 =	vmul.f32 $1.442695020e+00, v10;
	[tilespmem:$0x1FBD0] =	vst v14;
	v2 =	vor.u32 s31, v11;
	v47 =	vld [tilespmem:s22+$0x0]  }
0x276: {  	v5 =	vmul.f32 v45, v28;
	v28 =	vmov v21;
	v4 =	vadd.f32 v4, v21;
	v21 =	vld [tilespmem:$0x1FF70];
	[tilespmem:v6+s18+$0x0] =	vst.idx.msk $0xffff, v0  }
0x277: {  	s30 =	sadd.s32 $0x2, s30;
	v0 =	vor.u32 s31, v16;
	v6 =	vmul.f32 v45, v29;
	v48 =	vld [tilespmem:s22+$0x80];
	[tilespmem:v9+s18+$0x0] =	vst.idx.msk $0xffff, v57  }
0x278: {  	s9 =	sadd.s32 $0xFFFFFFF0, s29;
	s24 =	sand.u32 $0x7, s30;
	v63 =	vpop (erf);
	v58 =	vor.u32 s31, v18;
	(erf) = vpow2.f32 v7;
	v7 =	vmul.f32 v45, v30;
	v62 =	vld [tilespmem:s22+$0x100];
	[tilespmem:v3+s18+$0x0] =	vst.idx.msk $0xffff, v5  }
0x279: {  	s12 =	sand.u32 $0x60, s9;
	s9 =	sor.u32 s9, s28;
	s2 =	sshll.u32 s24, $0x4;
	v3 =	vor.u32 s31, v51;
	v61 =	vld [tilespmem:s22+$0x180];
	[tilespmem:v1+s18+$0x0] =	vst.idx.msk $0xffff, v6  }
0x27a: {  	s21 =	sor.u32 $0x380, s9;
	s9 =	sadd.s32 s28, s2;
	v30 =	vmov v14;
	v5 =	vadd.f32 v14, v46;
	v14 =	vmul.f32 v45, v31;
	v46 =	vld [tilespmem:s22+$0x200];
	[tilespmem:v2+s18+$0x0] =	vst.idx.msk $0xffff, v7  }
0x27b: {  	s9 =	sadd.s32 $0x10, s9;
	v1 =	vor.u32 s31, v19;
	v6 =	vmul.f32 v45, v32;
	v20 =	vld [tilespmem:s22+$0x280]  }
0x27c: {  	s14 =	sor.u32 s29, s28;
	s23 =	sor.u32 s12, s13;
	s13 =	sor.u32 $0x300, s9;
	v7 =	vmul.f32 v45, v33;
	[tilespmem:v0+s18+$0x0] =	vst.idx.msk $0xffff, v14;
	v14 =	vld [tilespmem:$0x1FF90]  }
0x27d: {  	s15 =	sor.u32 $0x3000, s10;
	s9 =	sor.u32 $0x380, s14;
	v49 =	vld [tilespmem:s13+$0x2000];
	v33 =	vmax.f32 v47, v48;
	[tilespmem:v58+s18+$0x0] =	vst.idx.msk $0xffff, v6  }
0x27e: {  	v34 =	vmul.f32 v45, v35;
	s19 =	sor.u32 s11, s15;
	v55 =	vld [tilespmem:s9+$0x2000];
	v35 =	vmax.f32 v33, v62;
	[tilespmem:v3+s18+$0x0] =	vst.idx.msk $0xffff, v7  }
0x27f: {  	v2 =	vor.u32 s31, v21;
	v60 =	vld [tilespmem:s19+$0x0];
	v3 =	vmax.f32 v35, v61  }
0x280: {  	[tilespmem:v1+s18+$0x0] =	vst.idx.msk $0xffff, v34;
	v1 =	vmax.f32 v3, v46;
	v3 =	vld [tilespmem:$0x1FFE0]  }
0x281: {  	s6 =	sand.u32 $0x3, s1;
	v0 =	vor.u32 s31, v42  }
0x282: {  	v36 =	vmul.f32 v45, v36;
	s6 =	sshll.u32 s6, $0x5;
	s14 =	sor.u32 $0x3080, s10;
	v6 =	vor.u32 s31, v14  }
0x283: {  	s6 =	sadd.s32 s6, s28;
	s24 =	sor.u32 $0x3180, s10;
	s22 =	sor.u32 s11, s14  }
0x284: {  	v54 =	vor.u32 s3, v59;
	s20 =	sor.u32 $0x300, s6;
	s6 =	sor.u32 s12, s15;
	s15 =	sor.u32 $0x3100, s10;
	v7 =	vmul.f32 v45, v37;
	v59 =	vld [tilespmem:s22+$0x0];
	[tilespmem:v2+s18+$0x0] =	vst.idx.msk $0xffff, v36;
	v2 =	vadd.f32 v4, v41  }
0x285: {  	s2 =	sor.u32 s11, s15;
	s13 =	sor.u32 s12, s14;
	s14 =	sor.u32 s11, s24;
	v4 =	vadd.f32 v28, v44;
	v27 =	vor.u32 s3, v3;
	v3 =	vmul.f32 v45, v38  }
0x286: {  	s19 =	sor.u32 s12, s15;
	s15 =	sor.u32 $0x3200, s10;
	s22 =	sor.u32 s12, s24;
	v57 =	vld [tilespmem:s2+$0x0];
	[tilespmem:v0+s18+$0x0] =	vst.idx.msk $0xffff, v7  }
0x287: {  	s24 =	sor.u32 s12, s15;
	s9 =	sor.u32 s11, s15;
	s2 =	sor.u32 $0x3280, s10;
	v58 =	vld [tilespmem:s14+$0x0];
	v4 =	vadd.f32 v4, v41;
	[tilespmem:v6+s18+$0x0] =	vst.idx.msk $0xffff, v3;
	v3 =	vadd.f32 v22, v43  }
0x288: {  	v53 =	vor.u32 s3, v56;
	s15 =	sor.u32 $0x3300, s10;
	v1 =	vmax.f32 v1, v20;
	s14 =	sor.u32 s12, s2;
	s2 =	sor.u32 s11, s2;
	v56 =	vld [tilespmem:s9+$0x0]  }
0x289: {  	v1 =	vmax.f32 v1, v49;
	v28 =	vld [tilespmem:s2+$0x0];
	s2 =	sor.u32 s11, s15;
	v3 =	vadd.f32 v3, v26  }
0x28a: {  	v2 =	vadd.f32 v2, v40;
	v1 =	vmax.f32 v1, v55;
	v29 =	vld [tilespmem:s2+$0x0]  }
0x28b: {  	v1 =	vmax.f32 v1, v60;
	v7 =	vadd.f32 v4, v40;
	v4 =	vmovc v63;
	s9 =	sor.u32 $0x3380, s10;
	v8 =	vadd.f32 v3, v24;
	v3 =	vld [tilespmem:$0x1FBE0]  }
0x28c: {  	v1 =	vmax.f32 v1, v59;
	s11 =	sor.u32 s11, s9;
	[tilespmem:$0x1FBE0] =	vst v4;
	v4 =	vld [tilespmem:$0x1FBF0]  }
0x28d: {  	v2 =	vadd.f32 v2, v30;
	v1 =	vmax.f32 v1, v57;
	v30 =	vld [tilespmem:s11+$0x0]  }
0x28e: {  	v5 =	vadd.f32 v5, v63;
	v1 =	vmax.f32 v1, v58  }
0x28f: {  	v0 =	vpop (erf);
	v2 =	vadd.f32 v2, v63;
	v1 =	vmax.f32 v1, v56  }
0x290: {  	v5 =	vadd.f32 v5, v0;
	v1 =	vmax.f32 v1, v28  }
0x291: {  	v2 =	vadd.f32 v2, v0;
	v1 =	vmax.f32 v1, v29;
	v38 =	vmul.f32 v17, v4;
	v4 =	vmovc v0;
	v0 =	vld [tilespmem:$0x1FD40]  }
0x292: {  	v63 =	vmax.f32 v1, v30;
	v1 =	vld [tilespmem:$0x1FD50]  }
0x293: {  	v52 =	vld [tilespmem:s23+$0x0]  }
0x294: {  	v31 =	vld [tilespmem:s23+$0x80]  }
0x295: {  	v45 =	vor.u32 s3, v50;
	v50 =	vld [tilespmem:s23+$0x100]  }
0x296: {  	v32 =	vld [tilespmem:s23+$0x180]  }
0x297: {  	v33 =	vld [tilespmem:s23+$0x200];
	v6 =	vadd.f32 v25, v39;
	(erf) = vrcp.f32 v2;
	v3 =	vmul.f32 v17, v3;
	_ =	sdelay $0x1  }
0x298: {  	v9 =	vor.u32 s3, v13;
	v39 =	vmax.f32 v52, v31;
	v6 =	vadd.f32 v6, v23;
	[tilespmem:v0+s18+$0x0] =	vst.idx.msk $0xffff, v3  }
0x299: {  	v13 =	vor.u32 s3, v21;
	v34 =	vor.u32 s3, v12;
	v10 =	vmax.f32 v39, v50;
	v35 =	vld [tilespmem:s23+$0x280];
	[tilespmem:v1+s18+$0x0] =	vst.idx.msk $0xffff, v38  }
0x29a: {  	v6 =	vadd.f32 v5, v6;
	v10 =	vmax.f32 v10, v32;
	v2 =	vsub.f32 v47, v63;
	v36 =	vld [tilespmem:s20+$0x2000]  }
0x29b: {  	v10 =	vmax.f32 v10, v33;
	v43 =	vsub.f32 v48, v63;
	v17 =	vsub.f32 v62, v63;
	v47 =	vld [tilespmem:s21+$0x2000]  }
0x29c: {  	[tilespmem:$0x1FBF0] =	vst v4;
	v4 =	vor.u32 s3, v15;
	v15 =	vsub.f32 v61, v63;
	v44 =	vmul.f32 $1.442695020e+00, v2;
	v48 =	vld [tilespmem:s6+$0x0]  }
0x29d: {  	v61 =	vsub.f32 v46, v63;
	v3 =	vor.u32 s3, v11;
	v11 =	vmul.f32 $1.442695020e+00, v43;
	v37 =	vld [tilespmem:s13+$0x0]  }
0x29e: {  	v2 =	vor.u32 s3, v51;
	v51 =	vmul.f32 $1.442695020e+00, v17;
	(erf) = vpow2.f32 v44;
	v43 =	vld [tilespmem:s19+$0x0]  }
0x29f: {  	v55 =	vsub.f32 v55, v63;
	v12 =	vmul.f32 $1.442695020e+00, v61;
	v17 =	vpop (erf);
	(erf) = vpow2.f32 v11;
	v38 =	vld [tilespmem:s22+$0x0]  }
0x2a0: {  	v44 =	vor.u32 s3, v42;
	v6 =	vmul.f32 v17, v6;
	v8 =	vmul.f32 v17, v8;
	v39 =	vld [tilespmem:s24+$0x0]  }
0x2a1: {  	s10 =	sor.u32 s12, s15;
	v61 =	vsub.f32 v49, v63;
	[tilespmem:$0x1FD40] =	vst v44;
	v11 =	vmul.f32 $1.442695020e+00, v15;
	v44 =	vld [tilespmem:s14+$0x0];
	(erf) = vpow2.f32 v51  }
0x2a2: {  	s15 =	sor.u32 s12, s9;
	v42 =	vsub.f32 v20, v63;
	v7 =	vmul.f32 v17, v7;
	v5 =	vmul.f32 v17, v5;
	v46 =	vld [tilespmem:s10+$0x0]  }
0x2a3: {  	v0 =	vor.u32 s3, v16;
	v20 =	vld [tilespmem:s15+$0x0];
	[tilespmem:v54+s18+$0x0] =	vst.idx.msk $0xffff, v6;
	v51 =	vor.u32 s3, v14;
	(erf) = vpow2.f32 v11  }
0x2a4: {  	v1 =	vor.u32 s3, v18;
	[tilespmem:$0x1FD50] =	vst v51;
	v51 =	vmul.f32 $1.442695020e+00, v42;
	v10 =	vmax.f32 v10, v35  }
0x2a5: {  	[tilespmem:v53+s18+$0x0] =	vst.idx.msk $0xffff, v8;
	v11 =	vmul.f32 v17, v25;
	(erf) = vpow2.f32 v12;
	v10 =	vmax.f32 v10, v36  }
0x2a6: {  	v25 =	vmul.f32 $1.442695020e+00, v55;
	[tilespmem:v27+s18+$0x0] =	vst.idx.msk $0xffff, v7;
	v7 =	vsub.f32 v57, v63;
	v10 =	vmax.f32 v10, v47  }
0x2a7: {  	v12 =	vmul.f32 $1.442695020e+00, v61;
	v14 =	vpop (erf);
	(erf) = vpow2.f32 v51;
	v10 =	vmax.f32 v10, v48  }
0x2a8: {  	v57 =	vmul.f32 v17, v24;
	v61 =	vmul.f32 v17, v23;
	v6 =	vmax.f32 v10, v37;
	v49 =	vpop (erf)  }
0x2a9: {  	[tilespmem:v34+s18+$0x0] =	vst.idx.msk $0xffff, v5;
	v10 =	vsub.f32 v60, v63;
	(erf) = vpow2.f32 v12;
	v42 =	vadd.f32 v49, v14  }
0x2aa: {  	v51 =	vsub.f32 v56, v63;
	v60 =	vsub.f32 v59, v63;
	v6 =	vmax.f32 v6, v43;
	v53 =	vpop (erf)  }
0x2ab: {  	[tilespmem:v45+s18+$0x0] =	vst.idx.msk $0xffff, v11;
	v10 =	vmul.f32 $1.442695020e+00, v10;
	(erf) = vpow2.f32 v25;
	v23 =	vadd.f32 v42, v53  }
0x2ac: {  	v7 =	vmul.f32 $1.442695020e+00, v7;
	[tilespmem:v9+s18+$0x0] =	vst.idx.msk $0xffff, v61;
	v61 =	vsub.f32 v30, v63;
	v6 =	vmax.f32 v6, v38;
	v54 =	vpop (erf)  }
0x2ad: {  	v8 =	vmul.f32 $1.442695020e+00, v60;
	(erf) = vpow2.f32 v10;
	v23 =	vadd.f32 v23, v54  }
0x2ae: {  	v25 =	vmul.f32 v17, v22;
	v5 =	vmax.f32 v6, v39;
	v6 =	vsub.f32 v58, v63;
	v22 =	vpop (erf)  }
0x2af: {  	v58 =	vld [tilespmem:$0x1FBC0];
	v42 =	vmul.f32 v17, v26;
	(erf) = vpow2.f32 v8;
	v21 =	vadd.f32 v23, v22  }
0x2b0: {  	v5 =	vmax.f32 v5, v44;
	[tilespmem:v4+s18+$0x0] =	vst.idx.msk $0xffff, v25;
	v4 =	vsub.f32 v29, v63;
	v27 =	vpop (erf);
	v6 =	vmul.f32 $1.442695020e+00, v6  }
0x2b1: {  	v5 =	vmax.f32 v5, v46;
	(erf) = vpow2.f32 v7;
	v21 =	vadd.f32 v21, v27  }
0x2b2: {  	v8 =	vmul.f32 $1.442695020e+00, v51;
	v7 =	vsub.f32 v28, v63;
	v34 =	vmax.f32 v5, v20;
	v28 =	vpop (erf)  }
0x2b3: {  	v5 =	vmul.f32 v17, v41;
	(erf) = vpow2.f32 v6;
	v60 =	vadd.f32 v21, v28  }
0x2b4: {  	[tilespmem:v3+s18+$0x0] =	vst.idx.msk $0xffff, v42;
	v4 =	vmul.f32 $1.442695020e+00, v4;
	v3 =	vsub.f32 v52, v34;
	v9 =	vmul.f32 v17, v58;
	v29 =	vpop (erf)  }
0x2b5: {  	[tilespmem:v0+s18+$0x0] =	vst.idx.msk $0xffff, v57;
	v6 =	vmul.f32 $1.442695020e+00, v7;
	(erf) = vpow2.f32 v8;
	v7 =	vadd.f32 v60, v29  }
0x2b6: {  	v0 =	vmul.f32 $1.442695020e+00, v3;
	v3 =	vsub.f32 v31, v34;
	[tilespmem:v1+s18+$0x0] =	vst.idx.msk $0xffff, v9;
	v1 =	vmul.f32 $1.442695020e+00, v61;
	v30 =	vpop (erf)  }
0x2b7: {  	(erf) = vpow2.f32 v6;
	v6 =	vsub.f32 v50, v34;
	v7 =	vadd.f32 v7, v30  }
0x2b8: {  	[tilespmem:v2+s18+$0x0] =	vst.idx.msk $0xffff, v5;
	v2 =	vmul.f32 $1.442695020e+00, v3;
	v3 =	vsub.f32 v32, v34;
	v31 =	vpop (erf);
	(erf) = vpow2.f32 v4  }
0x2b9: {  	(erf) = vpow2.f32 v0;
	v0 =	vmul.f32 $1.442695020e+00, v6;
	v7 =	vadd.f32 v7, v31  }
0x2ba: {  	v32 =	vpop (erf);
	(erf) = vpow2.f32 v1;
	v1 =	vmul.f32 $1.442695020e+00, v3  }
0x2bb: {  	v3 =	vsub.f32 v33, v34;
	(erf) = vpow2.f32 v2;
	v4 =	vadd.f32 v7, v32  }
0x2bc: {  	v2 =	vsub.f32 v35, v34;
	v33 =	vpop (erf);
	(erf) = vpow2.f32 v0  }
0x2bd: {  	v0 =	vmul.f32 $1.442695020e+00, v3;
	v3 =	vsub.f32 v36, v34;
	v4 =	vadd.f32 v4, v33  }
0x2be: {  	(erf) = vpow2.f32 v1;
	v35 =	vpop (erf);
	v1 =	vmul.f32 $1.442695020e+00, v2;
	v2 =	vsub.f32 v47, v34  }
0x2bf: {  	v3 =	vmul.f32 $1.442695020e+00, v3;
	(erf) = vpow2.f32 v0;
	v4 =	vadd.f32 v4, v35  }
0x2c0: {  	v6 =	vsub.f32 v48, v34;
	v36 =	vpop (erf);
	v0 =	vmul.f32 $1.442695020e+00, v2;
	(erf) = vpow2.f32 v1  }
0x2c1: {  	(erf) = vpow2.f32 v3;
	v2 =	vadd.f32 v4, v36;
	v4 =	vsub.f32 v37, v34;
	v37 =	vpop (erf)  }
0x2c2: {  	v1 =	vmul.f32 $1.442695020e+00, v6;
	v3 =	vsub.f32 v43, v34;
	v5 =	vpop (erf);
	(erf) = vpow2.f32 v0  }
0x2c3: {  	v2 =	vadd.f32 v2, v37;
	v0 =	vmul.f32 $1.442695020e+00, v4;
	v4 =	vsub.f32 v38, v34  }
0x2c4: {  	(erf) = vpow2.f32 v1;
	v38 =	vpop (erf);
	v1 =	vmul.f32 $1.442695020e+00, v3;
	v3 =	vsub.f32 v39, v34  }
0x2c5: {  	v39 =	vpop (erf);
	v2 =	vadd.f32 v2, v38;
	v4 =	vmul.f32 $1.442695020e+00, v4  }
0x2c6: {  	v43 =	vpop (erf);
	(erf) = vpow2.f32 v0;
	v0 =	vmul.f32 $1.442695020e+00, v3;
	v3 =	vsub.f32 v44, v34  }
0x2c7: {  	v5 =	vadd.f32 v39, v5;
	v44 =	vpop (erf);
	(erf) = vrcp.f32 v2;
	v2 =	vsub.f32 v46, v34  }
0x2c8: {  	(erf) = vpow2.f32 v1;
	v1 =	vmul.f32 $1.442695020e+00, v3;
	v3 =	vadd.f32 v36, v22  }
0x2c9: {  	v5 =	vadd.f32 v5, v43;
	v46 =	vpop (erf);
	(erf) = vpow2.f32 v4;
	v2 =	vmul.f32 $1.442695020e+00, v2  }
0x2ca: {  	v25 =	vpop (erf);
	(erf) = vpow2.f32 v0;
	v0 =	vadd.f32 v3, v37;
	v3 =	vadd.f32 v27, v49  }
0x2cb: {  	v56 =	vld [tilespmem:$0x1FF20];
	v4 =	vadd.f32 v5, v44;
	v23 =	vpop (erf);
	(erf) = vpow2.f32 v1  }
0x2cc: {  	v22 =	vpop (erf);
	(erf) = vpow2.f32 v2;
	v0 =	vadd.f32 v0, v38;
	v2 =	vadd.f32 v3, v28;
	v3 =	vld [tilespmem:$0x1FBD0]  }
0x2cd: {  	s0 =	sadd.s32 $0x2, s0;
	v62 =	vor.u32 s3, v19;
	v59 =	vld [tilespmem:$0x1FF10]  }
0x2ce: {  	p2 =	slt.u32 s0, $0x1E;
	v7 =	vadd.f32 v4, v46;
	v4 =	vadd.f32 v0, v2;
	v2 =	vld [tilespmem:$0x1FFE0]  }
.Ltmp6:
0x2cf: {  	v5 =	vadd.f32 v29, v53;
	(pc) =	sbr.rel @p2 .LBB2_6-.Ltmp6, $4  }
0x2d0: {  	v63 =	vmul.f32 v17, v40;
	v1 =	vadd.f32 v32, v54  }
0x2d1: {  	s31 =	sadd.s32 $0x200, s31;
	v5 =	vadd.f32 v5, v30;
	v42 =	vpop (erf);
	v6 =	vmul.f32 v17, v3  }
0x2d2: {  	[tilespmem:v62+s18+$0x0] =	vst.idx.msk $0xffff, v63;
	v26 =	vadd.f32 v1, v33;
	v1 =	vor.u32 s31, v56;
	v41 =	vadd.f32 v7, v25;
	v24 =	vpop (erf)  }
0x2d3: {  	s1 =	sadd.s32 $0x1, s1;
	s3 =	sadd.s32 $0xFFFFFF00, s31;
	v40 =	vadd.f32 v5, v31;
	v45 =	vpop (erf);
	v3 =	vor.u32 s31, v59;
	[tilespmem:v13+s18+$0x0] =	vst.idx.msk $0xffff, v6;
	v2 =	vor.u32 s31, v2  }
0x2d4: {  	v5 =	vadd.f32 v41, v23;
	v41 =	vld [tilespmem:$0x1FFC0];
	_ =	sdelay $0x1  }
0x2d5: {  	v47 =	vld [tilespmem:$0x1FFF0];
	_ =	sdelay $0x2  }
0x2d6: {  	v8 =	vadd.f32 v26, v35;
	v4 =	vmul.f32 v45, v4;
	v10 =	vor.u32 s31, v41  }
0x2d7: {  	v11 =	vmul.f32 v45, v40  }
0x2d8: {  	v8 =	vmul.f32 v45, v8;
	[tilespmem:v3+s18+$0x0] =	vst.idx.msk $0xffff, v4;
	v12 =	vor.u32 s31, v47  }
0x2d9: {  	v0 =	vmul.f32 v45, v0;
	v21 =	vld [tilespmem:$0x1FFB0];
	[tilespmem:v1+s18+$0x0] =	vst.idx.msk $0xffff, v11  }
0x2da: {  	v40 =	vld [tilespmem:$0x1FFA0];
	[tilespmem:v2+s18+$0x0] =	vst.idx.msk $0xffff, v8  }
0x2db: {  	v6 =	vsub.f32 v20, v34;
	v57 =	vmul.f32 v45, v27;
	v34 =	vld [tilespmem:$0x1FFD0];
	[tilespmem:v10+s18+$0x0] =	vst.idx.msk $0xffff, v0  }
0x2dc: {  	v13 =	vld [tilespmem:$0x1FF30]  }
0x2dd: {  	v5 =	vadd.f32 v5, v22;
	[tilespmem:v12+s18+$0x0] =	vst.idx.msk $0xffff, v57  }
0x2de: {  	v53 =	vor.u32 s31, v21;
	v18 =	vld [tilespmem:$0x1FF40]  }
0x2df: {  	v5 =	vadd.f32 v5, v42;
	v55 =	vor.u32 s31, v40  }
0x2e0: {  	v6 =	vmul.f32 $1.442695020e+00, v6;
	v58 =	vor.u32 s31, v34  }
0x2e1: {  	v60 =	vmul.f32 v45, v28;
	v5 =	vadd.f32 v5, v24;
	v61 =	vor.u32 s31, v13  }
0x2e2: {  	v7 =	vpop (erf);
	v62 =	vmul.f32 v45, v29  }
0x2e3: {  	v5 =	vadd.f32 v5, v7;
	v12 =	vmul.f32 v45, v30;
	[tilespmem:v53+s18+$0x0] =	vst.idx.msk $0xffff, v60;
	v63 =	vor.u32 s31, v18  }
0x2e4: {  	v50 =	vmul.f32 v45, v31;
	(erf) = vpow2.f32 v6;
	v6 =	vpop (erf);
	v29 =	vld [tilespmem:$0x1FF50];
	[tilespmem:v55+s18+$0x0] =	vst.idx.msk $0xffff, v62  }
0x2e5: {  	v5 =	vadd.f32 v5, v6;
	v19 =	vld [tilespmem:$0x1FF60];
	[tilespmem:v58+s18+$0x0] =	vst.idx.msk $0xffff, v12  }
0x2e6: {  	v52 =	vmul.f32 v45, v32;
	v9 =	vpop (erf);
	v28 =	vld [tilespmem:$0x1FF70];
	[tilespmem:v61+s18+$0x0] =	vst.idx.msk $0xffff, v50  }
0x2e7: {  	v5 =	vadd.f32 v5, v9;
	v30 =	vld [tilespmem:$0x1FF80]  }
0x2e8: {  	[tilespmem:v63+s18+$0x0] =	vst.idx.msk $0xffff, v52  }
0x2e9: {  	v20 =	vpop (erf);
	v48 =	vor.u32 s31, v29;
	v14 =	vld [tilespmem:$0x1FF90]  }
0x2ea: {  	v54 =	vadd.f32 v5, v20;
	v51 =	vor.u32 s31, v19  }
0x2eb: {  	v5 =	vpop (erf);
	v53 =	vor.u32 s31, v28  }
0x2ec: {  	v12 =	vmul.f32 v45, v33;
	v4 =	vadd.f32 v54, v5;
	v54 =	vor.u32 s31, v30  }
0x2ed: {  	v55 =	vmul.f32 v45, v35  }
0x2ee: {  	v57 =	vmul.f32 v45, v36;
	v60 =	vmul.f32 v45, v37;
	v10 =	vpop (erf);
	[tilespmem:v48+s18+$0x0] =	vst.idx.msk $0xffff, v12;
	v58 =	vor.u32 s31, v14  }
0x2ef: {  	v4 =	vadd.f32 v4, v10;
	v12 =	vadd.f32 v25, v39;
	[tilespmem:v51+s18+$0x0] =	vst.idx.msk $0xffff, v55  }
0x2f0: {  	[tilespmem:v53+s18+$0x0] =	vst.idx.msk $0xffff, v57  }
0x2f1: {  	(erf) = vrcp.f32 v4;
	v32 =	vadd.f32 v12, v23;
	v12 =	vmul.f32 v45, v38;
	[tilespmem:v54+s18+$0x0] =	vst.idx.msk $0xffff, v60  }
0x2f2: {  	v37 =	vld [tilespmem:$0x1FBE0]  }
0x2f3: {  	v49 =	vadd.f32 v20, v46;
	v45 =	vld [tilespmem:$0x1FFE0];
	[tilespmem:v58+s18+$0x0] =	vst.idx.msk $0xffff, v12  }
0x2f4: {  	v38 =	vld [tilespmem:$0x1FD40]  }
0x2f5: {  	v8 =	vadd.f32 v49, v5  }
0x2f6: {  	v62 =	vadd.f32 v22, v43  }
0x2f7: {  	v31 =	vadd.f32 v8, v10;
	v61 =	vadd.f32 v7, v44  }
0x2f8: {  	v35 =	vadd.f32 v62, v42;
	v63 =	vor.u32 s3, v59;
	v11 =	vld [tilespmem:$0x1FBF0]  }
0x2f9: {  	v33 =	vor.u32 s3, v56;
	v1 =	vadd.f32 v61, v6;
	v36 =	vadd.f32 v31, v32  }
0x2fa: {  	v0 =	vadd.f32 v35, v24;
	v12 =	vpop (erf);
	v4 =	vmul.f32 v17, v37;
	v15 =	vor.u32 s3, v45  }
0x2fb: {  	v16 =	vor.u32 s3, v41;
	v1 =	vadd.f32 v1, v9;
	v3 =	vmul.f32 v12, v36  }
0x2fc: {  	v39 =	vor.u32 s3, v47;
	v0 =	vmul.f32 v12, v0;
	[tilespmem:v38+s18+$0x0] =	vst.idx.msk $0xffff, v4  }
0x2fd: {  	v43 =	vor.u32 s3, v21;
	v1 =	vmul.f32 v12, v1;
	v11 =	vmul.f32 v17, v11;
	v17 =	vld [tilespmem:$0x1FD50];
	[tilespmem:v63+s18+$0x0] =	vst.idx.msk $0xffff, v3  }
0x2fe: {  	v44 =	vor.u32 s3, v40;
	v2 =	vmul.f32 v12, v31;
	[tilespmem:v33+s18+$0x0] =	vst.idx.msk $0xffff, v0  }
0x2ff: {  	v46 =	vor.u32 s3, v34;
	v48 =	vmul.f32 v12, v25;
	[tilespmem:v15+s18+$0x0] =	vst.idx.msk $0xffff, v1  }
0x300: {  	v15 =	vmul.f32 v12, v23;
	[tilespmem:v16+s18+$0x0] =	vst.idx.msk $0xffff, v2  }
0x301: {  	v49 =	vor.u32 s3, v13;
	v51 =	vmul.f32 v12, v22;
	[tilespmem:v39+s18+$0x0] =	vst.idx.msk $0xffff, v48  }
0x302: {  	v50 =	vor.u32 s3, v18;
	v53 =	vmul.f32 v12, v42;
	[tilespmem:v43+s18+$0x0] =	vst.idx.msk $0xffff, v15  }
0x303: {  	v52 =	vor.u32 s3, v29;
	[tilespmem:v44+s18+$0x0] =	vst.idx.msk $0xffff, v51  }
0x304: {  	v54 =	vor.u32 s3, v19;
	v15 =	vmul.f32 v12, v24;
	[tilespmem:v46+s18+$0x0] =	vst.idx.msk $0xffff, v53  }
0x305: {  	v55 =	vor.u32 s3, v28;
	v7 =	vmul.f32 v12, v7;
	[tilespmem:v17+s18+$0x0] =	vst.idx.msk $0xffff, v11  }
0x306: {  	v57 =	vor.u32 s3, v30;
	v6 =	vmul.f32 v12, v6;
	[tilespmem:v49+s18+$0x0] =	vst.idx.msk $0xffff, v15  }
0x307: {  	v58 =	vor.u32 s3, v14;
	v60 =	vmul.f32 v12, v9;
	[tilespmem:v50+s18+$0x0] =	vst.idx.msk $0xffff, v7  }
0x308: {  	v61 =	vmul.f32 v12, v20;
	[tilespmem:v52+s18+$0x0] =	vst.idx.msk $0xffff, v6  }
.Ltmp7:
0x309: {  	s0 =	sshll.u32 s26, $0xD;
	v62 =	vmul.f32 v12, v5;
	[tilespmem:v54+s18+$0x0] =	vst.idx.msk $0xffff, v60;
	(pc) =	sbr.rel .LBB2_8-.Ltmp7, $4  }
0x30a: {  	s0 =	sadd.s32 s8, s0;
	v63 =	vmul.f32 v12, v10;
	[tilespmem:v55+s18+$0x0] =	vst.idx.msk $0xffff, v61  }
0x30b: {  	s0 =	sshrl.u32 s0, $0x3;
	[tilespmem:v57+s18+$0x0] =	vst.idx.msk $0xffff, v62  }
0x30c: {  	s2 =	rddreg [dreg:$0x0];
	s0 =	sadd.s32 s4, s0;
	[tilespmem:v58+s18+$0x0] =	vst.idx.msk $0xffff, v63  }
0x30d: {  	v13 =	vmov v21;
	v42 =	vmov v47;
	v46 =	vmov v34;
	[hbm4b:s0+s5] =	stream.linear.scatter [tilespmem:s18], [sflag:$0x2], $0x2000, $0x38;
	[tilespmem:$0x9000] =	vst v63  }
.LBB2_9:
0x30e: {  	s0 =	simm.s32 $0x2  }
0x30f: {  	_ =	swait.ge [sflag:s0], $0x2000  }
.Ltmp8:
0x310: {  	[sflag:s0] =	ssyncset.done $0x0;
	(pc) =	sbr.rel @p0 .LBB2_13-.Ltmp8, $4  }
0x311: {  	[sflag:s0] =	ssyncadd.s32 $0xFFFFE000  }
0x312: {  	_ =	swait.ge [sflag:s0], $0x2000  }
0x313: {  	[sflag:s0] =	ssyncset.done $0x0  }
0x314: {  	s9 =	simm.s32 $0x3;
	[sflag:s0] =	ssyncadd.s32 $0xFFFFE000  }
0x315: {  	s0 =	rddreg [dreg:$0x6]  }
0x316: {  	s1 =	simm.s32 $0x7A1400;
	s3 =	simm.s32 $0x400;
	s6 =	simm.s32 $0x8800  }
0x317: {  	[tilespmem:s6], [sflag:$0x3] =	stream.strided.gather [hbm4b:s0+s3], $0x800, s1, s3, $0x38;
	[tilespmem:$0x9000] =	vst v63  }
0x318: {  	_ =	swait.ge [sflag:s9], $0x800  }
0x319: {  	[sflag:s9] =	ssyncset.done $0x0  }
0x31a: {  	s28 =	simm.s32 $0x8C00;
	[sflag:s9] =	ssyncadd.s32 $0xFFFFF800  }
0x31b: {  	v0 =	vld [tilespmem:s28+$0xFFFFFC10]  }
0x31c: {  	v1 =	vld [tilespmem:s28+$0xFFFFFC90]  }
0x31d: {  	v2 =	vld [tilespmem:s28+$0xFFFFFD10]  }
0x31e: {  	v3 =	vld [tilespmem:s28+$0xFFFFFD90]  }
0x31f: {  	v4 =	vld [tilespmem:s28+$0xFFFFFE10]  }
0x320: {  	v5 =	vld [tilespmem:s28+$0xFFFFFE90]  }
0x321: {  	v6 =	vld [tilespmem:s28+$0xFFFFFF10];
	v7 =	vmax.f32 v0, v1  }
0x322: {  	v8 =	vld [tilespmem:s28+$0xFFFFFF90];
	v7 =	vmax.f32 v7, v2  }
0x323: {  	v9 =	vld [tilespmem:s28+$0x10];
	v7 =	vmax.f32 v7, v3  }
0x324: {  	v10 =	vld [tilespmem:s28+$0x90];
	v7 =	vmax.f32 v7, v4  }
0x325: {  	v11 =	vld [tilespmem:s28+$0x110];
	v7 =	vmax.f32 v7, v5  }
0x326: {  	v12 =	vld [tilespmem:s28+$0x190];
	v7 =	vmax.f32 v7, v6  }
0x327: {  	v15 =	vld [tilespmem:s28+$0x210];
	v7 =	vmax.f32 v7, v8  }
0x328: {  	v17 =	vld [tilespmem:s28+$0x290];
	v7 =	vmax.f32 v7, v9  }
0x329: {  	v18 =	vld [tilespmem:s28+$0x310];
	v7 =	vmax.f32 v7, v10  }
0x32a: {  	v19 =	vld [tilespmem:s28+$0x390];
	v7 =	vmax.f32 v7, v11  }
0x32b: {  	v7 =	vmax.f32 v7, v12  }
0x32c: {  	v7 =	vmax.f32 v7, v15  }
0x32d: {  	v7 =	vmax.f32 v7, v17  }
0x32e: {  	v20 =	vld [tilespmem:s28+$0xFFFFFC80];
	v7 =	vmax.f32 v7, v18  }
0x32f: {  	v21 =	vld [tilespmem:s28+$0xFFFFFC00];
	v7 =	vmax.f32 v7, v19  }
0x330: {  	v0 =	vsub.f32 v0, v7  }
0x331: {  	v22 =	vld [tilespmem:s28+$0xFFFFFD00];
	v1 =	vsub.f32 v1, v7  }
0x332: {  	v23 =	vld [tilespmem:s28+$0xFFFFFD80];
	v0 =	vmul.f32 $1.442695020e+00, v0  }
0x333: {  	v24 =	vld [tilespmem:s28+$0xFFFFFE00];
	v2 =	vsub.f32 v2, v7;
	v1 =	vmul.f32 $1.442695020e+00, v1  }
0x334: {  	v16 =	vmax.f32 v21, v20;
	(erf) = vpow2.f32 v0  }
0x335: {  	v0 =	vmul.f32 $1.442695020e+00, v2;
	v2 =	vsub.f32 v3, v7;
	(erf) = vpow2.f32 v1  }
0x336: {  	v16 =	vmax.f32 v16, v22;
	v3 =	vsub.f32 v4, v7  }
0x337: {  	v1 =	vmax.f32 v16, v23;
	v2 =	vmul.f32 $1.442695020e+00, v2;
	(erf) = vpow2.f32 v0  }
0x338: {  	v0 =	vmax.f32 v1, v24  }
0x339: {  	v25 =	vld [tilespmem:s28+$0xFFFFFE80];
	v1 =	vmul.f32 $1.442695020e+00, v3;
	v3 =	vsub.f32 v5, v7;
	(erf) = vpow2.f32 v2  }
0x33a: {  	v26 =	vld [tilespmem:s28+$0xFFFFFF00]  }
0x33b: {  	v4 =	vld [tilespmem:s28+$0xFFFFFF80];
	v2 =	vmul.f32 $1.442695020e+00, v3;
	v3 =	vsub.f32 v6, v7  }
0x33c: {  	v5 =	vld [tilespmem:s28+$0x0];
	(erf) = vpow2.f32 v1  }
0x33d: {  	v1 =	vmul.f32 $1.442695020e+00, v3;
	v3 =	vsub.f32 v8, v7;
	v57 =	vpop (erf)  }
0x33e: {  	v0 =	vmax.f32 v0, v25;
	v6 =	vld [tilespmem:s28+$0x80];
	(erf) = vpow2.f32 v2;
	v29 =	vpop (erf)  }
0x33f: {  	v27 =	vld [tilespmem:s28+$0x100];
	v0 =	vmax.f32 v0, v26;
	v2 =	vmul.f32 $1.442695020e+00, v3;
	v3 =	vadd.f32 v29, v57  }
0x340: {  	v28 =	vld [tilespmem:s28+$0x180];
	v0 =	vmax.f32 v0, v4;
	(erf) = vpow2.f32 v1;
	v1 =	vsub.f32 v9, v7;
	v60 =	vpop (erf)  }
0x341: {  	v58 =	vld [tilespmem:s28+$0x200];
	v11 =	vsub.f32 v11, v7;
	v0 =	vmax.f32 v0, v5;
	v3 =	vadd.f32 v3, v60  }
0x342: {  	v33 =	vld [tilespmem:s28+$0x280];
	(erf) = vpow2.f32 v2;
	v2 =	vsub.f32 v10, v7;
	v1 =	vmul.f32 $1.442695020e+00, v1;
	v61 =	vpop (erf)  }
0x343: {  	v12 =	vsub.f32 v12, v7;
	v0 =	vmax.f32 v0, v6;
	v16 =	vadd.f32 v3, v61  }
0x344: {  	v34 =	vld [tilespmem:s28+$0x300];
	v0 =	vmax.f32 v0, v27;
	v2 =	vmul.f32 $1.442695020e+00, v2;
	(erf) = vpow2.f32 v1  }
0x345: {  	v62 =	vsub.f32 v17, v7;
	v11 =	vmul.f32 $1.442695020e+00, v11;
	v0 =	vmax.f32 v0, v28;
	v35 =	vpop (erf);
	v3 =	vld [tilespmem:s28+$0x380]  }
0x346: {  	v0 =	vmax.f32 v0, v58;
	(erf) = vpow2.f32 v2;
	v1 =	vadd.f32 v16, v35  }
0x347: {  	v12 =	vmul.f32 $1.442695020e+00, v12;
	v0 =	vmax.f32 v0, v33;
	v2 =	vsub.f32 v15, v7;
	v16 =	vpop (erf)  }
0x348: {  	(erf) = vpow2.f32 v11;
	v11 =	vmul.f32 $1.442695020e+00, v62;
	v1 =	vadd.f32 v1, v16  }
0x349: {  	v0 =	vmax.f32 v0, v34;
	v2 =	vmul.f32 $1.442695020e+00, v2;
	v15 =	vpop (erf);
	(erf) = vpow2.f32 v12  }
0x34a: {  	v63 =	vmax.f32 v0, v3;
	v0 =	vsub.f32 v18, v7;
	v1 =	vadd.f32 v1, v15  }
0x34b: {  	v17 =	vpop (erf);
	v21 =	vsub.f32 v21, v63;
	(erf) = vpow2.f32 v2;
	v2 =	vsub.f32 v19, v7  }
0x34c: {  	v36 =	vsub.f32 v20, v63;
	v0 =	vmul.f32 $1.442695020e+00, v0;
	v1 =	vadd.f32 v1, v17  }
0x34d: {  	v19 =	vsub.f32 v22, v63;
	v18 =	vpop (erf);
	(erf) = vpow2.f32 v11;
	v7 =	vmul.f32 $1.442695020e+00, v21  }
0x34e: {  	v2 =	vmul.f32 $1.442695020e+00, v2;
	(erf) = vpow2.f32 v0;
	v1 =	vadd.f32 v1, v18  }
0x34f: {  	v20 =	vpop (erf);
	v11 =	vmul.f32 $1.442695020e+00, v36;
	(erf) = vpow2.f32 v7  }
0x350: {  	v7 =	vmul.f32 $1.442695020e+00, v19;
	(erf) = vpow2.f32 v2;
	v1 =	vadd.f32 v1, v20  }
0x351: {  	v19 =	vsub.f32 v24, v63;
	v2 =	vsub.f32 v23, v63;
	(erf) = vpow2.f32 v11  }
0x352: {  	v0 =	vpop (erf);
	(erf) = vpow2.f32 v7;
	v7 =	vsub.f32 v25, v63  }
0x353: {  	v21 =	vmul.f32 $1.442695020e+00, v19;
	v2 =	vmul.f32 $1.442695020e+00, v2;
	v37 =	vadd.f32 v1, v0  }
0x354: {  	v22 =	vsub.f32 v26, v63;
	v7 =	vmul.f32 $1.442695020e+00, v7;
	v1 =	vpop (erf)  }
0x355: {  	v4 =	vsub.f32 v4, v63;
	(erf) = vpow2.f32 v2;
	v11 =	vadd.f32 v37, v1;
	v26 =	vpop (erf)  }
0x356: {  	v19 =	vpop (erf)  }
0x357: {  	(erf) = vpow2.f32 v21;
	v11 =	vadd.f32 v11, v26;
	v21 =	vpop (erf)  }
0x358: {  	v22 =	vmul.f32 $1.442695020e+00, v22;
	(erf) = vpow2.f32 v7;
	v7 =	vpop (erf)  }
0x359: {  	s30 =	simm.s32 $0x100;
	v5 =	vsub.f32 v5, v63;
	v23 =	vmul.f32 $1.442695020e+00, v4;
	v11 =	vadd.f32 v11, v19;
	v4 =	vpop (erf)  }
0x35a: {  	v14 =	vor.u32 s30, v59;
	v6 =	vsub.f32 v6, v63;
	(erf) = vpow2.f32 v22;
	v32 =	vpop (erf)  }
0x35b: {  	v5 =	vmul.f32 $1.442695020e+00, v5;
	v11 =	vadd.f32 v11, v21;
	v7 =	vadd.f32 v32, v7  }
0x35c: {  	v6 =	vmul.f32 $1.442695020e+00, v6;
	v22 =	vsub.f32 v27, v63;
	(erf) = vpow2.f32 v23;
	v31 =	vpop (erf)  }
0x35d: {  	(erf) = vpow2.f32 v5;
	v11 =	vadd.f32 v11, v4;
	v7 =	vadd.f32 v7, v31  }
0x35e: {  	v8 =	vsub.f32 v58, v63;
	v23 =	vsub.f32 v28, v63;
	(erf) = vpow2.f32 v6;
	v30 =	vpop (erf)  }
0x35f: {  	v5 =	vmul.f32 $1.442695020e+00, v22;
	(erf) = vrcp.f32 v11;
	v7 =	vadd.f32 v7, v30  }
0x360: {  	v38 =	vsub.f32 v33, v63;
	v39 =	vsub.f32 v34, v63;
	v22 =	vmul.f32 $1.442695020e+00, v23;
	v28 =	vpop (erf)  }
0x361: {  	(erf) = vpow2.f32 v5;
	v5 =	vadd.f32 v19, v35;
	v7 =	vadd.f32 v7, v28  }
0x362: {  	v3 =	vsub.f32 v3, v63;
	v2 =	vpop (erf);
	(erf) = vpow2.f32 v22;
	v22 =	vadd.f32 v16, v29  }
0x363: {  	s29 =	simm.s32 $0x8C20;
	v6 =	vmul.f32 $1.442695020e+00, v8;
	[tilespmem:$0x1FA20] =	vst v2;
	v5 =	vadd.f32 v5, v21;
	v7 =	vadd.f32 v7, v2;
	v2 =	vpop (erf)  }
0x364: {  	v8 =	vmul.f32 $1.442695020e+00, v38;
	v23 =	vor.u32 s30, v56;
	v10 =	vld [tilespmem:s29+$0xFFFFFC10];
	v44 =	vadd.f32 v22, v15;
	[tilespmem:$0x1FA30] =	vst v2  }
0x365: {  	v11 =	vmul.f32 $1.442695020e+00, v39;
	(erf) = vpow2.f32 v6;
	v5 =	vadd.f32 v5, v4;
	v34 =	vpop (erf);
	v9 =	vld [tilespmem:s29+$0xFFFFFC90]  }
0x366: {  	v43 =	vadd.f32 v17, v60;
	v24 =	vor.u32 s30, v45;
	(erf) = vpow2.f32 v8;
	v22 =	vld [tilespmem:s29+$0xFFFFFD10];
	[tilespmem:$0x1FA40] =	vst v14;
	v35 =	vpop (erf)  }
0x367: {  	(erf) = vpow2.f32 v11;
	v7 =	vadd.f32 v7, v2;
	v29 =	vld [tilespmem:s29+$0xFFFFFD90];
	v11 =	vadd.f32 v5, v44;
	[tilespmem:$0x1FA60] =	vst v23;
	v33 =	vpop (erf)  }
0x368: {  	v45 =	vor.u32 s30, v41;
	v6 =	vadd.f32 v0, v61;
	v23 =	vmov v42;
	v42 =	vld [tilespmem:s29+$0xFFFFFE10];
	[tilespmem:$0x1FA70] =	vst v24;
	v44 =	vpop (erf)  }
0x369: {  	v8 =	vadd.f32 v43, v18;
	v7 =	vadd.f32 v7, v34;
	v43 =	vld [tilespmem:s29+$0xFFFFFE90];
	v11 =	vmul.f32 v44, v11  }
0x36a: {  	v3 =	vmul.f32 $1.442695020e+00, v3;
	v6 =	vadd.f32 v6, v1;
	v12 =	vld [tilespmem:s29+$0xFFFFFF10];
	[tilespmem:$0x1FA80] =	vst v45  }
0x36b: {  	v8 =	vadd.f32 v8, v20;
	v7 =	vadd.f32 v7, v35;
	v24 =	vmax.f32 v10, v9;
	[tilespmem:$0x1FA50] =	vst v11  }
0x36c: {  	v6 =	vadd.f32 v6, v26;
	v47 =	vor.u32 s30, v23;
	v24 =	vmax.f32 v24, v22;
	v11 =	vld [tilespmem:s29+$0xFFFFFF90]  }
0x36d: {  	v49 =	vmul.f32 v44, v8;
	v7 =	vadd.f32 v7, v33;
	v25 =	vmax.f32 v24, v29  }
0x36e: {  	v27 =	vpop (erf);
	(erf) = vpow2.f32 v3;
	v51 =	vmul.f32 v44, v6;
	v58 =	vld [tilespmem:s29+$0x10];
	[tilespmem:$0x1FA90] =	vst v47;
	v25 =	vmax.f32 v25, v42  }
0x36f: {  	v6 =	vor.u32 s30, v13;
	v8 =	vld [tilespmem:s29+$0x90];
	v3 =	vadd.f32 v7, v27;
	[tilespmem:$0x1FB60] =	vst v27;
	v25 =	vmax.f32 v25, v43  }
0x370: {  	v47 =	vpop (erf);
	v7 =	vld [tilespmem:s29+$0x110];
	[tilespmem:$0x1FAA0] =	vst v6;
	v25 =	vmax.f32 v25, v12  }
0x371: {  	v48 =	vor.u32 s30, v40;
	v6 =	vld [tilespmem:s29+$0x190];
	v3 =	vadd.f32 v3, v47;
	[tilespmem:$0x1FB70] =	vst v47;
	v25 =	vmax.f32 v25, v11  }
0x372: {  	v50 =	vor.u32 s30, v46;
	v52 =	vmul.f32 v44, v5;
	v2 =	vpop (erf);
	v5 =	vld [tilespmem:s29+$0x210];
	[tilespmem:$0x1FAB0] =	vst v48  }
0x373: {  	v55 =	vmul.f32 v44, v16;
	v60 =	vld [tilespmem:s29+$0x290];
	[tilespmem:$0x1FAC0] =	vst v50;
	v3 =	vadd.f32 v3, v2  }
0x374: {  	v53 =	vpop (erf);
	[tilespmem:$0x1FB80] =	vst v2;
	v16 =	vmax.f32 v25, v58;
	v25 =	vmov v2;
	v2 =	vmul.f32 v44, v18  }
0x375: {  	v61 =	vld [tilespmem:s29+$0x310];
	[tilespmem:$0x1FBA0] =	vst v53  }
0x376: {  	v59 =	vmul.f32 v44, v15;
	v0 =	vmul.f32 v44, v0;
	v16 =	vmax.f32 v16, v8;
	v62 =	vld [tilespmem:s29+$0x390];
	[tilespmem:$0x1FAD0] =	vst v2  }
0x377: {  	v1 =	vmul.f32 v44, v1;
	v3 =	vadd.f32 v3, v53;
	v15 =	vmax.f32 v16, v7;
	v63 =	vld [tilespmem:s29+$0xFFFFFC80]  }
0x378: {  	v37 =	vmul.f32 v44, v20;
	v16 =	vmax.f32 v15, v6;
	v20 =	vld [tilespmem:s29+$0xFFFFFC00];
	[tilespmem:$0x1FAE0] =	vst v0;
	v2 =	vpop (erf)  }
0x379: {  	v16 =	vmax.f32 v16, v5;
	v0 =	vadd.f32 v3, v2;
	v3 =	vld [tilespmem:s29+$0xFFFFFD00];
	[tilespmem:$0x1FAF0] =	vst v1;
	v1 =	vmul.f32 v44, v26  }
0x37a: {  	v56 =	vmul.f32 v44, v17;
	v17 =	vmax.f32 v16, v60  }
0x37b: {  	v15 =	vmul.f32 v44, v19;
	v14 =	vpop (erf);
	[tilespmem:$0x1FB00] =	vst v1;
	v1 =	vmax.f32 v17, v61  }
0x37c: {  	v17 =	vadd.f32 v0, v14;
	v0 =	vmax.f32 v1, v62;
	v1 =	vmul.f32 v44, v21  }
0x37d: {  	v13 =	vld [tilespmem:s29+$0xFFFFFD80];
	[tilespmem:$0x1FB10] =	vst v15  }
0x37e: {  	v23 =	vld [tilespmem:s29+$0xFFFFFE00];
	[tilespmem:$0x1FB20] =	vst v1;
	v1 =	vmul.f32 v44, v4;
	_ =	sdelay $0x1  }
0x37f: {  	v28 =	vadd.f32 v53, v28;
	v10 =	vsub.f32 v10, v0;
	(erf) = vrcp.f32 v17;
	[tilespmem:$0x1FB30] =	vst v1  }
0x380: {  	v17 =	vmax.f32 v20, v63;
	v9 =	vsub.f32 v9, v0;
	v21 =	vsub.f32 v22, v0;
	v18 =	vld [tilespmem:s29+$0xFFFFFE80]  }
0x381: {  	v22 =	vsub.f32 v29, v0;
	v12 =	vsub.f32 v12, v0;
	v19 =	vmul.f32 $1.442695020e+00, v10;
	v24 =	vld [tilespmem:s29+$0xFFFFFF00]  }
0x382: {  	v17 =	vmax.f32 v17, v3;
	v9 =	vmul.f32 $1.442695020e+00, v9;
	v21 =	vmul.f32 $1.442695020e+00, v21;
	v10 =	vld [tilespmem:s29+$0xFFFFFF80]  }
0x383: {  	v54 =	vmul.f32 $1.442695020e+00, v22;
	v17 =	vmax.f32 v17, v13;
	(erf) = vpow2.f32 v19  }
0x384: {  	v22 =	vsub.f32 v42, v0;
	v17 =	vmax.f32 v17, v23;
	(erf) = vpow2.f32 v9  }
0x385: {  	v19 =	vld [tilespmem:s29+$0x0];
	(erf) = vpow2.f32 v21;
	v21 =	vsub.f32 v43, v0;
	v17 =	vmax.f32 v17, v18  }
0x386: {  	v11 =	vsub.f32 v11, v0;
	v29 =	vld [tilespmem:s29+$0x80];
	v22 =	vmul.f32 $1.442695020e+00, v22;
	v17 =	vmax.f32 v17, v24  }
0x387: {  	v39 =	vld [tilespmem:s29+$0x100];
	(erf) = vpow2.f32 v54;
	v57 =	vmax.f32 v17, v10;
	v17 =	vmul.f32 $1.442695020e+00, v21  }
0x388: {  	v38 =	vmovc v41;
	v8 =	vsub.f32 v8, v0;
	v48 =	vsub.f32 v7, v0;
	v41 =	vld [tilespmem:s29+$0x180];
	(erf) = vpow2.f32 v22  }
0x389: {  	v12 =	vmul.f32 $1.442695020e+00, v12;
	v53 =	vld [tilespmem:s29+$0x200];
	(erf) = vpow2.f32 v17;
	v17 =	vsub.f32 v58, v0  }
0x38a: {  	v6 =	vsub.f32 v6, v0;
	v11 =	vmul.f32 $1.442695020e+00, v11;
	v22 =	vmax.f32 v57, v19  }
0x38b: {  	v54 =	vld [tilespmem:s29+$0x280];
	v22 =	vmax.f32 v22, v29;
	(erf) = vpow2.f32 v12;
	v9 =	vmul.f32 $1.442695020e+00, v17  }
0x38c: {  	v43 =	vmul.f32 $1.442695020e+00, v8;
	v57 =	vld [tilespmem:s29+$0x300];
	v50 =	vmax.f32 v22, v39;
	(erf) = vpow2.f32 v11  }
0x38d: {  	v1 =	vld [tilespmem:s29+$0x380];
	v22 =	vmul.f32 $1.442695020e+00, v48;
	v12 =	vmax.f32 v50, v41;
	v17 =	vpop (erf);
	(erf) = vpow2.f32 v9  }
0x38e: {  	v6 =	vmul.f32 $1.442695020e+00, v6;
	v12 =	vmax.f32 v12, v53;
	(erf) = vpow2.f32 v43;
	v58 =	vpop (erf)  }
0x38f: {  	v9 =	vsub.f32 v60, v0;
	(erf) = vpow2.f32 v22;
	v4 =	vpop (erf);
	v22 =	vsub.f32 v5, v0  }
0x390: {  	v12 =	vmax.f32 v12, v54;
	v43 =	vadd.f32 v4, v58;
	(erf) = vpow2.f32 v6  }
0x391: {  	v58 =	vpop (erf);
	v6 =	vmax.f32 v12, v57;
	v12 =	vmul.f32 $1.442695020e+00, v9;
	v22 =	vmul.f32 $1.442695020e+00, v22  }
0x392: {  	v36 =	vmovc v46;
	v11 =	vadd.f32 v43, v58;
	v43 =	vmax.f32 v6, v1;
	v6 =	vsub.f32 v61, v0  }
0x393: {  	v46 =	vpop (erf);
	v0 =	vsub.f32 v62, v0;
	(erf) = vpow2.f32 v22;
	v20 =	vsub.f32 v20, v43  }
0x394: {  	v44 =	vadd.f32 v11, v46;
	v40 =	vmul.f32 $1.442695020e+00, v6;
	(erf) = vpow2.f32 v12  }
0x395: {  	v45 =	vpop (erf);
	v48 =	vsub.f32 v63, v43;
	v0 =	vmul.f32 $1.442695020e+00, v0;
	v42 =	vmul.f32 $1.442695020e+00, v20  }
0x396: {  	v20 =	vadd.f32 v28, v2;
	v28 =	vadd.f32 v44, v45;
	(erf) = vpow2.f32 v40  }
0x397: {  	v50 =	vpop (erf);
	(erf) = vpow2.f32 v42  }
0x398: {  	[tilespmem:$0x1FA10] =	vst v2;
	v2 =	vsub.f32 v13, v43;
	(erf) = vpow2.f32 v0;
	v0 =	vmul.f32 $1.442695020e+00, v48;
	_ =	sdelay $0x1  }
0x399: {  	v8 =	vadd.f32 v28, v50;
	v28 =	vpop (erf);
	(erf) = vpow2.f32 v0;
	v0 =	vmul.f32 $1.442695020e+00, v2;
	v2 =	vld [tilespmem:$0x1FA40];
	_ =	sdelay $0x1  }
0x39a: {  	v7 =	vld [tilespmem:$0x1FA50]  }
0x39b: {  	v9 =	vld [tilespmem:$0x1FF30]  }
0x39c: {  	[tilespmem:$0x1FBB0] =	vst v1;
	v1 =	vld [tilespmem:$0x1FF40]  }
0x39d: {  	v11 =	vadd.f32 v34, v31;
	v6 =	vld [tilespmem:$0x1FF50]  }
0x39e: {  	[tilespmem:$0x1FB90] =	vst v4;
	v4 =	vadd.f32 v27, v30;
	v13 =	vld [tilespmem:$0x1FA20]  }
0x39f: {  	v5 =	vadd.f32 v11, v35;
	v11 =	vld [tilespmem:$0x1FA30]  }
0x3a0: {  	v40 =	vadd.f32 v4, v47;
	v4 =	vld [tilespmem:$0x1FF60];
	[tilespmem:v2+s17+$0x0] =	vst.idx.msk $0xffff, v7  }
0x3a1: {  	v42 =	vld [tilespmem:$0x1FA60];
	_ =	sdelay $0x6  }
0x3a2: {  	v2 =	vld [tilespmem:$0x1FF70]  }
0x3a3: {  	v7 =	vld [tilespmem:$0x1FF80];
	[tilespmem:v42+s17+$0x0] =	vst.idx.msk $0xffff, v49  }
0x3a4: {  	v49 =	vadd.f32 v5, v33;
	v5 =	vld [tilespmem:$0x1FA70];
	_ =	sdelay $0x7  }
0x3a5: {  	v62 =	vadd.f32 v8, v28;
	v8 =	vld [tilespmem:$0x1FF90];
	[tilespmem:v5+s17+$0x0] =	vst.idx.msk $0xffff, v51  }
0x3a6: {  	v26 =	vld [tilespmem:$0x1FA80];
	_ =	sdelay $0x2  }
0x3a7: {  	v5 =	vld [tilespmem:$0x1FF10];
	_ =	sdelay $0x3  }
0x3a8: {  	s31 =	simm.s32 $0x0  }
0x3a9: {  	v51 =	vor.u32 s31, v5;
	v5 =	vld [tilespmem:$0x1FF20];
	[tilespmem:v26+s17+$0x0] =	vst.idx.msk $0xffff, v52  }
0x3aa: {  	v26 =	vld [tilespmem:$0x1FA90];
	_ =	sdelay $0x7  }
0x3ab: {  	v27 =	vld [tilespmem:$0x1FFE0];
	[tilespmem:v26+s17+$0x0] =	vst.idx.msk $0xffff, v55  }
0x3ac: {  	v44 =	vld [tilespmem:$0x1FAA0];
	_ =	sdelay $0x7  }
0x3ad: {  	v47 =	vld [tilespmem:$0x1FFF0];
	[tilespmem:v44+s17+$0x0] =	vst.idx.msk $0xffff, v59  }
0x3ae: {  	v48 =	vld [tilespmem:$0x1FAB0];
	_ =	sdelay $0x7  }
0x3af: {  	v42 =	vld [tilespmem:$0x1FFB0];
	[tilespmem:v48+s17+$0x0] =	vst.idx.msk $0xffff, v56  }
0x3b0: {  	v44 =	vor.u32 s31, v36;
	v36 =	vld [tilespmem:$0x1FAC0];
	_ =	sdelay $0x2  }
0x3b1: {  	v3 =	vsub.f32 v3, v43;
	v55 =	vor.u32 s31, v38;
	v38 =	vld [tilespmem:$0x1FAD0]  }
0x3b2: {  	v23 =	vsub.f32 v23, v43;
	v61 =	vor.u32 s30, v9  }
0x3b3: {  	v3 =	vmul.f32 $1.442695020e+00, v3;
	v30 =	vpop (erf)  }
0x3b4: {  	v60 =	vmov v14;
	v24 =	vsub.f32 v24, v43;
	v23 =	vmul.f32 $1.442695020e+00, v23;
	v31 =	vpop (erf)  }
0x3b5: {  	v15 =	vadd.f32 v20, v14;
	(erf) = vpow2.f32 v3;
	v3 =	vadd.f32 v13, v32;
	v32 =	vpop (erf)  }
0x3b6: {  	v20 =	vadd.f32 v62, v30;
	v62 =	vadd.f32 v40, v25;
	v40 =	vmov v33;
	v33 =	vpop (erf);
	v48 =	vld [tilespmem:$0x1FFA0];
	[tilespmem:v36+s17+$0x0] =	vst.idx.msk $0xffff, v38  }
0x3b7: {  	v22 =	vmov v34;
	v12 =	vor.u32 s30, v1;
	(erf) = vpow2.f32 v0;
	v34 =	vpop (erf);
	[tilespmem:v61+s17+$0x0] =	vst.idx.msk $0xffff, v37  }
0x3b8: {  	v14 =	vmov v35;
	v35 =	vpop (erf);
	(erf) = vpow2.f32 v23;
	v23 =	vmul.f32 $1.442695020e+00, v24;
	v24 =	vld [tilespmem:$0x1FAE0];
	_ =	sdelay $0x1  }
0x3b9: {  	v18 =	vsub.f32 v18, v43;
	_ =	sdelay $0x1  }
0x3ba: {  	v18 =	vmul.f32 $1.442695020e+00, v18  }
0x3bb: {  	[tilespmem:v12+s17+$0x0] =	vst.idx.msk $0xffff, v24  }
0x3bc: {  	v0 =	vor.u32 s30, v6;
	v36 =	vpop (erf);
	(erf) = vpow2.f32 v18;
	v18 =	vld [tilespmem:$0x1FAF0];
	_ =	sdelay $0x3  }
0x3bd: {  	v19 =	vsub.f32 v19, v43  }
0x3be: {  	[tilespmem:v0+s17+$0x0] =	vst.idx.msk $0xffff, v18  }
0x3bf: {  	v63 =	vor.u32 s30, v4;
	v0 =	vmul.f32 $1.442695020e+00, v19;
	v19 =	vld [tilespmem:$0x1FB00];
	_ =	sdelay $0x1  }
0x3c0: {  	v20 =	vadd.f32 v20, v31;
	_ =	sdelay $0x1  }
0x3c1: {  	v20 =	vadd.f32 v20, v32  }
0x3c2: {  	[tilespmem:v63+s17+$0x0] =	vst.idx.msk $0xffff, v19  }
0x3c3: {  	v16 =	vor.u32 s30, v2;
	v20 =	vadd.f32 v20, v33;
	v12 =	vld [tilespmem:$0x1FB10];
	_ =	sdelay $0x1  }
0x3c4: {  	v20 =	vadd.f32 v20, v34;
	_ =	sdelay $0x1  }
0x3c5: {  	v20 =	vadd.f32 v20, v35  }
0x3c6: {  	v10 =	vsub.f32 v10, v43;
	v25 =	vor.u32 s30, v7;
	[tilespmem:v16+s17+$0x0] =	vst.idx.msk $0xffff, v12  }
0x3c7: {  	v20 =	vadd.f32 v20, v36;
	(erf) = vpow2.f32 v23;
	v23 =	vor.u32 s31, v9;
	v9 =	vld [tilespmem:$0x1FB20];
	_ =	sdelay $0x1  }
0x3c8: {  	v10 =	vmul.f32 $1.442695020e+00, v10;
	v3 =	vadd.f32 v3, v11  }
0x3c9: {  	v37 =	vpop (erf)  }
0x3ca: {  	v3 =	vadd.f32 v15, v3;
	(erf) = vpow2.f32 v10;
	v18 =	vadd.f32 v20, v37;
	v20 =	vpop (erf)  }
0x3cb: {  	v21 =	vor.u32 s30, v8;
	v5 =	vor.u32 s31, v5;
	v38 =	vpop (erf);
	(erf) = vpow2.f32 v0;
	[tilespmem:v25+s17+$0x0] =	vst.idx.msk $0xffff, v9  }
0x3cc: {  	v0 =	vor.u32 s31, v1;
	v1 =	vadd.f32 v18, v38;
	v18 =	vor.u32 s31, v6;
	v6 =	vld [tilespmem:$0x1FB30]  }
0x3cd: {  	v3 =	vmul.f32 v17, v3  }
0x3ce: {  	v49 =	vmul.f32 v17, v49;
	v52 =	vor.u32 s31, v27;
	v61 =	vsub.f32 v29, v43  }
0x3cf: {  	[tilespmem:v51+s17+$0x0] =	vst.idx.msk $0xffff, v3  }
0x3d0: {  	v26 =	vor.u32 s31, v47;
	v63 =	vmul.f32 $1.442695020e+00, v61;
	[tilespmem:v5+s17+$0x0] =	vst.idx.msk $0xffff, v49  }
0x3d1: {  	v61 =	vmul.f32 v17, v62;
	v3 =	vor.u32 s31, v2;
	v2 =	vor.u32 s31, v7;
	[tilespmem:v21+s17+$0x0] =	vst.idx.msk $0xffff, v6  }
0x3d2: {  	v59 =	vor.u32 s31, v42;
	[tilespmem:$0x1FB40] =	vst v2;
	v2 =	vmul.f32 v17, v15  }
0x3d3: {  	v56 =	vor.u32 s31, v48;
	[tilespmem:v52+s17+$0x0] =	vst.idx.msk $0xffff, v61  }
0x3d4: {  	v5 =	vmul.f32 v17, v13;
	[tilespmem:v55+s17+$0x0] =	vst.idx.msk $0xffff, v2;
	v2 =	vor.u32 s31, v8  }
0x3d5: {  	v62 =	vmul.f32 v17, v11;
	[tilespmem:$0x1FB50] =	vst v2  }
0x3d6: {  	v21 =	vmul.f32 v17, v22;
	[tilespmem:v26+s17+$0x0] =	vst.idx.msk $0xffff, v5  }
0x3d7: {  	[tilespmem:v59+s17+$0x0] =	vst.idx.msk $0xffff, v62  }
0x3d8: {  	v19 =	vsub.f32 v39, v43;
	(erf) = vpow2.f32 v63;
	v59 =	vld [tilespmem:$0x1FF10];
	[tilespmem:v56+s17+$0x0] =	vst.idx.msk $0xffff, v21  }
0x3d9: {  	v63 =	vsub.f32 v41, v43;
	(erf) = vrcp.f32 v1;
	v1 =	vor.u32 s31, v4;
	v4 =	vld [tilespmem:$0x1FB60]  }
0x3da: {  	v29 =	vsub.f32 v53, v43;
	v11 =	vmul.f32 $1.442695020e+00, v19  }
0x3db: {  	v2 =	vmul.f32 $1.442695020e+00, v63  }
0x3dc: {  	(erf) = vpow2.f32 v11;
	v6 =	vmul.f32 $1.442695020e+00, v29  }
0x3dd: {  	v39 =	vpop (erf);
	v49 =	vmul.f32 v17, v40;
	(erf) = vpow2.f32 v2  }
0x3de: {  	v40 =	vpop (erf);
	(erf) = vpow2.f32 v6;
	v6 =	vmul.f32 v17, v4;
	v4 =	vld [tilespmem:$0x1FB70];
	_ =	sdelay $0x1  }
0x3df: {  	v24 =	vmul.f32 v17, v14;
	_ =	sdelay $0x1  }
0x3e0: {  	v56 =	vld [tilespmem:$0x1FF20];
	[tilespmem:v44+s17+$0x0] =	vst.idx.msk $0xffff, v24  }
0x3e1: {  	v51 =	vmul.f32 v17, v4;
	v4 =	vld [tilespmem:$0x1FB80];
	_ =	sdelay $0x4  }
0x3e2: {  	v7 =	vmul.f32 v17, v4;
	v4 =	vld [tilespmem:$0x1FB90];
	_ =	sdelay $0x1  }
0x3e3: {  	v14 =	vsub.f32 v54, v43  }
0x3e4: {  	v5 =	vadd.f32 v39, v20;
	v2 =	vsub.f32 v57, v43  }
0x3e5: {  	v9 =	vmul.f32 $1.442695020e+00, v14;
	v41 =	vpop (erf);
	v52 =	vadd.f32 v36, v45;
	[tilespmem:v23+s17+$0x0] =	vst.idx.msk $0xffff, v49  }
0x3e6: {  	v45 =	vpop (erf);
	v5 =	vadd.f32 v5, v40;
	v2 =	vmul.f32 $1.442695020e+00, v2;
	v53 =	vadd.f32 v50, v4;
	v4 =	vld [tilespmem:$0x1FBA0]  }
0x3e7: {  	v54 =	vadd.f32 v33, v46;
	v8 =	vadd.f32 v52, v37;
	v26 =	vpop (erf);
	(erf) = vpow2.f32 v9  }
0x3e8: {  	s25 =	simm.s32 $0x300;
	v55 =	vadd.f32 v30, v58;
	v5 =	vadd.f32 v5, v41;
	(erf) = vpow2.f32 v2;
	v23 =	vpop (erf)  }
0x3e9: {  	v2 =	vadd.f32 v8, v38;
	v61 =	vor.u32 s25, v56;
	v22 =	vpop (erf);
	[tilespmem:v0+s17+$0x0] =	vst.idx.msk $0xffff, v6;
	v57 =	vadd.f32 v53, v28  }
0x3ea: {  	v21 =	vpop (erf);
	v0 =	vadd.f32 v5, v45;
	v5 =	vadd.f32 v55, v31;
	v6 =	vor.u32 s25, v59;
	[tilespmem:v18+s17+$0x0] =	vst.idx.msk $0xffff, v51  }
0x3eb: {  	v24 =	vpop (erf);
	v8 =	vadd.f32 v2, v57;
	v58 =	vmul.f32 v17, v4;
	v4 =	vadd.f32 v54, v34  }
0x3ec: {  	v46 =	vpop (erf);
	[tilespmem:v1+s17+$0x0] =	vst.idx.msk $0xffff, v7;
	v1 =	vadd.f32 v0, v26;
	v5 =	vadd.f32 v5, v32;
	v7 =	vor.u32 s25, v27  }
0x3ed: {  	v8 =	vmul.f32 v46, v8;
	[tilespmem:v3+s17+$0x0] =	vst.idx.msk $0xffff, v58;
	v4 =	vadd.f32 v4, v35  }
0x3ee: {  	v5 =	vmul.f32 v46, v5;
	v0 =	vld [tilespmem:$0x1FFC0]  }
0x3ef: {  	v62 =	vadd.f32 v1, v23;
	v1 =	vld [tilespmem:$0x1FBB0];
	[tilespmem:v6+s17+$0x0] =	vst.idx.msk $0xffff, v8;
	v4 =	vmul.f32 v46, v4  }
0x3f0: {  	[tilespmem:v61+s17+$0x0] =	vst.idx.msk $0xffff, v5  }
0x3f1: {  	[tilespmem:v7+s17+$0x0] =	vst.idx.msk $0xffff, v4  }
0x3f2: {  	v4 =	vld [tilespmem:$0x1FFD0]  }
0x3f3: {  	v29 =	vpop (erf)  }
0x3f4: {  	v44 =	vmul.f32 v46, v50;
	v27 =	vpop (erf)  }
0x3f5: {  	v25 =	vpop (erf);
	v3 =	vor.u32 s25, v47;
	v47 =	vadd.f32 v62, v22;
	v63 =	vsub.f32 v1, v43  }
0x3f6: {  	v19 =	vpop (erf);
	v0 =	vor.u32 s25, v0;
	v1 =	vor.u32 s25, v42;
	v43 =	vmul.f32 v46, v2  }
0x3f7: {  	s0 =	simm.s32 $0x2;
	s3 =	simm.s32 $0x200;
	s1 =	simm.s32 $0x8C40;
	v2 =	vor.u32 s25, v48;
	v42 =	vpop (erf);
	v48 =	vmul.f32 $1.442695020e+00, v63;
	v4 =	vor.u32 s25, v4  }
.LBB2_11:
0x3f8: {  	v5 =	vld [tilespmem:s1+$0xFFFFFC10]  }
0x3f9: {  	v13 =	vld [tilespmem:$0x1FF40]  }
0x3fa: {  	v6 =	vadd.f32 v47, v21;
	v47 =	vld [tilespmem:$0x1FF30]  }
0x3fb: {  	v20 =	vld [tilespmem:$0x1FF50]  }
0x3fc: {  	v15 =	vld [tilespmem:$0x1FF60]  }
0x3fd: {  	v16 =	vld [tilespmem:$0x1FF70]  }
0x3fe: {  	v14 =	vld [tilespmem:$0x1FF80]  }
0x3ff: {  	v7 =	vmul.f32 v46, v28;
	[tilespmem:v0+s17+$0x0] =	vst.idx.msk $0xffff, v43;
	v18 =	vld [tilespmem:$0x1FF90];
	v0 =	vor.u32 s25, v47  }
0x400: {  	v9 =	vmul.f32 v46, v30;
	v8 =	vld [tilespmem:s1+$0xFFFFFC90];
	[tilespmem:v3+s17+$0x0] =	vst.idx.msk $0xffff, v44;
	v3 =	vor.u32 s25, v13  }
0x401: {  	v10 =	vmul.f32 v46, v31;
	v62 =	vld [tilespmem:s1+$0xFFFFFD10];
	[tilespmem:v1+s17+$0x0] =	vst.idx.msk $0xffff, v7;
	v1 =	vor.u32 s25, v20  }
0x402: {  	v11 =	vmul.f32 v46, v32;
	v63 =	vld [tilespmem:s1+$0xFFFFFD90];
	[tilespmem:v2+s17+$0x0] =	vst.idx.msk $0xffff, v9  }
0x403: {  	v58 =	vmul.f32 v46, v33;
	v7 =	vadd.f32 v19, v45;
	v45 =	vld [tilespmem:s1+$0xFFFFFE10];
	[tilespmem:v4+s17+$0x0] =	vst.idx.msk $0xffff, v10;
	v2 =	vor.u32 s25, v15  }
0x404: {  	v32 =	vmul.f32 v46, v34;
	v43 =	vld [tilespmem:s1+$0xFFFFFE90];
	[tilespmem:v0+s17+$0x0] =	vst.idx.msk $0xffff, v11  }
0x405: {  	v61 =	vld [tilespmem:s1+$0xFFFFFF10];
	[tilespmem:v3+s17+$0x0] =	vst.idx.msk $0xffff, v58  }
0x406: {  	v12 =	vmul.f32 v46, v35;
	v58 =	vld [tilespmem:s1+$0xFFFFFF90];
	[tilespmem:v1+s17+$0x0] =	vst.idx.msk $0xffff, v32  }
0x407: {  	(erf) = vpow2.f32 v48;
	v48 =	vor.u32 s3, v59;
	v59 =	vld [tilespmem:s1+$0x10]  }
0x408: {  	v4 =	vor.u32 s25, v16;
	[tilespmem:v2+s17+$0x0] =	vst.idx.msk $0xffff, v12;
	v2 =	vld [tilespmem:$0x1FFE0]  }
0x409: {  	v6 =	vadd.f32 v6, v24;
	v0 =	vor.u32 s25, v14  }
0x40a: {  	v3 =	vor.u32 s25, v18  }
0x40b: {  	v35 =	vmul.f32 v46, v36;
	v6 =	vadd.f32 v6, v29;
	v33 =	vmax.f32 v5, v8  }
0x40c: {  	v36 =	vmul.f32 v46, v37;
	v34 =	vmax.f32 v33, v62  }
0x40d: {  	v57 =	vld [tilespmem:s1+$0x90];
	[tilespmem:v4+s17+$0x0] =	vst.idx.msk $0xffff, v35;
	v4 =	vadd.f32 v6, v27;
	v55 =	vor.u32 s3, v2;
	v2 =	vmul.f32 v46, v38  }
0x40e: {  	v50 =	vor.u32 s3, v56;
	v1 =	vmax.f32 v34, v63;
	v56 =	vld [tilespmem:s1+$0x110];
	[tilespmem:v0+s17+$0x0] =	vst.idx.msk $0xffff, v36  }
0x40f: {  	v54 =	vld [tilespmem:s1+$0x190];
	[tilespmem:v3+s17+$0x0] =	vst.idx.msk $0xffff, v2;
	v2 =	vadd.f32 v4, v25;
	v4 =	vadd.f32 v26, v39  }
0x410: {  	v37 =	vld [tilespmem:$0x1FFF0];
	v7 =	vadd.f32 v7, v42;
	v1 =	vmax.f32 v1, v45  }
0x411: {  	v1 =	vmax.f32 v1, v43;
	v6 =	vld [tilespmem:$0x1FFC0];
	v2 =	vadd.f32 v2, v19;
	v4 =	vadd.f32 v4, v23  }
0x412: {  	v0 =	vpop (erf);
	v1 =	vmax.f32 v1, v61;
	v52 =	vld [tilespmem:s1+$0x210]  }
0x413: {  	v7 =	vadd.f32 v7, v0;
	v1 =	vmax.f32 v1, v58;
	v28 =	vld [tilespmem:s1+$0x290];
	v2 =	vadd.f32 v2, v42  }
0x414: {  	v1 =	vmax.f32 v1, v59;
	v3 =	vadd.f32 v22, v40;
	v30 =	vld [tilespmem:s1+$0x310]  }
0x415: {  	v1 =	vmax.f32 v1, v57;
	v10 =	vadd.f32 v7, v4;
	v2 =	vadd.f32 v2, v0;
	v4 =	vmovc v0;
	v0 =	vld [tilespmem:$0x1FFA0]  }
0x416: {  	v1 =	vmax.f32 v1, v56;
	v31 =	vld [tilespmem:s1+$0x390]  }
0x417: {  	v51 =	vld [tilespmem:s1+$0xFFFFFC00];
	v1 =	vmax.f32 v1, v54;
	v3 =	vadd.f32 v3, v21  }
0x418: {  	v32 =	vld [tilespmem:s1+$0xFFFFFC80];
	v1 =	vmax.f32 v1, v52  }
0x419: {  	v9 =	vadd.f32 v3, v24;
	v3 =	vld [tilespmem:$0x1FA10];
	v1 =	vmax.f32 v1, v28  }
0x41a: {  	v53 =	vor.u32 s3, v6;
	[tilespmem:$0x1FA00] =	vst v4;
	v1 =	vmax.f32 v1, v30;
	v4 =	vor.u32 s3, v0;
	v0 =	vld [tilespmem:$0x1FB40]  }
0x41b: {  	v6 =	vadd.f32 v29, v41;
	v39 =	vmul.f32 v17, v60;
	v60 =	vmax.f32 v1, v31;
	v1 =	vld [tilespmem:$0x1FB50]  }
0x41c: {  	v38 =	vmov v42;
	v42 =	vld [tilespmem:$0x1FFB0]  }
0x41d: {  	v6 =	vadd.f32 v6, v27;
	(erf) = vrcp.f32 v2  }
0x41e: {  	v2 =	vsub.f32 v5, v60  }
0x41f: {  	v49 =	vld [tilespmem:s1+$0xFFFFFD00];
	v44 =	vor.u32 s3, v37;
	v41 =	vor.u32 s3, v14;
	v6 =	vadd.f32 v6, v25  }
0x420: {  	v33 =	vld [tilespmem:s1+$0xFFFFFD80];
	v3 =	vmul.f32 v17, v3;
	v8 =	vsub.f32 v8, v60;
	v40 =	vmul.f32 $1.442695020e+00, v2  }
0x421: {  	v34 =	vld [tilespmem:s1+$0xFFFFFE00];
	v11 =	vor.u32 s3, v42;
	v5 =	vmax.f32 v51, v32;
	v17 =	vsub.f32 v62, v60  }
0x422: {  	v62 =	vor.u32 s3, v15;
	v8 =	vmul.f32 $1.442695020e+00, v8;
	(erf) = vpow2.f32 v40;
	[tilespmem:v0+s17+$0x0] =	vst.idx.msk $0xffff, v3;
	v0 =	vld [tilespmem:$0x1FFD0]  }
0x423: {  	v15 =	vsub.f32 v63, v60;
	v63 =	vsub.f32 v45, v60;
	v12 =	vmul.f32 $1.442695020e+00, v17;
	v35 =	vld [tilespmem:s1+$0xFFFFFE80];
	[tilespmem:v1+s17+$0x0] =	vst.idx.msk $0xffff, v39  }
0x424: {  	v45 =	vor.u32 s3, v18;
	v14 =	vsub.f32 v43, v60;
	(erf) = vpow2.f32 v8;
	v36 =	vld [tilespmem:s1+$0xFFFFFF00]  }
0x425: {  	v58 =	vsub.f32 v58, v60;
	v8 =	vmul.f32 $1.442695020e+00, v15;
	(erf) = vpow2.f32 v12;
	v46 =	vld [tilespmem:s1+$0xFFFFFF80]  }
0x426: {  	v5 =	vmax.f32 v5, v49;
	v2 =	vor.u32 s3, v20;
	v12 =	vmul.f32 $1.442695020e+00, v63;
	v17 =	vpop (erf);
	v37 =	vld [tilespmem:s1+$0x80]  }
0x427: {  	v5 =	vmax.f32 v5, v33;
	(erf) = vpow2.f32 v8;
	v8 =	vmul.f32 v17, v10;
	v40 =	vld [tilespmem:s1+$0x100]  }
0x428: {  	[tilespmem:$0x1FA10] =	vst v38;
	v63 =	vsub.f32 v61, v60;
	v9 =	vmul.f32 v17, v9;
	v10 =	vmul.f32 $1.442695020e+00, v14;
	v38 =	vld [tilespmem:s1+$0x180]  }
0x429: {  	v5 =	vmax.f32 v5, v34;
	(erf) = vpow2.f32 v12;
	v6 =	vmul.f32 v17, v6;
	v39 =	vld [tilespmem:s1+$0x200]  }
0x42a: {  	[tilespmem:$0x1FB40] =	vst v41;
	v61 =	vsub.f32 v57, v60;
	v7 =	vmul.f32 v17, v7;
	v12 =	vmul.f32 $1.442695020e+00, v63;
	v41 =	vld [tilespmem:s1+$0x280]  }
0x42b: {  	[tilespmem:$0x1FB50] =	vst v45;
	v57 =	vsub.f32 v52, v60;
	v63 =	vmul.f32 v17, v23;
	v45 =	vld [tilespmem:s1+$0x300];
	v14 =	vpop (erf);
	(erf) = vpow2.f32 v10  }
0x42c: {  	v43 =	vld [tilespmem:s1+$0x380];
	v10 =	vmul.f32 v17, v26;
	v26 =	vmul.f32 $1.442695020e+00, v58;
	v3 =	vor.u32 s3, v0  }
0x42d: {  	v0 =	vor.u32 s3, v47;
	v47 =	vld [tilespmem:s1+$0x0];
	[tilespmem:v48+s17+$0x0] =	vst.idx.msk $0xffff, v8;
	v8 =	vsub.f32 v59, v60;
	v48 =	vpop (erf);
	(erf) = vpow2.f32 v12  }
0x42e: {  	v58 =	vadd.f32 v48, v14;
	[tilespmem:v50+s17+$0x0] =	vst.idx.msk $0xffff, v9;
	v50 =	vpop (erf);
	(erf) = vpow2.f32 v26;
	v26 =	vmul.f32 v17, v22  }
0x42f: {  	v5 =	vmax.f32 v5, v35;
	v9 =	vmul.f32 $1.442695020e+00, v61;
	v61 =	vmul.f32 v17, v29  }
0x430: {  	v5 =	vmax.f32 v5, v36;
	v8 =	vmul.f32 $1.442695020e+00, v8;
	v23 =	vadd.f32 v58, v50  }
0x431: {  	v1 =	vor.u32 s3, v13;
	[tilespmem:v55+s17+$0x0] =	vst.idx.msk $0xffff, v6;
	v6 =	vsub.f32 v56, v60;
	v55 =	vpop (erf);
	v5 =	vmax.f32 v5, v46  }
0x432: {  	[tilespmem:v53+s17+$0x0] =	vst.idx.msk $0xffff, v7;
	v7 =	vsub.f32 v54, v60;
	(erf) = vpow2.f32 v8;
	v23 =	vadd.f32 v23, v55  }
0x433: {  	v22 =	vpop (erf);
	v8 =	vmul.f32 v17, v21;
	v6 =	vmul.f32 $1.442695020e+00, v6;
	v5 =	vmax.f32 v5, v47  }
0x434: {  	[tilespmem:v44+s17+$0x0] =	vst.idx.msk $0xffff, v10;
	(erf) = vpow2.f32 v9;
	v5 =	vmax.f32 v5, v37;
	v21 =	vadd.f32 v23, v22  }
0x435: {  	v58 =	vmul.f32 v17, v24;
	v7 =	vmul.f32 $1.442695020e+00, v7;
	[tilespmem:v11+s17+$0x0] =	vst.idx.msk $0xffff, v63;
	v5 =	vmax.f32 v5, v40;
	v44 =	vpop (erf)  }
0x436: {  	[tilespmem:v4+s17+$0x0] =	vst.idx.msk $0xffff, v26;
	v5 =	vmax.f32 v5, v38;
	(erf) = vpow2.f32 v6;
	v21 =	vadd.f32 v21, v44  }
0x437: {  	v4 =	vsub.f32 v30, v60;
	v6 =	vsub.f32 v28, v60;
	v5 =	vmax.f32 v5, v39;
	v28 =	vpop (erf)  }
0x438: {  	v9 =	vmul.f32 $1.442695020e+00, v57;
	v5 =	vmax.f32 v5, v41;
	v63 =	vadd.f32 v21, v28  }
0x439: {  	v4 =	vmul.f32 $1.442695020e+00, v4;
	(erf) = vpow2.f32 v7;
	v30 =	vpop (erf);
	v5 =	vmax.f32 v5, v45  }
0x43a: {  	v6 =	vmul.f32 $1.442695020e+00, v6;
	v14 =	vmax.f32 v5, v43;
	v7 =	vadd.f32 v63, v30  }
0x43b: {  	[tilespmem:v3+s17+$0x0] =	vst.idx.msk $0xffff, v8;
	(erf) = vpow2.f32 v9;
	v3 =	vsub.f32 v51, v14;
	v51 =	vsub.f32 v31, v60;
	v31 =	vpop (erf)  }
0x43c: {  	v5 =	vmul.f32 v17, v27;
	(erf) = vpow2.f32 v6;
	v7 =	vadd.f32 v7, v31  }
0x43d: {  	[tilespmem:v0+s17+$0x0] =	vst.idx.msk $0xffff, v58;
	v6 =	vsub.f32 v49, v14;
	v0 =	vmul.f32 $1.442695020e+00, v3;
	v3 =	vsub.f32 v32, v14;
	v32 =	vpop (erf)  }
0x43e: {  	[tilespmem:v1+s17+$0x0] =	vst.idx.msk $0xffff, v61;
	v1 =	vmul.f32 $1.442695020e+00, v51;
	(erf) = vpow2.f32 v4;
	v7 =	vadd.f32 v7, v32  }
0x43f: {  	[tilespmem:v2+s17+$0x0] =	vst.idx.msk $0xffff, v5;
	v2 =	vmul.f32 $1.442695020e+00, v3;
	v3 =	vsub.f32 v33, v14;
	(erf) = vpow2.f32 v0;
	v33 =	vpop (erf)  }
0x440: {  	v0 =	vmul.f32 $1.442695020e+00, v6;
	(erf) = vpow2.f32 v1;
	v4 =	vadd.f32 v7, v33  }
0x441: {  	v1 =	vmul.f32 $1.442695020e+00, v3;
	v3 =	vsub.f32 v34, v14;
	(erf) = vpow2.f32 v2  }
0x442: {  	v13 =	vor.u32 s3, v16;
	v34 =	vpop (erf);
	v2 =	vsub.f32 v35, v14;
	(erf) = vpow2.f32 v0  }
0x443: {  	v4 =	vadd.f32 v4, v34;
	v0 =	vmul.f32 $1.442695020e+00, v3;
	v3 =	vsub.f32 v36, v14  }
0x444: {  	v35 =	vpop (erf);
	(erf) = vpow2.f32 v1;
	v1 =	vmul.f32 $1.442695020e+00, v2;
	v2 =	vsub.f32 v46, v14  }
0x445: {  	v4 =	vadd.f32 v4, v35;
	v3 =	vmul.f32 $1.442695020e+00, v3;
	(erf) = vpow2.f32 v0  }
0x446: {  	v6 =	vsub.f32 v47, v14;
	v36 =	vpop (erf);
	v0 =	vmul.f32 $1.442695020e+00, v2;
	(erf) = vpow2.f32 v1  }
0x447: {  	v2 =	vadd.f32 v4, v36;
	v4 =	vsub.f32 v37, v14;
	(erf) = vpow2.f32 v3;
	v37 =	vpop (erf)  }
0x448: {  	v1 =	vmul.f32 $1.442695020e+00, v6;
	v3 =	vsub.f32 v40, v14;
	v5 =	vpop (erf);
	(erf) = vpow2.f32 v0  }
0x449: {  	v2 =	vadd.f32 v2, v37;
	v0 =	vmul.f32 $1.442695020e+00, v4;
	v4 =	vsub.f32 v38, v14  }
0x44a: {  	(erf) = vpow2.f32 v1;
	v38 =	vpop (erf);
	v1 =	vmul.f32 $1.442695020e+00, v3;
	v3 =	vsub.f32 v39, v14  }
0x44b: {  	v53 =	vmul.f32 v17, v25;
	v39 =	vpop (erf);
	v2 =	vadd.f32 v2, v38;
	v4 =	vmul.f32 $1.442695020e+00, v4  }
0x44c: {  	v40 =	vpop (erf);
	(erf) = vpow2.f32 v0;
	v0 =	vmul.f32 $1.442695020e+00, v3;
	v3 =	vsub.f32 v41, v14  }
0x44d: {  	v5 =	vadd.f32 v39, v5;
	v41 =	vpop (erf);
	(erf) = vrcp.f32 v2;
	v2 =	vsub.f32 v45, v14  }
0x44e: {  	(erf) = vpow2.f32 v1;
	v1 =	vmul.f32 $1.442695020e+00, v3;
	v3 =	vadd.f32 v36, v22  }
0x44f: {  	v59 =	vld [tilespmem:$0x1FF10];
	v5 =	vadd.f32 v5, v40;
	v45 =	vpop (erf);
	(erf) = vpow2.f32 v4;
	v2 =	vmul.f32 $1.442695020e+00, v2  }
0x450: {  	v56 =	vld [tilespmem:$0x1FF20];
	v26 =	vpop (erf);
	(erf) = vpow2.f32 v0;
	v0 =	vadd.f32 v3, v37;
	v3 =	vadd.f32 v44, v48  }
0x451: {  	v4 =	vadd.f32 v5, v41;
	v5 =	vadd.f32 v30, v50;
	v23 =	vpop (erf);
	(erf) = vpow2.f32 v1  }
0x452: {  	v22 =	vpop (erf);
	(erf) = vpow2.f32 v2;
	v2 =	vadd.f32 v0, v38;
	v0 =	vadd.f32 v3, v28  }
0x453: {  	s25 =	sadd.s32 $0x200, s25;
	v4 =	vadd.f32 v4, v45;
	v5 =	vadd.f32 v5, v31;
	v3 =	vmul.f32 v17, v19  }
0x454: {  	[tilespmem:v62+s17+$0x0] =	vst.idx.msk $0xffff, v53;
	v6 =	vor.u32 s25, v59;
	v21 =	vpop (erf);
	v0 =	vadd.f32 v2, v0  }
0x455: {  	v7 =	vor.u32 s25, v56;
	v24 =	vpop (erf);
	[tilespmem:v13+s17+$0x0] =	vst.idx.msk $0xffff, v3;
	v3 =	vadd.f32 v4, v26;
	v4 =	vadd.f32 v5, v32;
	v5 =	vld [tilespmem:$0x1FFE0]  }
0x456: {  	v46 =	vpop (erf)  }
0x457: {  	v1 =	vadd.f32 v33, v55;
	v55 =	vadd.f32 v3, v23;
	v3 =	vld [tilespmem:$0x1FFF0];
	v54 =	vmul.f32 v46, v0  }
0x458: {  	v57 =	vsub.f32 v43, v14;
	v0 =	vld [tilespmem:$0x1FFC0];
	v4 =	vmul.f32 v46, v4  }
0x459: {  	s0 =	sadd.s32 $0x2, s0;
	v1 =	vadd.f32 v1, v34;
	v43 =	vmul.f32 v46, v2;
	v2 =	vld [tilespmem:$0x1FFA0];
	[tilespmem:v6+s17+$0x0] =	vst.idx.msk $0xffff, v54  }
0x45a: {  	p2 =	slt.u32 s0, $0x6;
	v5 =	vor.u32 s25, v5;
	[tilespmem:v7+s17+$0x0] =	vst.idx.msk $0xffff, v4;
	v4 =	vld [tilespmem:$0x1FFD0]  }
.Ltmp9:
0x45b: {  	v1 =	vadd.f32 v1, v35;
	v29 =	vpop (erf);
	(pc) =	sbr.rel @p2 .LBB2_11-.Ltmp9, $4  }
0x45c: {  	v27 =	vpop (erf)  }
0x45d: {  	v48 =	vmul.f32 $1.442695020e+00, v57;
	v58 =	vmul.f32 v46, v1;
	v1 =	vor.u32 s25, v42;
	v25 =	vpop (erf)  }
0x45e: {  	v44 =	vmul.f32 v46, v44;
	v47 =	vadd.f32 v55, v22;
	v19 =	vpop (erf);
	v3 =	vor.u32 s25, v3  }
0x45f: {  	s3 =	sadd.s32 $0xFFFFFF00, s25;
	s1 =	sadd.s32 $0x20, s1;
	v60 =	vld [tilespmem:$0x1FA00];
	v42 =	vpop (erf);
	v0 =	vor.u32 s25, v0;
	v2 =	vor.u32 s25, v2;
	[tilespmem:v5+s17+$0x0] =	vst.idx.msk $0xffff, v58;
	v4 =	vor.u32 s25, v4  }
0x460: {  	_ =	sdelay $0x3  }
0x461: {  	[tilespmem:v0+s17+$0x0] =	vst.idx.msk $0xffff, v43  }
0x462: {  	v15 =	vld [tilespmem:$0x1FF30]  }
0x463: {  	[tilespmem:v3+s17+$0x0] =	vst.idx.msk $0xffff, v44  }
0x464: {  	v16 =	vld [tilespmem:$0x1FF40];
	_ =	sdelay $0x2  }
0x465: {  	v6 =	vmul.f32 v46, v28;
	v57 =	vor.u32 s25, v15  }
0x466: {  	v8 =	vmul.f32 v46, v30  }
0x467: {  	v9 =	vmul.f32 v46, v31;
	[tilespmem:v1+s17+$0x0] =	vst.idx.msk $0xffff, v6;
	v58 =	vor.u32 s25, v16  }
0x468: {  	v10 =	vmul.f32 v46, v32;
	v18 =	vld [tilespmem:$0x1FF50];
	[tilespmem:v2+s17+$0x0] =	vst.idx.msk $0xffff, v8  }
0x469: {  	v20 =	vld [tilespmem:$0x1FF60];
	[tilespmem:v4+s17+$0x0] =	vst.idx.msk $0xffff, v9  }
0x46a: {  	v32 =	vmul.f32 v46, v33;
	v28 =	vld [tilespmem:$0x1FF70];
	[tilespmem:v57+s17+$0x0] =	vst.idx.msk $0xffff, v10  }
0x46b: {  	v14 =	vld [tilespmem:$0x1FF80]  }
0x46c: {  	[tilespmem:v58+s17+$0x0] =	vst.idx.msk $0xffff, v32  }
0x46d: {  	v61 =	vor.u32 s25, v18;
	v30 =	vld [tilespmem:$0x1FF90]  }
0x46e: {  	v5 =	vadd.f32 v47, v21;
	v63 =	vor.u32 s25, v20  }
0x46f: {  	v33 =	vor.u32 s25, v28  }
0x470: {  	v43 =	vmul.f32 v46, v34;
	v5 =	vadd.f32 v5, v24;
	v44 =	vor.u32 s25, v14  }
0x471: {  	(erf) = vpow2.f32 v48;
	v62 =	vadd.f32 v19, v45;
	v45 =	vmul.f32 v46, v35  }
0x472: {  	v47 =	vmul.f32 v46, v36;
	v5 =	vadd.f32 v5, v29;
	[tilespmem:v61+s17+$0x0] =	vst.idx.msk $0xffff, v43;
	v48 =	vor.u32 s25, v30  }
0x473: {  	v49 =	vmul.f32 v46, v37;
	[tilespmem:v63+s17+$0x0] =	vst.idx.msk $0xffff, v45  }
0x474: {  	v5 =	vadd.f32 v5, v27;
	[tilespmem:v33+s17+$0x0] =	vst.idx.msk $0xffff, v47  }
0x475: {  	v58 =	vmul.f32 v46, v38;
	[tilespmem:v44+s17+$0x0] =	vst.idx.msk $0xffff, v49  }
0x476: {  	v5 =	vadd.f32 v5, v25;
	v31 =	vld [tilespmem:$0x1FA10]  }
0x477: {  	v45 =	vld [tilespmem:$0x1FFE0];
	[tilespmem:v48+s17+$0x0] =	vst.idx.msk $0xffff, v58  }
0x478: {  	v5 =	vadd.f32 v5, v19;
	v12 =	vld [tilespmem:$0x1FB40];
	_ =	sdelay $0x1  }
0x479: {  	v5 =	vadd.f32 v5, v42  }
0x47a: {  	v7 =	vpop (erf)  }
0x47b: {  	v5 =	vadd.f32 v5, v7;
	_ =	sdelay $0x1  }
0x47c: {  	(erf) = vrcp.f32 v5;
	v4 =	vmul.f32 v17, v31;
	_ =	sdelay $0x1  }
0x47d: {  	v51 =	vadd.f32 v29, v41;
	v41 =	vld [tilespmem:$0x1FFC0];
	[tilespmem:v12+s17+$0x0] =	vst.idx.msk $0xffff, v4  }
0x47e: {  	v13 =	vld [tilespmem:$0x1FB50]  }
0x47f: {  	v50 =	vadd.f32 v26, v39;
	v6 =	vadd.f32 v62, v42  }
0x480: {  	v52 =	vadd.f32 v22, v40  }
0x481: {  	v55 =	vadd.f32 v50, v23;
	v54 =	vadd.f32 v6, v7  }
0x482: {  	v53 =	vor.u32 s3, v59;
	v61 =	vadd.f32 v52, v21  }
0x483: {  	v57 =	vor.u32 s3, v56;
	v63 =	vadd.f32 v54, v55  }
0x484: {  	v0 =	vadd.f32 v61, v24;
	v33 =	vmul.f32 v17, v60;
	v34 =	vpop (erf)  }
0x485: {  	v2 =	vmul.f32 v34, v63  }
0x486: {  	v0 =	vmul.f32 v34, v0;
	v12 =	vld [tilespmem:$0x1FFF0];
	[tilespmem:v13+s17+$0x0] =	vst.idx.msk $0xffff, v33  }
0x487: {  	v13 =	vld [tilespmem:$0x1FFB0];
	[tilespmem:v53+s17+$0x0] =	vst.idx.msk $0xffff, v2  }
0x488: {  	v62 =	vadd.f32 v51, v27;
	v40 =	vld [tilespmem:$0x1FFA0];
	[tilespmem:v57+s17+$0x0] =	vst.idx.msk $0xffff, v0  }
0x489: {  	v32 =	vor.u32 s3, v45;
	v46 =	vld [tilespmem:$0x1FFD0]  }
0x48a: {  	v1 =	vadd.f32 v62, v25;
	v11 =	vor.u32 s3, v41  }
0x48b: {  	v35 =	vor.u32 s3, v12  }
0x48c: {  	v1 =	vmul.f32 v34, v1;
	v36 =	vor.u32 s3, v13  }
0x48d: {  	v3 =	vmul.f32 v34, v54;
	v37 =	vor.u32 s3, v40  }
0x48e: {  	v39 =	vmul.f32 v34, v26;
	[tilespmem:v32+s17+$0x0] =	vst.idx.msk $0xffff, v1;
	v38 =	vor.u32 s3, v46  }
0x48f: {  	v43 =	vor.u32 s3, v15;
	v44 =	vmul.f32 v34, v23;
	[tilespmem:v11+s17+$0x0] =	vst.idx.msk $0xffff, v3  }
0x490: {  	v47 =	vor.u32 s3, v16;
	v48 =	vmul.f32 v34, v22;
	[tilespmem:v35+s17+$0x0] =	vst.idx.msk $0xffff, v39  }
0x491: {  	v49 =	vor.u32 s3, v18;
	v50 =	vmul.f32 v34, v21;
	[tilespmem:v36+s17+$0x0] =	vst.idx.msk $0xffff, v44  }
0x492: {  	v51 =	vor.u32 s3, v20;
	v52 =	vmul.f32 v34, v24;
	[tilespmem:v37+s17+$0x0] =	vst.idx.msk $0xffff, v48  }
0x493: {  	v54 =	vmul.f32 v34, v29;
	v53 =	vor.u32 s3, v28;
	[tilespmem:v38+s17+$0x0] =	vst.idx.msk $0xffff, v50  }
0x494: {  	v55 =	vor.u32 s3, v14;
	v57 =	vmul.f32 v34, v27;
	[tilespmem:v43+s17+$0x0] =	vst.idx.msk $0xffff, v52  }
0x495: {  	v58 =	vor.u32 s3, v30;
	v60 =	vmul.f32 v34, v25;
	[tilespmem:v47+s17+$0x0] =	vst.idx.msk $0xffff, v54  }
0x496: {  	v61 =	vmul.f32 v34, v19;
	[tilespmem:v49+s17+$0x0] =	vst.idx.msk $0xffff, v57  }
0x497: {  	v62 =	vmul.f32 v34, v42;
	[tilespmem:v51+s17+$0x0] =	vst.idx.msk $0xffff, v60  }
0x498: {  	v63 =	vmul.f32 v34, v7;
	[tilespmem:v53+s17+$0x0] =	vst.idx.msk $0xffff, v61  }
0x499: {  	[tilespmem:v55+s17+$0x0] =	vst.idx.msk $0xffff, v62  }
0x49a: {  	[tilespmem:v58+s17+$0x0] =	vst.idx.msk $0xffff, v63  }
0x49b: {  	s0 =	rddreg [dreg:$0x7]  }
0x49c: {  	[hbm4b:s0+s5] =	stream.linear.scatter [tilespmem:s17], [sflag:$0x3], $0x800, $0x38;
	[tilespmem:$0x9000] =	vst v63  }
0x49d: {  	_ =	swait.ge [sflag:s9], $0x800  }
0x49e: {  	[sflag:s9] =	ssyncset.done $0x0  }
0x49f: {  	v42 =	vmov v12;
	[sflag:s9] =	ssyncadd.s32 $0xFFFFF800  }
.LBB2_13:
0x4a0: {  	v14 =	vld [tilespmem:$0x1FF30]  }
0x4a1: {  	v38 =	vld [tilespmem:$0x1FF40]  }
.Ltmp10:
0x4a2: {  	v39 =	vld [tilespmem:$0x1FF50];
	(pc) =	sbr.rel @p1 .LBB2_17-.Ltmp10, $4  }
0x4a3: {  	v43 =	vld [tilespmem:$0x1FF60]  }
0x4a4: {  	v44 =	vld [tilespmem:$0x1FF70]  }
0x4a5: {  	v47 =	vld [tilespmem:$0x1FF80]  }
0x4a6: {  	v48 =	vld [tilespmem:$0x1FF90];
	s3 =	rddreg [dreg:$0xa]  }
0x4a7: {  	s0 =	simm.s32 $0x0;
	s1 =	rddreg [dreg:$0x1];
	s2 =	simm.s32 $0x8000  }
0x4a8: {  	[tilespmem:s2], [sflag:$0x3] =	stream.linear.gather [hbm4b:s1+s0], $0x800, $0x38;
	[tilespmem:$0x9000] =	vst v63  }
0x4a9: {  	_ =	swait.ge [sflag:s9], $0x800  }
0x4aa: {  	[sflag:s9] =	ssyncset.done $0x0  }
0x4ab: {  	p2 =	por $0x1, $0x1;
	[sflag:s9] =	ssyncadd.s32 $0xFFFFF800  }
.LBB2_15:
0x4ac: {  	s1 =	sshll.u32 s0, $0x4  }
0x4ad: {  	v0 =	vld [tilespmem:s1+$0x8000]  }
0x4ae: {  	v1 =	vld [tilespmem:s1+$0x8080]  }
0x4af: {  	v2 =	vld [tilespmem:s1+$0x8100]  }
0x4b0: {  	v3 =	vld [tilespmem:s1+$0x8180]  }
0x4b1: {  	v4 =	vld [tilespmem:s1+$0x8200]  }
0x4b2: {  	v5 =	vld [tilespmem:s1+$0x8280]  }
0x4b3: {  	v6 =	vld [tilespmem:s1+$0x8300];
	v7 =	vmax.f32 v0, v1  }
0x4b4: {  	v8 =	vld [tilespmem:s1+$0x8380];
	v7 =	vmax.f32 v7, v2  }
0x4b5: {  	v9 =	vld [tilespmem:s1+$0x8400];
	v7 =	vmax.f32 v7, v3  }
0x4b6: {  	v10 =	vld [tilespmem:s1+$0x8480];
	v7 =	vmax.f32 v7, v4  }
0x4b7: {  	v11 =	vld [tilespmem:s1+$0x8500];
	v7 =	vmax.f32 v7, v5  }
0x4b8: {  	v12 =	vld [tilespmem:s1+$0x8580];
	v7 =	vmax.f32 v7, v6  }
0x4b9: {  	v16 =	vld [tilespmem:s1+$0x8600];
	v7 =	vmax.f32 v7, v8  }
0x4ba: {  	v18 =	vld [tilespmem:s1+$0x8680];
	v7 =	vmax.f32 v7, v9  }
0x4bb: {  	v21 =	vld [tilespmem:s1+$0x8700];
	v7 =	vmax.f32 v7, v10  }
0x4bc: {  	v22 =	vld [tilespmem:s1+$0x8780];
	v7 =	vmax.f32 v7, v11  }
0x4bd: {  	v7 =	vmax.f32 v7, v12  }
0x4be: {  	v7 =	vmax.f32 v7, v16  }
0x4bf: {  	v7 =	vmax.f32 v7, v18  }
0x4c0: {  	v7 =	vmax.f32 v7, v21  }
0x4c1: {  	v7 =	vmax.f32 v7, v22  }
0x4c2: {  	v0 =	vsub.f32 v0, v7  }
0x4c3: {  	v1 =	vsub.f32 v1, v7  }
0x4c4: {  	v0 =	vmul.f32 $1.442695020e+00, v0  }
0x4c5: {  	v2 =	vsub.f32 v2, v7;
	v1 =	vmul.f32 $1.442695020e+00, v1  }
0x4c6: {  	(erf) = vpow2.f32 v0  }
0x4c7: {  	v23 =	vsub.f32 v3, v7;
	v20 =	vmul.f32 $1.442695020e+00, v2;
	(erf) = vpow2.f32 v1;
	_ =	sdelay $0x1  }
0x4c8: {  	v25 =	vsub.f32 v4, v7;
	v24 =	vmul.f32 $1.442695020e+00, v23;
	(erf) = vpow2.f32 v20;
	_ =	sdelay $0x1  }
0x4c9: {  	v27 =	vsub.f32 v5, v7;
	v26 =	vmul.f32 $1.442695020e+00, v25;
	(erf) = vpow2.f32 v24;
	_ =	sdelay $0x1  }
0x4ca: {  	v29 =	vsub.f32 v6, v7;
	v28 =	vmul.f32 $1.442695020e+00, v27;
	(erf) = vpow2.f32 v26;
	_ =	sdelay $0x1  }
0x4cb: {  	v30 =	vsub.f32 v8, v7;
	v32 =	vmul.f32 $1.442695020e+00, v29;
	(erf) = vpow2.f32 v28;
	v31 =	vpop (erf)  }
0x4cc: {  	v34 =	vsub.f32 v9, v7;
	v17 =	vpop (erf)  }
0x4cd: {  	v33 =	vmul.f32 $1.442695020e+00, v30;
	(erf) = vpow2.f32 v32;
	v35 =	vadd.f32 v17, v31  }
0x4ce: {  	v36 =	vsub.f32 v10, v7;
	v19 =	vpop (erf)  }
0x4cf: {  	v0 =	vmul.f32 $1.442695020e+00, v34;
	(erf) = vpow2.f32 v33;
	v2 =	vadd.f32 v35, v19  }
0x4d0: {  	v20 =	vpop (erf)  }
0x4d1: {  	s29 =	sor.u32 $0x1, s0;
	v49 =	vmul.f32 $1.442695020e+00, v36;
	(erf) = vpow2.f32 v0;
	v50 =	vadd.f32 v2, v20  }
0x4d2: {  	s2 =	sshll.u32 s29, $0x4;
	v37 =	vsub.f32 v11, v7;
	v26 =	vpop (erf)  }
0x4d3: {  	v3 =	vld [tilespmem:s2+$0x8000];
	(erf) = vpow2.f32 v49;
	v1 =	vadd.f32 v50, v26  }
0x4d4: {  	v52 =	vsub.f32 v12, v7;
	v4 =	vld [tilespmem:s2+$0x8080];
	v51 =	vmul.f32 $1.442695020e+00, v37;
	v15 =	vpop (erf)  }
0x4d5: {  	v54 =	vld [tilespmem:s2+$0x8100];
	v1 =	vadd.f32 v1, v15  }
0x4d6: {  	v57 =	vld [tilespmem:s2+$0x8180];
	v53 =	vsub.f32 v16, v7;
	v0 =	vmul.f32 $1.442695020e+00, v52;
	(erf) = vpow2.f32 v51;
	v16 =	vpop (erf)  }
0x4d7: {  	v60 =	vld [tilespmem:s2+$0x8200];
	v1 =	vadd.f32 v1, v16  }
0x4d8: {  	v63 =	vld [tilespmem:s2+$0x8280];
	v55 =	vsub.f32 v18, v7;
	v58 =	vmul.f32 $1.442695020e+00, v53;
	(erf) = vpow2.f32 v0;
	v18 =	vpop (erf)  }
0x4d9: {  	v36 =	vld [tilespmem:s2+$0x8300];
	v37 =	vmax.f32 v3, v4;
	v35 =	vadd.f32 v1, v18  }
0x4da: {  	v62 =	vsub.f32 v21, v7;
	v50 =	vld [tilespmem:s2+$0x8380];
	(erf) = vpow2.f32 v58;
	v21 =	vpop (erf);
	v1 =	vmax.f32 v37, v54  }
0x4db: {  	v12 =	vld [tilespmem:s2+$0x8400];
	v61 =	vmul.f32 $1.442695020e+00, v55;
	v1 =	vmax.f32 v1, v57;
	v0 =	vadd.f32 v35, v21  }
0x4dc: {  	v7 =	vsub.f32 v22, v7;
	v49 =	vmul.f32 $1.442695020e+00, v62;
	v22 =	vpop (erf);
	v1 =	vmax.f32 v1, v60  }
0x4dd: {  	v27 =	vld [tilespmem:s2+$0x8480];
	(erf) = vpow2.f32 v61;
	v1 =	vmax.f32 v1, v63;
	v0 =	vadd.f32 v0, v22  }
0x4de: {  	v52 =	vld [tilespmem:s2+$0x8500];
	v1 =	vmax.f32 v1, v36  }
0x4df: {  	v28 =	vld [tilespmem:s2+$0x8580];
	v51 =	vmul.f32 $1.442695020e+00, v7;
	(erf) = vpow2.f32 v49;
	v24 =	vpop (erf);
	v1 =	vmax.f32 v1, v50  }
0x4e0: {  	v29 =	vld [tilespmem:s2+$0x8600];
	v53 =	vadd.f32 v0, v24;
	v1 =	vmax.f32 v1, v12  }
0x4e1: {  	v30 =	vld [tilespmem:s2+$0x8680];
	(erf) = vpow2.f32 v51;
	v0 =	vpop (erf)  }
0x4e2: {  	v31 =	vld [tilespmem:s2+$0x8700];
	v23 =	vmax.f32 v1, v27;
	v2 =	vadd.f32 v53, v0  }
0x4e3: {  	v23 =	vmax.f32 v23, v52;
	v1 =	vpop (erf)  }
0x4e4: {  	v32 =	vld [tilespmem:s2+$0x8780];
	v23 =	vmax.f32 v23, v28;
	v25 =	vadd.f32 v2, v1  }
0x4e5: {  	v23 =	vmax.f32 v23, v29  }
0x4e6: {  	v23 =	vmax.f32 v23, v30;
	v2 =	vpop (erf)  }
0x4e7: {  	v23 =	vmax.f32 v23, v31;
	v33 =	vadd.f32 v25, v2  }
0x4e8: {  	v25 =	vpop (erf)  }
0x4e9: {  	v34 =	vmax.f32 v23, v32;
	v33 =	vadd.f32 v33, v25  }
0x4ea: {  	v3 =	vsub.f32 v3, v34;
	v23 =	vpop (erf)  }
0x4eb: {  	v4 =	vsub.f32 v4, v34;
	v33 =	vadd.f32 v33, v23  }
0x4ec: {  	v3 =	vmul.f32 $1.442695020e+00, v3  }
0x4ed: {  	v5 =	vsub.f32 v54, v34;
	v4 =	vmul.f32 $1.442695020e+00, v4;
	(erf) = vrcp.f32 v33  }
0x4ee: {  	(erf) = vpow2.f32 v3  }
0x4ef: {  	v54 =	vmul.f32 $1.442695020e+00, v5;
	(erf) = vpow2.f32 v4  }
0x4f0: {  	v55 =	vsub.f32 v57, v34  }
0x4f1: {  	(erf) = vpow2.f32 v54  }
0x4f2: {  	v58 =	vsub.f32 v60, v34;
	v57 =	vmul.f32 $1.442695020e+00, v55;
	_ =	sdelay $0x1  }
0x4f3: {  	v61 =	vsub.f32 v63, v34;
	v60 =	vmul.f32 $1.442695020e+00, v58;
	(erf) = vpow2.f32 v57;
	_ =	sdelay $0x1  }
0x4f4: {  	v62 =	vsub.f32 v36, v34;
	v4 =	vmul.f32 $1.442695020e+00, v61;
	(erf) = vpow2.f32 v60;
	v3 =	vpop (erf)  }
0x4f5: {  	v63 =	vpop (erf)  }
0x4f6: {  	v6 =	vsub.f32 v50, v34;
	v33 =	vmul.f32 $1.442695020e+00, v62;
	(erf) = vpow2.f32 v4;
	v5 =	vpop (erf)  }
0x4f7: {  	v8 =	vadd.f32 v5, v63  }
0x4f8: {  	v35 =	vsub.f32 v12, v34;
	v6 =	vmul.f32 $1.442695020e+00, v6;
	(erf) = vpow2.f32 v33;
	v9 =	vpop (erf)  }
0x4f9: {  	v8 =	vadd.f32 v8, v9  }
0x4fa: {  	v36 =	vsub.f32 v27, v34;
	v4 =	vmul.f32 $1.442695020e+00, v35;
	(erf) = vpow2.f32 v6  }
0x4fb: {  	v10 =	vpop (erf)  }
0x4fc: {  	v37 =	vmul.f32 $1.442695020e+00, v36;
	(erf) = vpow2.f32 v4;
	v49 =	vadd.f32 v8, v10  }
0x4fd: {  	v7 =	vsub.f32 v52, v34;
	v8 =	vpop (erf)  }
0x4fe: {  	(erf) = vpow2.f32 v37;
	v6 =	vadd.f32 v49, v8  }
0x4ff: {  	v50 =	vsub.f32 v28, v34;
	v7 =	vmul.f32 $1.442695020e+00, v7;
	v11 =	vpop (erf)  }
0x500: {  	v6 =	vadd.f32 v6, v11  }
0x501: {  	v51 =	vsub.f32 v29, v34;
	v4 =	vmul.f32 $1.442695020e+00, v50;
	(erf) = vpow2.f32 v7;
	v12 =	vpop (erf)  }
0x502: {  	v6 =	vadd.f32 v6, v12  }
0x503: {  	v52 =	vsub.f32 v30, v34;
	v53 =	vmul.f32 $1.442695020e+00, v51;
	(erf) = vpow2.f32 v4;
	v7 =	vpop (erf)  }
0x504: {  	v6 =	vadd.f32 v6, v7  }
0x505: {  	v27 =	vmul.f32 $1.442695020e+00, v52;
	v54 =	vsub.f32 v31, v34;
	(erf) = vpow2.f32 v53;
	v28 =	vpop (erf)  }
0x506: {  	v6 =	vadd.f32 v6, v28  }
0x507: {  	v55 =	vsub.f32 v32, v34;
	v4 =	vmul.f32 $1.442695020e+00, v54;
	(erf) = vpow2.f32 v27;
	v29 =	vpop (erf)  }
0x508: {  	v17 =	vadd.f32 v15, v17;
	v6 =	vadd.f32 v6, v29  }
0x509: {  	v26 =	vadd.f32 v2, v26;
	v57 =	vmul.f32 $1.442695020e+00, v55;
	(erf) = vpow2.f32 v4  }
0x50a: {  	v17 =	vadd.f32 v17, v16;
	v27 =	vpop (erf)  }
0x50b: {  	v26 =	vadd.f32 v26, v25;
	(erf) = vpow2.f32 v57;
	v58 =	vadd.f32 v6, v27  }
0x50c: {  	v19 =	vadd.f32 v18, v19;
	v20 =	vadd.f32 v24, v20;
	v6 =	vpop (erf)  }
0x50d: {  	s30 =	sshll.u32 s0, $0x8;
	v26 =	vadd.f32 v26, v23;
	v4 =	vadd.f32 v58, v6  }
0x50e: {  	v19 =	vadd.f32 v19, v21;
	v20 =	vadd.f32 v20, v0;
	v60 =	vor.u32 s30, v59;
	v30 =	vpop (erf)  }
0x50f: {  	v17 =	vadd.f32 v26, v17;
	v61 =	vor.u32 s30, v56;
	v4 =	vadd.f32 v4, v30  }
0x510: {  	v19 =	vadd.f32 v19, v22;
	v20 =	vadd.f32 v20, v1;
	v62 =	vor.u32 s30, v45;
	v32 =	vpop (erf)  }
0x511: {  	v36 =	vor.u32 s30, v41;
	v17 =	vmul.f32 v3, v17;
	v4 =	vadd.f32 v4, v32  }
0x512: {  	v19 =	vmul.f32 v3, v19;
	v37 =	vor.u32 s30, v42;
	v35 =	vpop (erf)  }
0x513: {  	v20 =	vmul.f32 v3, v20;
	[tilespmem:v60+s17+$0x0] =	vst.idx.msk $0xffff, v17;
	v63 =	vor.u32 s30, v13;
	v4 =	vadd.f32 v4, v35  }
0x514: {  	v26 =	vmul.f32 v3, v26;
	v33 =	vor.u32 s30, v40;
	[tilespmem:v61+s17+$0x0] =	vst.idx.msk $0xffff, v19;
	v31 =	vpop (erf)  }
0x515: {  	v34 =	vor.u32 s30, v46;
	v15 =	vmul.f32 v3, v15;
	[tilespmem:v62+s17+$0x0] =	vst.idx.msk $0xffff, v20;
	v4 =	vadd.f32 v4, v31  }
0x516: {  	v16 =	vmul.f32 v3, v16;
	v18 =	vmul.f32 v3, v18;
	[tilespmem:v36+s17+$0x0] =	vst.idx.msk $0xffff, v26;
	v49 =	vor.u32 s30, v14  }
0x517: {  	v21 =	vmul.f32 v3, v21;
	v50 =	vor.u32 s30, v38;
	[tilespmem:v37+s17+$0x0] =	vst.idx.msk $0xffff, v15;
	(erf) = vrcp.f32 v4  }
0x518: {  	v52 =	vor.u32 s30, v39;
	v51 =	vmul.f32 v3, v24;
	v0 =	vmul.f32 v3, v0;
	[tilespmem:v63+s17+$0x0] =	vst.idx.msk $0xffff, v16  }
0x519: {  	v15 =	vmul.f32 v3, v22;
	[tilespmem:v33+s17+$0x0] =	vst.idx.msk $0xffff, v18;
	v53 =	vor.u32 s30, v43;
	v8 =	vadd.f32 v32, v8  }
0x51a: {  	v5 =	vadd.f32 v11, v5;
	[tilespmem:v34+s17+$0x0] =	vst.idx.msk $0xffff, v21;
	v9 =	vadd.f32 v7, v9  }
0x51b: {  	v1 =	vmul.f32 v3, v1;
	v54 =	vor.u32 s30, v44;
	[tilespmem:v49+s17+$0x0] =	vst.idx.msk $0xffff, v15;
	v8 =	vadd.f32 v8, v35  }
0x51c: {  	v55 =	vor.u32 s30, v47;
	v5 =	vadd.f32 v5, v12;
	v9 =	vadd.f32 v9, v28;
	[tilespmem:v50+s17+$0x0] =	vst.idx.msk $0xffff, v51  }
0x51d: {  	s31 =	sshll.u32 s29, $0x8;
	v15 =	vor.u32 s30, v48;
	[tilespmem:v52+s17+$0x0] =	vst.idx.msk $0xffff, v0;
	v10 =	vadd.f32 v27, v10;
	v8 =	vadd.f32 v8, v31  }
0x51e: {  	v2 =	vmul.f32 v3, v2;
	v61 =	vor.u32 s31, v56;
	[tilespmem:v53+s17+$0x0] =	vst.idx.msk $0xffff, v1;
	v58 =	vor.u32 s31, v59  }
0x51f: {  	v57 =	vmul.f32 v3, v25;
	v60 =	vadd.f32 v10, v6;
	v5 =	vadd.f32 v8, v5  }
0x520: {  	v63 =	vor.u32 s31, v45;
	v62 =	vadd.f32 v9, v29;
	v3 =	vmul.f32 v3, v23;
	[tilespmem:v54+s17+$0x0] =	vst.idx.msk $0xffff, v2;
	v9 =	vpop (erf)  }
0x521: {  	v22 =	vor.u32 s31, v41;
	[tilespmem:v55+s17+$0x0] =	vst.idx.msk $0xffff, v57;
	v20 =	vadd.f32 v60, v30;
	v21 =	vmul.f32 v9, v5  }
0x522: {  	v23 =	vor.u32 s31, v42;
	[tilespmem:v15+s17+$0x0] =	vst.idx.msk $0xffff, v3;
	v2 =	vmul.f32 v9, v62  }
0x523: {  	v24 =	vor.u32 s31, v13;
	v0 =	vmul.f32 v9, v20;
	[tilespmem:v58+s17+$0x0] =	vst.idx.msk $0xffff, v21  }
0x524: {  	v26 =	vor.u32 s31, v40;
	v25 =	vmul.f32 v9, v8;
	[tilespmem:v61+s17+$0x0] =	vst.idx.msk $0xffff, v2  }
0x525: {  	v34 =	vor.u32 s31, v46;
	v33 =	vmul.f32 v9, v11;
	[tilespmem:v63+s17+$0x0] =	vst.idx.msk $0xffff, v0  }
0x526: {  	v37 =	vor.u32 s31, v14;
	v36 =	vmul.f32 v9, v12;
	[tilespmem:v22+s17+$0x0] =	vst.idx.msk $0xffff, v25  }
0x527: {  	v49 =	vor.u32 s31, v38;
	v7 =	vmul.f32 v9, v7;
	[tilespmem:v23+s17+$0x0] =	vst.idx.msk $0xffff, v33  }
0x528: {  	v51 =	vor.u32 s31, v39;
	v50 =	vmul.f32 v9, v28;
	[tilespmem:v24+s17+$0x0] =	vst.idx.msk $0xffff, v36  }
0x529: {  	v53 =	vor.u32 s31, v43;
	v52 =	vmul.f32 v9, v29;
	[tilespmem:v26+s17+$0x0] =	vst.idx.msk $0xffff, v7  }
0x52a: {  	v55 =	vor.u32 s31, v44;
	v54 =	vmul.f32 v9, v27;
	[tilespmem:v34+s17+$0x0] =	vst.idx.msk $0xffff, v50  }
0x52b: {  	v57 =	vor.u32 s31, v47;
	v6 =	vmul.f32 v9, v6;
	[tilespmem:v37+s17+$0x0] =	vst.idx.msk $0xffff, v52  }
0x52c: {  	p3 =	por p2, p2;
	v60 =	vor.u32 s31, v48;
	v58 =	vmul.f32 v9, v30;
	[tilespmem:v49+s17+$0x0] =	vst.idx.msk $0xffff, v54  }
.Ltmp11:
0x52d: {  	v61 =	vmul.f32 v9, v32;
	[tilespmem:v51+s17+$0x0] =	vst.idx.msk $0xffff, v6;
	(pc) =	sbr.rel @p3 .LBB2_15-.Ltmp11, $4  }
0x52e: {  	v62 =	vmul.f32 v9, v35;
	[tilespmem:v53+s17+$0x0] =	vst.idx.msk $0xffff, v58  }
0x52f: {  	v63 =	vmul.f32 v9, v31;
	[tilespmem:v55+s17+$0x0] =	vst.idx.msk $0xffff, v61  }
0x530: {  	[tilespmem:v57+s17+$0x0] =	vst.idx.msk $0xffff, v62  }
0x531: {  	s0 =	simm.s32 $0x2;
	p2 =	por $0x0, $0x0;
	[tilespmem:v60+s17+$0x0] =	vst.idx.msk $0xffff, v63  }
0x532: {  	s0 =	rddreg [dreg:$0x8]  }
0x533: {  	[hbm4b:s0+s5] =	stream.linear.scatter [tilespmem:s17], [sflag:$0x3], $0x400, $0x38;
	[tilespmem:$0x9000] =	vst v63  }
.Ltmp12:
0x534: {  	_ = 	snop;
	(pc) =	sbr.rel .LBB2_17-.Ltmp12, $4  }
0x535: {  	_ =	swait.ge [sflag:s9], $0x400  }
0x536: {  	[sflag:s9] =	ssyncset.done $0x0  }
0x537: {  	[sflag:s9] =	ssyncadd.s32 $0xFFFFFC00  }
0x538: {  	s2 =	rddreg [dreg:$0x0]  }
.LBB2_18:
0x539: {  	_ =	sfence.sel $0x180000  }
0x53a: {  	[bflag:$0x0] =	sbarrier.arrive $0xFFFF  }
0x53b: {  	_ =	strace $0x90000047  }
0x53c: {  	s0 =	stileid.u32;
	[bflag:$0x2] =	sbarrier.arrive $0xFFFF  }
0x53d: {  	p0 =	sne.s32 s0, $0x0;
	s0 =	rddreg [dreg:$0x3]  }
0x53e: {  	s0 =	sadd.s32 @!p0 $0x100000, s0  }
0x53f: {  	[sflag:s0] =	ssyncadd.tile.s32 @!p0 $0x1;
	_ =	shalt  }
.Lfunc_end2:
_tile_overlayer_lowered:
.L_overlay_start_2:
0x540: {  	(tag) =	ssettag $0x2  }
0x541: {  	s0 =	rddreg [dreg:$0x0];
	s2 =	stileid.u32  }
0x542: {  	s1 =	rddreg [dreg:$0x1];
	p0 =	sne.s32 s2, $0x0  }
0x543: {  	s3 =	rddreg [dreg:$0x2];
	[bflag:$0x3] =	sbarrier.arrive $0xFFFF;
	s2 =	simm.s32 @!p0 $0x1C03  }
0x544: {  	[timem:s3], [sflag:s2] =	dma.local @!p0 [hbm:s0], s1  }
0x545: {  	s0 =	simm.s32 @!p0 $0x3  }
0x546: {  	_ =	swait.ge @!p0 [sflag:s0], s1  }
0x547: {  	s1 =	ssub.s32 @!p0 $0x0, s1;
	[sflag:s0] =	ssyncset.done @!p0 $0x0  }
0x548: {  	[sflag:s0] =	ssyncadd.s32 @!p0 s1  }
0x549: {  	[bflag:$0x3] =	sbarrier.arrive $0xFFFF  }
0x54a: {  	_ =	shalt  }

</sc_bundles>
